<compile_context>
chip_gen: v7x
topology: tpu7x:2x2x1
jax: 0.10.2.dev20260603
libtpu: 0.0.44.dev20260713+nightly
codegen_flags: <defaults>
</compile_context>

<pallas_src>
import functools

import jax
import jax.numpy as jnp
from jax import lax
from jax.experimental import pallas as pl
from jax.experimental.pallas import tpu as pltpu
from jax.experimental.pallas import tpu_sc as plsc

EMBED_DIM = 384
SUB = EMBED_DIM // 3
B, N = 16, 2048
HALF = N // 2
ROWS = 256
T = N // ROWS
L = 16
CHUNKS = N // L
K3 = 3
CAND = K3 * L

_mesh = plsc.VectorSubcoreMesh(core_axis_name="c", subcore_axis_name="s")


@functools.partial(
    pl.kernel,
    out_type=jax.ShapeDtypeStruct((B, 2, HALF * CAND), jnp.float32),
    mesh=_mesh,
    scratch_types=[
        pltpu.VMEM((N,), jnp.float32),
        pltpu.VMEM((N,), jnp.float32),
        pltpu.VMEM((N,), jnp.float32),
        pltpu.VMEM((N,), jnp.float32),
        pltpu.VMEM((HALF * CAND,), jnp.float32),
    ],
)
def _knn_sc(xr_hbm, yr_hbm, zr_hbm, x2_hbm, out_hbm,
            xr_v, yr_v, zr_v, x2_v, om_v):
    half = lax.axis_index("c")
    batch = lax.axis_index("s")

    pltpu.sync_copy(xr_hbm.at[batch], xr_v)
    pltpu.sync_copy(yr_hbm.at[batch], yr_v)
    pltpu.sync_copy(zr_hbm.at[batch], zr_v)
    pltpu.sync_copy(x2_hbm.at[batch], x2_v)

    iota = lax.broadcasted_iota(jnp.int32, (L,), 0)
    inf_v = jnp.full((L,), jnp.inf, jnp.float32)
    rowbase = half * HALF

    R = 4

    def multi_proc(r_loc, cs, rr, qs):
        bs = [[jnp.full((L,), -2.0 * q, jnp.float32) for q in t] for t in qs]

        def insert(t, m1, m2, m3):
            lo = jnp.minimum(m1, t)
            hi = jnp.maximum(m1, t)
            lo2 = jnp.minimum(m2, hi)
            hi2 = jnp.maximum(m2, hi)
            return lo, lo2, jnp.minimum(m3, hi2)

        def chunk_all(ci, carry, masked):
            sl = pl.ds(ci * L, L)
            vx, vy, vz, v2 = xr_v[sl], yr_v[sl], zr_v[sl], x2_v[sl]
            out = []
            for i in range(R):
                b = bs[i]
                t = v2 + ((vx * b[0] + vy * b[1]) + vz * b[2])
                if masked:
                    t = jnp.where(iota == rr + i, inf_v, t)
                out.extend(insert(t, *carry[3 * i:3 * i + 3]))
            return tuple(out)

        def cbody(ci, carry):
            return chunk_all(ci, carry, False)

        m = lax.fori_loop(0, cs, cbody, (inf_v,) * (3 * R))
        m = chunk_all(cs, m, True)
        m = lax.fori_loop(cs + 1, CHUNKS, cbody, m)
        for i in range(R):
            off = (r_loc + i) * CAND
            for k in range(K3):
                om_v[pl.ds(off + k * L, L)] = m[3 * i + k]

    def gbody(g, _):
        lb = g * L
        sl = pl.ds(rowbase + lb, L)
        vxr, vyr, vzr = xr_v[sl], yr_v[sl], zr_v[sl]
        cs = half * (HALF // L) + g
        for rr in range(0, L, R):
            multi_proc(lb + rr, cs, rr,
                       [(vxr[rr + i], vyr[rr + i], vzr[rr + i])
                        for i in range(R)])
        return 0

    lax.fori_loop(0, HALF // L, gbody, 0)
    pltpu.sync_copy(om_v, out_hbm.at[batch, half])


def _tc_body(pts_ref, cand_ref, mrel_ref, vdist_ref, vdens_ref, cvec_ref,
             out_ref):
    rows = pts_ref[0]

    cen = jnp.mean(rows, axis=0, keepdims=True)
    rel = rows - cen
    cd = jnp.sqrt(jnp.sum(rel * rel, axis=1, keepdims=True))

    x2r = jnp.sum(rows * rows, axis=1, keepdims=True)
    vals = jnp.maximum(cand_ref[0] + x2r, 0.0)
    ci = lax.broadcasted_iota(jnp.int32, (N, CAND), 1).astype(jnp.float32)
    big = jnp.float32(1e9)
    ssum = jnp.zeros((N, 1), jnp.float32)
    for k in range(3):
        m = jnp.min(vals, axis=1, keepdims=True)
        ssum = ssum + jnp.sqrt(m)
        if k < 2:
            sel = jnp.where(vals == m, ci, big)
            cmin = jnp.min(sel, axis=1, keepdims=True)
            vals = jnp.where(ci == cmin, jnp.inf, vals)
    dens = ssum * (1.0 / 3.0)

    acc = cvec_ref[...] + cd * vdist_ref[...] + dens * vdens_ref[...]
    acc = acc + rel[:, 0:1] * mrel_ref[0:1, :]
    acc = acc + rel[:, 1:2] * mrel_ref[1:2, :]
    acc = acc + rel[:, 2:3] * mrel_ref[2:3, :]
    out_ref[0] = acc


def kernel(points, W_rel, b_rel, W_dist, b_dist, W_dens, b_dens, W_out, b_out):
    mrel = W_rel @ W_out[:SUB]
    vdist = W_dist @ W_out[SUB:2 * SUB]
    vdens = W_dens @ W_out[2 * SUB:]
    cvec = (b_rel @ W_out[:SUB] + b_dist @ W_out[SUB:2 * SUB]
            + b_dens @ W_out[2 * SUB:] + b_out)[None, :]

    pts_t = jnp.transpose(points, (0, 2, 1))
    pts_r = lax.reduce_precision(pts_t, exponent_bits=8, mantissa_bits=7)
    xr, yr, zr = pts_r[:, 0], pts_r[:, 1], pts_r[:, 2]
    x2 = jnp.sum(pts_t * pts_t, axis=1)

    cand_raw = _knn_sc(xr, yr, zr, x2)
    cand = cand_raw.reshape(B, N, CAND)

    return pl.pallas_call(
        _tc_body,
        grid=(B,),
        in_specs=[
            pl.BlockSpec((1, N, 3), lambda b: (b, 0, 0)),
            pl.BlockSpec((1, N, CAND), lambda b: (b, 0, 0)),
            pl.BlockSpec((3, EMBED_DIM), lambda b: (0, 0)),
            pl.BlockSpec((1, EMBED_DIM), lambda b: (0, 0)),
            pl.BlockSpec((1, EMBED_DIM), lambda b: (0, 0)),
            pl.BlockSpec((1, EMBED_DIM), lambda b: (0, 0)),
        ],
        out_specs=pl.BlockSpec((1, N, EMBED_DIM), lambda b: (b, 0, 0)),
        out_shape=jax.ShapeDtypeStruct((B, N, EMBED_DIM), jnp.float32),
    )(points, cand, mrel, vdist, vdens, cvec)

# --- scband reference (transcript-rebuilt; emitter-appended) ---
"""Pipeline reference for scband-ablated-encoder-16587163697711 (READ-ONLY COPY).

The authoritative reference and input builder live on the scoring server;
editing this copy changes nothing except your own understanding.
"""

import jax, jax.numpy as jnp
import numpy as np

EMBED_DIM = 384
SUB = EMBED_DIM // 3  # 128


def _local_density(points):
    # points: [B, N, 3]; mean distance to k=3 nearest neighbors (excluding self)
    def one(p):
        N = p.shape[0]
        x2 = jnp.sum(p * p, axis=-1)
        d2 = x2[:, None] + x2[None, :] - 2.0 * (p @ p.T)
        d2 = jnp.maximum(d2, 0.0)
        eye = jnp.eye(N, dtype=bool)
        d2 = jnp.where(eye, 1.0, d2)  # avoid sqrt(0) on diagonal
        d = jnp.sqrt(d2)
        d = jnp.where(eye, jnp.inf, d)  # fill_diagonal_(inf)
        k = min(3, N - 1)
        neg_top, _ = jax.lax.top_k(-d, k)  # k smallest distances
        return (-neg_top).mean(axis=1, keepdims=True)  # [N, 1]
    return jax.vmap(one)(points)  # [B, N, 1]


def setup_inputs(seed: int = 0) -> dict:
    key = jax.random.key(seed)
    ks = jax.random.split(key, 9)
    B, N = 16, 2048
    s = 0.05
    points = jax.random.normal(ks[0], (B, N, 3), dtype=jnp.float32)
    W_rel = jax.random.normal(ks[1], (3, SUB), dtype=jnp.float32) * s
    b_rel = jax.random.normal(ks[2], (SUB,), dtype=jnp.float32) * s
    W_dist = jax.random.normal(ks[3], (1, SUB), dtype=jnp.float32) * s
    b_dist = jax.random.normal(ks[4], (SUB,), dtype=jnp.float32) * s
    W_dens = jax.random.normal(ks[5], (1, SUB), dtype=jnp.float32) * s
    b_dens = jax.random.normal(ks[6], (SUB,), dtype=jnp.float32) * s
    W_out = jax.random.normal(ks[7], (3 * SUB, EMBED_DIM), dtype=jnp.float32) * s
    b_out = jax.random.normal(ks[8], (EMBED_DIM,), dtype=jnp.float32) * s
    return {"points": points, "W_rel": W_rel, "b_rel": b_rel,
            "W_dist": W_dist, "b_dist": b_dist, "W_dens": W_dens,
            "b_dens": b_dens, "W_out": W_out, "b_out": b_out}


def reference(points, W_rel, b_rel, W_dist, b_dist, W_dens, b_dens, W_out, b_out):
    # AblatedEncoder with ablation='no_count' -> NoCountFeatures path (mask=None)
    centroid = jnp.mean(points, axis=1, keepdims=True)          # [B, 1, 3]
    relative_pos = points - centroid                             # [B, N, 3]
    rel_features = relative_pos @ W_rel + b_rel                  # [B, N, SUB]
    centroid_dist = jnp.linalg.norm(relative_pos, axis=-1, keepdims=True)  # [B, N, 1]
    dist_features = centroid_dist @ W_dist + b_dist              # [B, N, SUB]
    local_density = _local_density(points)                       # [B, N, 1]
    density_features = local_density @ W_dens + b_dens           # [B, N, SUB]
    features = jnp.concatenate([rel_features, dist_features, density_features], axis=-1)
    return features @ W_out + b_out                              # [B, N, EMBED_DIM]

if __name__ == "__main__":
    import jax
    _d = setup_inputs()
    print(jax.jit(kernel)(*tuple(_d.values())))

</pallas_src>

<mosaic_0001>
#map = affine_map<(d0, d1) -> (0, 0)>
#map1 = affine_map<(d0, d1) -> (0, 0, 0)>
module attributes {stable_mosaic.version = 14 : i64} {
  func.func @_knn_sc(%arg0: i32, %arg1: i32, %arg2: memref<16x2048xf32, #tpu.memory_space<hbm>>, %arg3: memref<16x2048xf32, #tpu.memory_space<hbm>>, %arg4: memref<16x2048xf32, #tpu.memory_space<hbm>>, %arg5: memref<16x2048xf32, #tpu.memory_space<hbm>>, %arg6: memref<16x2x49152xf32, #tpu.memory_space<hbm>>, %arg7: memref<2048xf32, #tpu.memory_space<vmem>>, %arg8: memref<2048xf32, #tpu.memory_space<vmem>>, %arg9: memref<2048xf32, #tpu.memory_space<vmem>>, %arg10: memref<2048xf32, #tpu.memory_space<vmem>>, %arg11: memref<49152xf32, #tpu.memory_space<vmem>>) attributes {dimension_semantics = [#tpu.dimension_semantics<core_parallel>, #tpu.dimension_semantics<subcore_parallel>], iteration_bounds = array<i64: 2, 16>, scalar_prefetch = 0 : i64, scratch_operands = 5 : i64, tpu.core_type = #tpu.core_type<sc_vector_subcore>, window_params = [{transform_indices = #map}, {transform_indices = #map}, {transform_indices = #map}, {transform_indices = #map}, {transform_indices = #map1}]} {
    "tpu.region"() ({
      %run_scoped3A = tpu.sem_alloc : memref<!tpu.dma_semaphore, #tpu.memory_space<semaphore_mem>>
      %dma_start3A = arith.constant 0 : i32
      %dma_start3A_8 = tpu.memref_slice %arg2[%arg1, %dma_start3A] : memref<16x2048xf32, #tpu.memory_space<hbm>> -> memref<1x2048xf32, #tpu.memory_space<hbm>>
      %dma_start3A_9 = tpu.memref_squeeze %dma_start3A_8 : memref<1x2048xf32, #tpu.memory_space<hbm>> -> memref<2048xf32, #tpu.memory_space<hbm>>
      %dma_start3A_10 = arith.constant 0 : i32
      %dma_start3A_11 = tpu.memref_slice %arg2[%arg1, %dma_start3A_10] : memref<16x2048xf32, #tpu.memory_space<hbm>> -> memref<1x2048xf32, #tpu.memory_space<hbm>>
      %dma_start3A_12 = tpu.memref_squeeze %dma_start3A_11 : memref<1x2048xf32, #tpu.memory_space<hbm>> -> memref<2048xf32, #tpu.memory_space<hbm>>
      tpu.enqueue_dma source(%dma_start3A_12 : memref<2048xf32, #tpu.memory_space<hbm>>) target(%arg7 : memref<2048xf32, #tpu.memory_space<vmem>>) target_semaphore(%run_scoped3A : memref<!tpu.dma_semaphore, #tpu.memory_space<semaphore_mem>>)
      %dma_wait3A = arith.constant 0 : i32
      %dma_wait3A_13 = tpu.memref_slice %arg2[%arg1, %dma_wait3A] : memref<16x2048xf32, #tpu.memory_space<hbm>> -> memref<1x2048xf32, #tpu.memory_space<hbm>>
      %dma_wait3A_14 = tpu.memref_squeeze %dma_wait3A_13 : memref<1x2048xf32, #tpu.memory_space<hbm>> -> memref<2048xf32, #tpu.memory_space<hbm>>
      %dma_wait3A_15 = arith.constant 0 : i32
      %dma_wait3A_16 = tpu.memref_slice %arg2[%arg1, %dma_wait3A_15] : memref<16x2048xf32, #tpu.memory_space<hbm>> -> memref<1x2048xf32, #tpu.memory_space<hbm>>
      %dma_wait3A_17 = tpu.memref_squeeze %dma_wait3A_16 : memref<1x2048xf32, #tpu.memory_space<hbm>> -> memref<2048xf32, #tpu.memory_space<hbm>>
      tpu.wait_dma2 semaphore(%run_scoped3A : memref<!tpu.dma_semaphore, #tpu.memory_space<semaphore_mem>>) src(%dma_wait3A_17 : memref<2048xf32, #tpu.memory_space<hbm>>) dst(%arg7 : memref<2048xf32, #tpu.memory_space<vmem>>)
      tpu.yield
    }) : () -> ()
    "tpu.region"() ({
      %run_scoped3A = tpu.sem_alloc : memref<!tpu.dma_semaphore, #tpu.memory_space<semaphore_mem>>
      %dma_start3A = arith.constant 0 : i32
      %dma_start3A_8 = tpu.memref_slice %arg3[%arg1, %dma_start3A] : memref<16x2048xf32, #tpu.memory_space<hbm>> -> memref<1x2048xf32, #tpu.memory_space<hbm>>
      %dma_start3A_9 = tpu.memref_squeeze %dma_start3A_8 : memref<1x2048xf32, #tpu.memory_space<hbm>> -> memref<2048xf32, #tpu.memory_space<hbm>>
      %dma_start3A_10 = arith.constant 0 : i32
      %dma_start3A_11 = tpu.memref_slice %arg3[%arg1, %dma_start3A_10] : memref<16x2048xf32, #tpu.memory_space<hbm>> -> memref<1x2048xf32, #tpu.memory_space<hbm>>
      %dma_start3A_12 = tpu.memref_squeeze %dma_start3A_11 : memref<1x2048xf32, #tpu.memory_space<hbm>> -> memref<2048xf32, #tpu.memory_space<hbm>>
      tpu.enqueue_dma source(%dma_start3A_12 : memref<2048xf32, #tpu.memory_space<hbm>>) target(%arg8 : memref<2048xf32, #tpu.memory_space<vmem>>) target_semaphore(%run_scoped3A : memref<!tpu.dma_semaphore, #tpu.memory_space<semaphore_mem>>)
      %dma_wait3A = arith.constant 0 : i32
      %dma_wait3A_13 = tpu.memref_slice %arg3[%arg1, %dma_wait3A] : memref<16x2048xf32, #tpu.memory_space<hbm>> -> memref<1x2048xf32, #tpu.memory_space<hbm>>
      %dma_wait3A_14 = tpu.memref_squeeze %dma_wait3A_13 : memref<1x2048xf32, #tpu.memory_space<hbm>> -> memref<2048xf32, #tpu.memory_space<hbm>>
      %dma_wait3A_15 = arith.constant 0 : i32
      %dma_wait3A_16 = tpu.memref_slice %arg3[%arg1, %dma_wait3A_15] : memref<16x2048xf32, #tpu.memory_space<hbm>> -> memref<1x2048xf32, #tpu.memory_space<hbm>>
      %dma_wait3A_17 = tpu.memref_squeeze %dma_wait3A_16 : memref<1x2048xf32, #tpu.memory_space<hbm>> -> memref<2048xf32, #tpu.memory_space<hbm>>
      tpu.wait_dma2 semaphore(%run_scoped3A : memref<!tpu.dma_semaphore, #tpu.memory_space<semaphore_mem>>) src(%dma_wait3A_17 : memref<2048xf32, #tpu.memory_space<hbm>>) dst(%arg8 : memref<2048xf32, #tpu.memory_space<vmem>>)
      tpu.yield
    }) : () -> ()
    "tpu.region"() ({
      %run_scoped3A = tpu.sem_alloc : memref<!tpu.dma_semaphore, #tpu.memory_space<semaphore_mem>>
      %dma_start3A = arith.constant 0 : i32
      %dma_start3A_8 = tpu.memref_slice %arg4[%arg1, %dma_start3A] : memref<16x2048xf32, #tpu.memory_space<hbm>> -> memref<1x2048xf32, #tpu.memory_space<hbm>>
      %dma_start3A_9 = tpu.memref_squeeze %dma_start3A_8 : memref<1x2048xf32, #tpu.memory_space<hbm>> -> memref<2048xf32, #tpu.memory_space<hbm>>
      %dma_start3A_10 = arith.constant 0 : i32
      %dma_start3A_11 = tpu.memref_slice %arg4[%arg1, %dma_start3A_10] : memref<16x2048xf32, #tpu.memory_space<hbm>> -> memref<1x2048xf32, #tpu.memory_space<hbm>>
      %dma_start3A_12 = tpu.memref_squeeze %dma_start3A_11 : memref<1x2048xf32, #tpu.memory_space<hbm>> -> memref<2048xf32, #tpu.memory_space<hbm>>
      tpu.enqueue_dma source(%dma_start3A_12 : memref<2048xf32, #tpu.memory_space<hbm>>) target(%arg9 : memref<2048xf32, #tpu.memory_space<vmem>>) target_semaphore(%run_scoped3A : memref<!tpu.dma_semaphore, #tpu.memory_space<semaphore_mem>>)
      %dma_wait3A = arith.constant 0 : i32
      %dma_wait3A_13 = tpu.memref_slice %arg4[%arg1, %dma_wait3A] : memref<16x2048xf32, #tpu.memory_space<hbm>> -> memref<1x2048xf32, #tpu.memory_space<hbm>>
      %dma_wait3A_14 = tpu.memref_squeeze %dma_wait3A_13 : memref<1x2048xf32, #tpu.memory_space<hbm>> -> memref<2048xf32, #tpu.memory_space<hbm>>
      %dma_wait3A_15 = arith.constant 0 : i32
      %dma_wait3A_16 = tpu.memref_slice %arg4[%arg1, %dma_wait3A_15] : memref<16x2048xf32, #tpu.memory_space<hbm>> -> memref<1x2048xf32, #tpu.memory_space<hbm>>
      %dma_wait3A_17 = tpu.memref_squeeze %dma_wait3A_16 : memref<1x2048xf32, #tpu.memory_space<hbm>> -> memref<2048xf32, #tpu.memory_space<hbm>>
      tpu.wait_dma2 semaphore(%run_scoped3A : memref<!tpu.dma_semaphore, #tpu.memory_space<semaphore_mem>>) src(%dma_wait3A_17 : memref<2048xf32, #tpu.memory_space<hbm>>) dst(%arg9 : memref<2048xf32, #tpu.memory_space<vmem>>)
      tpu.yield
    }) : () -> ()
    "tpu.region"() ({
      %run_scoped3A = tpu.sem_alloc : memref<!tpu.dma_semaphore, #tpu.memory_space<semaphore_mem>>
      %dma_start3A = arith.constant 0 : i32
      %dma_start3A_8 = tpu.memref_slice %arg5[%arg1, %dma_start3A] : memref<16x2048xf32, #tpu.memory_space<hbm>> -> memref<1x2048xf32, #tpu.memory_space<hbm>>
      %dma_start3A_9 = tpu.memref_squeeze %dma_start3A_8 : memref<1x2048xf32, #tpu.memory_space<hbm>> -> memref<2048xf32, #tpu.memory_space<hbm>>
      %dma_start3A_10 = arith.constant 0 : i32
      %dma_start3A_11 = tpu.memref_slice %arg5[%arg1, %dma_start3A_10] : memref<16x2048xf32, #tpu.memory_space<hbm>> -> memref<1x2048xf32, #tpu.memory_space<hbm>>
      %dma_start3A_12 = tpu.memref_squeeze %dma_start3A_11 : memref<1x2048xf32, #tpu.memory_space<hbm>> -> memref<2048xf32, #tpu.memory_space<hbm>>
      tpu.enqueue_dma source(%dma_start3A_12 : memref<2048xf32, #tpu.memory_space<hbm>>) target(%arg10 : memref<2048xf32, #tpu.memory_space<vmem>>) target_semaphore(%run_scoped3A : memref<!tpu.dma_semaphore, #tpu.memory_space<semaphore_mem>>)
      %dma_wait3A = arith.constant 0 : i32
      %dma_wait3A_13 = tpu.memref_slice %arg5[%arg1, %dma_wait3A] : memref<16x2048xf32, #tpu.memory_space<hbm>> -> memref<1x2048xf32, #tpu.memory_space<hbm>>
      %dma_wait3A_14 = tpu.memref_squeeze %dma_wait3A_13 : memref<1x2048xf32, #tpu.memory_space<hbm>> -> memref<2048xf32, #tpu.memory_space<hbm>>
      %dma_wait3A_15 = arith.constant 0 : i32
      %dma_wait3A_16 = tpu.memref_slice %arg5[%arg1, %dma_wait3A_15] : memref<16x2048xf32, #tpu.memory_space<hbm>> -> memref<1x2048xf32, #tpu.memory_space<hbm>>
      %dma_wait3A_17 = tpu.memref_squeeze %dma_wait3A_16 : memref<1x2048xf32, #tpu.memory_space<hbm>> -> memref<2048xf32, #tpu.memory_space<hbm>>
      tpu.wait_dma2 semaphore(%run_scoped3A : memref<!tpu.dma_semaphore, #tpu.memory_space<semaphore_mem>>) src(%dma_wait3A_17 : memref<2048xf32, #tpu.memory_space<hbm>>) dst(%arg10 : memref<2048xf32, #tpu.memory_space<vmem>>)
      tpu.yield
    }) : () -> ()
    %iota3A = tpu.iota {dimensions = array<i32: 0>} : vector<16xi32>
    %broadcast_in_dim3A = arith.constant 0x7F800000 : f32
    %broadcast_in_dim3A_0 = vector.broadcast %broadcast_in_dim3A : f32 to vector<16xf32>
    %mul3A = arith.constant 1024 : i32
    %mul3A_1 = arith.muli %arg0, %mul3A : i32
    %scan3A = arith.constant 0 : i32
    %scan3A_2 = arith.constant 0 : i32
    %scan3A_3 = arith.constant 64 : i32
    %scan3A_4 = arith.addi %scan3A_2, %scan3A_3 : i32
    %scan3A_5 = arith.constant 1 : i32
    %scan3A_6 = scf.for %scan3A_8 = %scan3A_2 to %scan3A_4 step %scan3A_5 iter_args(%scan3A_9 = %scan3A) -> (i32)  : i32 {
      %mul3A_10 = arith.constant 16 : i32
      %mul3A_11 = arith.muli %scan3A_8, %mul3A_10 : i32
      %add3A = arith.addi %mul3A_1, %mul3A_11 : i32
      %get3A = arith.index_cast %add3A : i32 to index
      %get3A_12 = tpu.vector_load %arg7[%get3A] {strides = array<i32>} : memref<2048xf32, #tpu.memory_space<vmem>>, vector<16xf32>,
      %get3A_13 = vector.shape_cast %get3A_12 : vector<16xf32> to vector<16xf32>
      %get3A_14 = arith.index_cast %add3A : i32 to index
      %get3A_15 = tpu.vector_load %arg8[%get3A_14] {strides = array<i32>} : memref<2048xf32, #tpu.memory_space<vmem>>, vector<16xf32>,
      %get3A_16 = vector.shape_cast %get3A_15 : vector<16xf32> to vector<16xf32>
      %get3A_17 = arith.index_cast %add3A : i32 to index
      %get3A_18 = tpu.vector_load %arg9[%get3A_17] {strides = array<i32>} : memref<2048xf32, #tpu.memory_space<vmem>>, vector<16xf32>,
      %get3A_19 = vector.shape_cast %get3A_18 : vector<16xf32> to vector<16xf32>
      %mul3A_20 = arith.constant 64 : i32
      %mul3A_21 = arith.muli %arg0, %mul3A_20 : i32
      %add3A_22 = arith.addi %mul3A_21, %scan3A_8 : i32
      %add3A_23 = arith.constant 0 : i32
      %add3A_24 = arith.addi %mul3A_11, %add3A_23 : i32
      %slice3A = vector.extract_strided_slice %get3A_13 {offsets = [0], sizes = [1], strides = [1]} : vector<16xf32> to vector<1xf32>
      %squeeze3A = vector.extract %slice3A[0] : f32 from vector<1xf32>
      %slice3A_25 = vector.extract_strided_slice %get3A_16 {offsets = [0], sizes = [1], strides = [1]} : vector<16xf32> to vector<1xf32>
      %squeeze3A_26 = vector.extract %slice3A_25[0] : f32 from vector<1xf32>
      %slice3A_27 = vector.extract_strided_slice %get3A_19 {offsets = [0], sizes = [1], strides = [1]} : vector<16xf32> to vector<1xf32>
      %squeeze3A_28 = vector.extract %slice3A_27[0] : f32 from vector<1xf32>
      %slice3A_29 = vector.extract_strided_slice %get3A_13 {offsets = [1], sizes = [1], strides = [1]} : vector<16xf32> to vector<1xf32>
      %squeeze3A_30 = vector.extract %slice3A_29[0] : f32 from vector<1xf32>
      %slice3A_31 = vector.extract_strided_slice %get3A_16 {offsets = [1], sizes = [1], strides = [1]} : vector<16xf32> to vector<1xf32>
      %squeeze3A_32 = vector.extract %slice3A_31[0] : f32 from vector<1xf32>
      %slice3A_33 = vector.extract_strided_slice %get3A_19 {offsets = [1], sizes = [1], strides = [1]} : vector<16xf32> to vector<1xf32>
      %squeeze3A_34 = vector.extract %slice3A_33[0] : f32 from vector<1xf32>
      %slice3A_35 = vector.extract_strided_slice %get3A_13 {offsets = [2], sizes = [1], strides = [1]} : vector<16xf32> to vector<1xf32>
      %squeeze3A_36 = vector.extract %slice3A_35[0] : f32 from vector<1xf32>
      %slice3A_37 = vector.extract_strided_slice %get3A_16 {offsets = [2], sizes = [1], strides = [1]} : vector<16xf32> to vector<1xf32>
      %squeeze3A_38 = vector.extract %slice3A_37[0] : f32 from vector<1xf32>
      %slice3A_39 = vector.extract_strided_slice %get3A_19 {offsets = [2], sizes = [1], strides = [1]} : vector<16xf32> to vector<1xf32>
      %squeeze3A_40 = vector.extract %slice3A_39[0] : f32 from vector<1xf32>
      %slice3A_41 = vector.extract_strided_slice %get3A_13 {offsets = [3], sizes = [1], strides = [1]} : vector<16xf32> to vector<1xf32>
      %squeeze3A_42 = vector.extract %slice3A_41[0] : f32 from vector<1xf32>
      %slice3A_43 = vector.extract_strided_slice %get3A_16 {offsets = [3], sizes = [1], strides = [1]} : vector<16xf32> to vector<1xf32>
      %squeeze3A_44 = vector.extract %slice3A_43[0] : f32 from vector<1xf32>
      %slice3A_45 = vector.extract_strided_slice %get3A_19 {offsets = [3], sizes = [1], strides = [1]} : vector<16xf32> to vector<1xf32>
      %squeeze3A_46 = vector.extract %slice3A_45[0] : f32 from vector<1xf32>
      %mul3A_47 = arith.constant -2.000000e+00 : f32
      %mul3A_48 = arith.mulf %mul3A_47, %squeeze3A : f32
      %broadcast_in_dim3A_49 = vector.broadcast %mul3A_48 : f32 to vector<16xf32>
      %mul3A_50 = arith.constant -2.000000e+00 : f32
      %mul3A_51 = arith.mulf %mul3A_50, %squeeze3A_26 : f32
      %broadcast_in_dim3A_52 = vector.broadcast %mul3A_51 : f32 to vector<16xf32>
      %mul3A_53 = arith.constant -2.000000e+00 : f32
      %mul3A_54 = arith.mulf %mul3A_53, %squeeze3A_28 : f32
      %broadcast_in_dim3A_55 = vector.broadcast %mul3A_54 : f32 to vector<16xf32>
      %mul3A_56 = arith.constant -2.000000e+00 : f32
      %mul3A_57 = arith.mulf %mul3A_56, %squeeze3A_30 : f32
      %broadcast_in_dim3A_58 = vector.broadcast %mul3A_57 : f32 to vector<16xf32>
      %mul3A_59 = arith.constant -2.000000e+00 : f32
      %mul3A_60 = arith.mulf %mul3A_59, %squeeze3A_32 : f32
      %broadcast_in_dim3A_61 = vector.broadcast %mul3A_60 : f32 to vector<16xf32>
      %mul3A_62 = arith.constant -2.000000e+00 : f32
      %mul3A_63 = arith.mulf %mul3A_62, %squeeze3A_34 : f32
      %broadcast_in_dim3A_64 = vector.broadcast %mul3A_63 : f32 to vector<16xf32>
      %mul3A_65 = arith.constant -2.000000e+00 : f32
      %mul3A_66 = arith.mulf %mul3A_65, %squeeze3A_36 : f32
      %broadcast_in_dim3A_67 = vector.broadcast %mul3A_66 : f32 to vector<16xf32>
      %mul3A_68 = arith.constant -2.000000e+00 : f32
      %mul3A_69 = arith.mulf %mul3A_68, %squeeze3A_38 : f32
      %broadcast_in_dim3A_70 = vector.broadcast %mul3A_69 : f32 to vector<16xf32>
      %mul3A_71 = arith.constant -2.000000e+00 : f32
      %mul3A_72 = arith.mulf %mul3A_71, %squeeze3A_40 : f32
      %broadcast_in_dim3A_73 = vector.broadcast %mul3A_72 : f32 to vector<16xf32>
      %mul3A_74 = arith.constant -2.000000e+00 : f32
      %mul3A_75 = arith.mulf %mul3A_74, %squeeze3A_42 : f32
      %broadcast_in_dim3A_76 = vector.broadcast %mul3A_75 : f32 to vector<16xf32>
      %mul3A_77 = arith.constant -2.000000e+00 : f32
      %mul3A_78 = arith.mulf %mul3A_77, %squeeze3A_44 : f32
      %broadcast_in_dim3A_79 = vector.broadcast %mul3A_78 : f32 to vector<16xf32>
      %mul3A_80 = arith.constant -2.000000e+00 : f32
      %mul3A_81 = arith.mulf %mul3A_80, %squeeze3A_46 : f32
      %broadcast_in_dim3A_82 = vector.broadcast %mul3A_81 : f32 to vector<16xf32>
      %while3A = arith.constant 0 : i32
      %while3A_83 = arith.subi %add3A_22, %while3A : i32
      %while3A_84 = arith.addi %while3A, %while3A_83 : i32
      %while3A_85 = arith.constant 1 : i32
      %while3A_86 = arith.divsi %while3A_83, %while3A_85 : i32
      %while3A_87 = arith.muli %while3A_86, %while3A_85 : i32
      %while3A_88 = arith.addi %while3A, %while3A_87 : i32
      %while3A_89 = arith.constant 1 : i32
      %while3A_90:12 = scf.for %while3A_1008 = %while3A to %while3A_88 step %while3A_89 iter_args(%while3A_1009 = %broadcast_in_dim3A_0, %while3A_1010 = %broadcast_in_dim3A_0, %while3A_1011 = %broadcast_in_dim3A_0, %while3A_1012 = %broadcast_in_dim3A_0, %while3A_1013 = %broadcast_in_dim3A_0, %while3A_1014 = %broadcast_in_dim3A_0, %while3A_1015 = %broadcast_in_dim3A_0, %while3A_1016 = %broadcast_in_dim3A_0, %while3A_1017 = %broadcast_in_dim3A_0, %while3A_1018 = %broadcast_in_dim3A_0, %while3A_1019 = %broadcast_in_dim3A_0, %while3A_1020 = %broadcast_in_dim3A_0) -> (vector<16xf32>, vector<16xf32>, vector<16xf32>, vector<16xf32>, vector<16xf32>, vector<16xf32>, vector<16xf32>, vector<16xf32>, vector<16xf32>, vector<16xf32>, vector<16xf32>, vector<16xf32>)  : i32 {
        %mul3A_1021 = arith.constant 16 : i32
        %mul3A_1022 = arith.muli %while3A_1008, %mul3A_1021 : i32
        %get3A_1023 = arith.index_cast %mul3A_1022 : i32 to index
        %get3A_1024 = tpu.vector_load %arg7[%get3A_1023] {strides = array<i32>} : memref<2048xf32, #tpu.memory_space<vmem>>, vector<16xf32>,
        %get3A_1025 = vector.shape_cast %get3A_1024 : vector<16xf32> to vector<16xf32>
        %get3A_1026 = arith.index_cast %mul3A_1022 : i32 to index
        %get3A_1027 = tpu.vector_load %arg8[%get3A_1026] {strides = array<i32>} : memref<2048xf32, #tpu.memory_space<vmem>>, vector<16xf32>,
        %get3A_1028 = vector.shape_cast %get3A_1027 : vector<16xf32> to vector<16xf32>
        %get3A_1029 = arith.index_cast %mul3A_1022 : i32 to index
        %get3A_1030 = tpu.vector_load %arg9[%get3A_1029] {strides = array<i32>} : memref<2048xf32, #tpu.memory_space<vmem>>, vector<16xf32>,
        %get3A_1031 = vector.shape_cast %get3A_1030 : vector<16xf32> to vector<16xf32>
        %get3A_1032 = arith.index_cast %mul3A_1022 : i32 to index
        %get3A_1033 = tpu.vector_load %arg10[%get3A_1032] {strides = array<i32>} : memref<2048xf32, #tpu.memory_space<vmem>>, vector<16xf32>,
        %get3A_1034 = vector.shape_cast %get3A_1033 : vector<16xf32> to vector<16xf32>
        %mul3A_1035 = arith.mulf %get3A_1025, %broadcast_in_dim3A_49 : vector<16xf32>
        %mul3A_1036 = arith.mulf %get3A_1028, %broadcast_in_dim3A_52 : vector<16xf32>
        %add3A_1037 = arith.addf %mul3A_1035, %mul3A_1036 : vector<16xf32>
        %mul3A_1038 = arith.mulf %get3A_1031, %broadcast_in_dim3A_55 : vector<16xf32>
        %add3A_1039 = arith.addf %add3A_1037, %mul3A_1038 : vector<16xf32>
        %add3A_1040 = arith.addf %get3A_1034, %add3A_1039 : vector<16xf32>
        %min3A_1041 = arith.minimumf %while3A_1009, %add3A_1040 : vector<16xf32>
        %max3A_1042 = arith.maximumf %while3A_1009, %add3A_1040 : vector<16xf32>
        %min3A_1043 = arith.minimumf %while3A_1010, %max3A_1042 : vector<16xf32>
        %max3A_1044 = arith.maximumf %while3A_1010, %max3A_1042 : vector<16xf32>
        %min3A_1045 = arith.minimumf %while3A_1011, %max3A_1044 : vector<16xf32>
        %mul3A_1046 = arith.mulf %get3A_1025, %broadcast_in_dim3A_58 : vector<16xf32>
        %mul3A_1047 = arith.mulf %get3A_1028, %broadcast_in_dim3A_61 : vector<16xf32>
        %add3A_1048 = arith.addf %mul3A_1046, %mul3A_1047 : vector<16xf32>
        %mul3A_1049 = arith.mulf %get3A_1031, %broadcast_in_dim3A_64 : vector<16xf32>
        %add3A_1050 = arith.addf %add3A_1048, %mul3A_1049 : vector<16xf32>
        %add3A_1051 = arith.addf %get3A_1034, %add3A_1050 : vector<16xf32>
        %min3A_1052 = arith.minimumf %while3A_1012, %add3A_1051 : vector<16xf32>
        %max3A_1053 = arith.maximumf %while3A_1012, %add3A_1051 : vector<16xf32>
        %min3A_1054 = arith.minimumf %while3A_1013, %max3A_1053 : vector<16xf32>
        %max3A_1055 = arith.maximumf %while3A_1013, %max3A_1053 : vector<16xf32>
        %min3A_1056 = arith.minimumf %while3A_1014, %max3A_1055 : vector<16xf32>
        %mul3A_1057 = arith.mulf %get3A_1025, %broadcast_in_dim3A_67 : vector<16xf32>
        %mul3A_1058 = arith.mulf %get3A_1028, %broadcast_in_dim3A_70 : vector<16xf32>
        %add3A_1059 = arith.addf %mul3A_1057, %mul3A_1058 : vector<16xf32>
        %mul3A_1060 = arith.mulf %get3A_1031, %broadcast_in_dim3A_73 : vector<16xf32>
        %add3A_1061 = arith.addf %add3A_1059, %mul3A_1060 : vector<16xf32>
        %add3A_1062 = arith.addf %get3A_1034, %add3A_1061 : vector<16xf32>
        %min3A_1063 = arith.minimumf %while3A_1015, %add3A_1062 : vector<16xf32>
        %max3A_1064 = arith.maximumf %while3A_1015, %add3A_1062 : vector<16xf32>
        %min3A_1065 = arith.minimumf %while3A_1016, %max3A_1064 : vector<16xf32>
        %max3A_1066 = arith.maximumf %while3A_1016, %max3A_1064 : vector<16xf32>
        %min3A_1067 = arith.minimumf %while3A_1017, %max3A_1066 : vector<16xf32>
        %mul3A_1068 = arith.mulf %get3A_1025, %broadcast_in_dim3A_76 : vector<16xf32>
        %mul3A_1069 = arith.mulf %get3A_1028, %broadcast_in_dim3A_79 : vector<16xf32>
        %add3A_1070 = arith.addf %mul3A_1068, %mul3A_1069 : vector<16xf32>
        %mul3A_1071 = arith.mulf %get3A_1031, %broadcast_in_dim3A_82 : vector<16xf32>
        %add3A_1072 = arith.addf %add3A_1070, %mul3A_1071 : vector<16xf32>
        %add3A_1073 = arith.addf %get3A_1034, %add3A_1072 : vector<16xf32>
        %min3A_1074 = arith.minimumf %while3A_1018, %add3A_1073 : vector<16xf32>
        %max3A_1075 = arith.maximumf %while3A_1018, %add3A_1073 : vector<16xf32>
        %min3A_1076 = arith.minimumf %while3A_1019, %max3A_1075 : vector<16xf32>
        %max3A_1077 = arith.maximumf %while3A_1019, %max3A_1075 : vector<16xf32>
        %min3A_1078 = arith.minimumf %while3A_1020, %max3A_1077 : vector<16xf32>
        scf.yield %min3A_1041, %min3A_1043, %min3A_1045, %min3A_1052, %min3A_1054, %min3A_1056, %min3A_1063, %min3A_1065, %min3A_1067, %min3A_1074, %min3A_1076, %min3A_1078 : vector<16xf32>, vector<16xf32>, vector<16xf32>, vector<16xf32>, vector<16xf32>, vector<16xf32>, vector<16xf32>, vector<16xf32>, vector<16xf32>, vector<16xf32>, vector<16xf32>, vector<16xf32>
      }
      %while3A_91 = arith.constant 1 : i32
      %while3A_92:12 = scf.for %while3A_1008 = %while3A_88 to %while3A_84 step %while3A_91 iter_args(%while3A_1009 = %while3A_90#0, %while3A_1010 = %while3A_90#1, %while3A_1011 = %while3A_90#2, %while3A_1012 = %while3A_90#3, %while3A_1013 = %while3A_90#4, %while3A_1014 = %while3A_90#5, %while3A_1015 = %while3A_90#6, %while3A_1016 = %while3A_90#7, %while3A_1017 = %while3A_90#8, %while3A_1018 = %while3A_90#9, %while3A_1019 = %while3A_90#10, %while3A_1020 = %while3A_90#11) -> (vector<16xf32>, vector<16xf32>, vector<16xf32>, vector<16xf32>, vector<16xf32>, vector<16xf32>, vector<16xf32>, vector<16xf32>, vector<16xf32>, vector<16xf32>, vector<16xf32>, vector<16xf32>)  : i32 {
        %mul3A_1021 = arith.constant 16 : i32
        %mul3A_1022 = arith.muli %while3A_1008, %mul3A_1021 : i32
        %get3A_1023 = arith.index_cast %mul3A_1022 : i32 to index
        %get3A_1024 = tpu.vector_load %arg7[%get3A_1023] {strides = array<i32>} : memref<2048xf32, #tpu.memory_space<vmem>>, vector<16xf32>,
        %get3A_1025 = vector.shape_cast %get3A_1024 : vector<16xf32> to vector<16xf32>
        %get3A_1026 = arith.index_cast %mul3A_1022 : i32 to index
        %get3A_1027 = tpu.vector_load %arg8[%get3A_1026] {strides = array<i32>} : memref<2048xf32, #tpu.memory_space<vmem>>, vector<16xf32>,
        %get3A_1028 = vector.shape_cast %get3A_1027 : vector<16xf32> to vector<16xf32>
        %get3A_1029 = arith.index_cast %mul3A_1022 : i32 to index
        %get3A_1030 = tpu.vector_load %arg9[%get3A_1029] {strides = array<i32>} : memref<2048xf32, #tpu.memory_space<vmem>>, vector<16xf32>,
        %get3A_1031 = vector.shape_cast %get3A_1030 : vector<16xf32> to vector<16xf32>
        %get3A_1032 = arith.index_cast %mul3A_1022 : i32 to index
        %get3A_1033 = tpu.vector_load %arg10[%get3A_1032] {strides = array<i32>} : memref<2048xf32, #tpu.memory_space<vmem>>, vector<16xf32>,
        %get3A_1034 = vector.shape_cast %get3A_1033 : vector<16xf32> to vector<16xf32>
        %mul3A_1035 = arith.mulf %get3A_1025, %broadcast_in_dim3A_49 : vector<16xf32>
        %mul3A_1036 = arith.mulf %get3A_1028, %broadcast_in_dim3A_52 : vector<16xf32>
        %add3A_1037 = arith.addf %mul3A_1035, %mul3A_1036 : vector<16xf32>
        %mul3A_1038 = arith.mulf %get3A_1031, %broadcast_in_dim3A_55 : vector<16xf32>
        %add3A_1039 = arith.addf %add3A_1037, %mul3A_1038 : vector<16xf32>
        %add3A_1040 = arith.addf %get3A_1034, %add3A_1039 : vector<16xf32>
        %min3A_1041 = arith.minimumf %while3A_1009, %add3A_1040 : vector<16xf32>
        %max3A_1042 = arith.maximumf %while3A_1009, %add3A_1040 : vector<16xf32>
        %min3A_1043 = arith.minimumf %while3A_1010, %max3A_1042 : vector<16xf32>
        %max3A_1044 = arith.maximumf %while3A_1010, %max3A_1042 : vector<16xf32>
        %min3A_1045 = arith.minimumf %while3A_1011, %max3A_1044 : vector<16xf32>
        %mul3A_1046 = arith.mulf %get3A_1025, %broadcast_in_dim3A_58 : vector<16xf32>
        %mul3A_1047 = arith.mulf %get3A_1028, %broadcast_in_dim3A_61 : vector<16xf32>
        %add3A_1048 = arith.addf %mul3A_1046, %mul3A_1047 : vector<16xf32>
        %mul3A_1049 = arith.mulf %get3A_1031, %broadcast_in_dim3A_64 : vector<16xf32>
        %add3A_1050 = arith.addf %add3A_1048, %mul3A_1049 : vector<16xf32>
        %add3A_1051 = arith.addf %get3A_1034, %add3A_1050 : vector<16xf32>
        %min3A_1052 = arith.minimumf %while3A_1012, %add3A_1051 : vector<16xf32>
        %max3A_1053 = arith.maximumf %while3A_1012, %add3A_1051 : vector<16xf32>
        %min3A_1054 = arith.minimumf %while3A_1013, %max3A_1053 : vector<16xf32>
        %max3A_1055 = arith.maximumf %while3A_1013, %max3A_1053 : vector<16xf32>
        %min3A_1056 = arith.minimumf %while3A_1014, %max3A_1055 : vector<16xf32>
        %mul3A_1057 = arith.mulf %get3A_1025, %broadcast_in_dim3A_67 : vector<16xf32>
        %mul3A_1058 = arith.mulf %get3A_1028, %broadcast_in_dim3A_70 : vector<16xf32>
        %add3A_1059 = arith.addf %mul3A_1057, %mul3A_1058 : vector<16xf32>
        %mul3A_1060 = arith.mulf %get3A_1031, %broadcast_in_dim3A_73 : vector<16xf32>
        %add3A_1061 = arith.addf %add3A_1059, %mul3A_1060 : vector<16xf32>
        %add3A_1062 = arith.addf %get3A_1034, %add3A_1061 : vector<16xf32>
        %min3A_1063 = arith.minimumf %while3A_1015, %add3A_1062 : vector<16xf32>
        %max3A_1064 = arith.maximumf %while3A_1015, %add3A_1062 : vector<16xf32>
        %min3A_1065 = arith.minimumf %while3A_1016, %max3A_1064 : vector<16xf32>
        %max3A_1066 = arith.maximumf %while3A_1016, %max3A_1064 : vector<16xf32>
        %min3A_1067 = arith.minimumf %while3A_1017, %max3A_1066 : vector<16xf32>
        %mul3A_1068 = arith.mulf %get3A_1025, %broadcast_in_dim3A_76 : vector<16xf32>
        %mul3A_1069 = arith.mulf %get3A_1028, %broadcast_in_dim3A_79 : vector<16xf32>
        %add3A_1070 = arith.addf %mul3A_1068, %mul3A_1069 : vector<16xf32>
        %mul3A_1071 = arith.mulf %get3A_1031, %broadcast_in_dim3A_82 : vector<16xf32>
        %add3A_1072 = arith.addf %add3A_1070, %mul3A_1071 : vector<16xf32>
        %add3A_1073 = arith.addf %get3A_1034, %add3A_1072 : vector<16xf32>
        %min3A_1074 = arith.minimumf %while3A_1018, %add3A_1073 : vector<16xf32>
        %max3A_1075 = arith.maximumf %while3A_1018, %add3A_1073 : vector<16xf32>
        %min3A_1076 = arith.minimumf %while3A_1019, %max3A_1075 : vector<16xf32>
        %max3A_1077 = arith.maximumf %while3A_1019, %max3A_1075 : vector<16xf32>
        %min3A_1078 = arith.minimumf %while3A_1020, %max3A_1077 : vector<16xf32>
        scf.yield %min3A_1041, %min3A_1043, %min3A_1045, %min3A_1052, %min3A_1054, %min3A_1056, %min3A_1063, %min3A_1065, %min3A_1067, %min3A_1074, %min3A_1076, %min3A_1078 : vector<16xf32>, vector<16xf32>, vector<16xf32>, vector<16xf32>, vector<16xf32>, vector<16xf32>, vector<16xf32>, vector<16xf32>, vector<16xf32>, vector<16xf32>, vector<16xf32>, vector<16xf32>
      }
      %mul3A_93 = arith.constant 16 : i32
      %mul3A_94 = arith.muli %add3A_22, %mul3A_93 : i32
      %get3A_95 = arith.index_cast %mul3A_94 : i32 to index
      %get3A_96 = tpu.vector_load %arg7[%get3A_95] {strides = array<i32>} : memref<2048xf32, #tpu.memory_space<vmem>>, vector<16xf32>,
      %get3A_97 = vector.shape_cast %get3A_96 : vector<16xf32> to vector<16xf32>
      %get3A_98 = arith.index_cast %mul3A_94 : i32 to index
      %get3A_99 = tpu.vector_load %arg8[%get3A_98] {strides = array<i32>} : memref<2048xf32, #tpu.memory_space<vmem>>, vector<16xf32>,
      %get3A_100 = vector.shape_cast %get3A_99 : vector<16xf32> to vector<16xf32>
      %get3A_101 = arith.index_cast %mul3A_94 : i32 to index
      %get3A_102 = tpu.vector_load %arg9[%get3A_101] {strides = array<i32>} : memref<2048xf32, #tpu.memory_space<vmem>>, vector<16xf32>,
      %get3A_103 = vector.shape_cast %get3A_102 : vector<16xf32> to vector<16xf32>
      %get3A_104 = arith.index_cast %mul3A_94 : i32 to index
      %get3A_105 = tpu.vector_load %arg10[%get3A_104] {strides = array<i32>} : memref<2048xf32, #tpu.memory_space<vmem>>, vector<16xf32>,
      %get3A_106 = vector.shape_cast %get3A_105 : vector<16xf32> to vector<16xf32>
      %mul3A_107 = arith.mulf %get3A_97, %broadcast_in_dim3A_49 : vector<16xf32>
      %mul3A_108 = arith.mulf %get3A_100, %broadcast_in_dim3A_52 : vector<16xf32>
      %add3A_109 = arith.addf %mul3A_107, %mul3A_108 : vector<16xf32>
      %mul3A_110 = arith.mulf %get3A_103, %broadcast_in_dim3A_55 : vector<16xf32>
      %add3A_111 = arith.addf %add3A_109, %mul3A_110 : vector<16xf32>
      %add3A_112 = arith.addf %get3A_106, %add3A_111 : vector<16xf32>
      %eq3A = arith.constant 0 : i32
      %eq3A_113 = vector.broadcast %eq3A : i32 to vector<16xi32>
      %eq3A_114 = arith.cmpi eq, %iota3A, %eq3A_113 : vector<16xi32>
      %select_n3A = arith.select %eq3A_114, %broadcast_in_dim3A_0, %add3A_112 : vector<16xi1>, vector<16xf32>
      %min3A = arith.minimumf %while3A_92#0, %select_n3A : vector<16xf32>
      %max3A = arith.maximumf %while3A_92#0, %select_n3A : vector<16xf32>
      %min3A_115 = arith.minimumf %while3A_92#1, %max3A : vector<16xf32>
      %max3A_116 = arith.maximumf %while3A_92#1, %max3A : vector<16xf32>
      %min3A_117 = arith.minimumf %while3A_92#2, %max3A_116 : vector<16xf32>
      %mul3A_118 = arith.mulf %get3A_97, %broadcast_in_dim3A_58 : vector<16xf32>
      %mul3A_119 = arith.mulf %get3A_100, %broadcast_in_dim3A_61 : vector<16xf32>
      %add3A_120 = arith.addf %mul3A_118, %mul3A_119 : vector<16xf32>
      %mul3A_121 = arith.mulf %get3A_103, %broadcast_in_dim3A_64 : vector<16xf32>
      %add3A_122 = arith.addf %add3A_120, %mul3A_121 : vector<16xf32>
      %add3A_123 = arith.addf %get3A_106, %add3A_122 : vector<16xf32>
      %eq3A_124 = arith.constant 1 : i32
      %eq3A_125 = vector.broadcast %eq3A_124 : i32 to vector<16xi32>
      %eq3A_126 = arith.cmpi eq, %iota3A, %eq3A_125 : vector<16xi32>
      %select_n3A_127 = arith.select %eq3A_126, %broadcast_in_dim3A_0, %add3A_123 : vector<16xi1>, vector<16xf32>
      %min3A_128 = arith.minimumf %while3A_92#3, %select_n3A_127 : vector<16xf32>
      %max3A_129 = arith.maximumf %while3A_92#3, %select_n3A_127 : vector<16xf32>
      %min3A_130 = arith.minimumf %while3A_92#4, %max3A_129 : vector<16xf32>
      %max3A_131 = arith.maximumf %while3A_92#4, %max3A_129 : vector<16xf32>
      %min3A_132 = arith.minimumf %while3A_92#5, %max3A_131 : vector<16xf32>
      %mul3A_133 = arith.mulf %get3A_97, %broadcast_in_dim3A_67 : vector<16xf32>
      %mul3A_134 = arith.mulf %get3A_100, %broadcast_in_dim3A_70 : vector<16xf32>
      %add3A_135 = arith.addf %mul3A_133, %mul3A_134 : vector<16xf32>
      %mul3A_136 = arith.mulf %get3A_103, %broadcast_in_dim3A_73 : vector<16xf32>
      %add3A_137 = arith.addf %add3A_135, %mul3A_136 : vector<16xf32>
      %add3A_138 = arith.addf %get3A_106, %add3A_137 : vector<16xf32>
      %eq3A_139 = arith.constant 2 : i32
      %eq3A_140 = vector.broadcast %eq3A_139 : i32 to vector<16xi32>
      %eq3A_141 = arith.cmpi eq, %iota3A, %eq3A_140 : vector<16xi32>
      %select_n3A_142 = arith.select %eq3A_141, %broadcast_in_dim3A_0, %add3A_138 : vector<16xi1>, vector<16xf32>
      %min3A_143 = arith.minimumf %while3A_92#6, %select_n3A_142 : vector<16xf32>
      %max3A_144 = arith.maximumf %while3A_92#6, %select_n3A_142 : vector<16xf32>
      %min3A_145 = arith.minimumf %while3A_92#7, %max3A_144 : vector<16xf32>
      %max3A_146 = arith.maximumf %while3A_92#7, %max3A_144 : vector<16xf32>
      %min3A_147 = arith.minimumf %while3A_92#8, %max3A_146 : vector<16xf32>
      %mul3A_148 = arith.mulf %get3A_97, %broadcast_in_dim3A_76 : vector<16xf32>
      %mul3A_149 = arith.mulf %get3A_100, %broadcast_in_dim3A_79 : vector<16xf32>
      %add3A_150 = arith.addf %mul3A_148, %mul3A_149 : vector<16xf32>
      %mul3A_151 = arith.mulf %get3A_103, %broadcast_in_dim3A_82 : vector<16xf32>
      %add3A_152 = arith.addf %add3A_150, %mul3A_151 : vector<16xf32>
      %add3A_153 = arith.addf %get3A_106, %add3A_152 : vector<16xf32>
      %eq3A_154 = arith.constant 3 : i32
      %eq3A_155 = vector.broadcast %eq3A_154 : i32 to vector<16xi32>
      %eq3A_156 = arith.cmpi eq, %iota3A, %eq3A_155 : vector<16xi32>
      %select_n3A_157 = arith.select %eq3A_156, %broadcast_in_dim3A_0, %add3A_153 : vector<16xi1>, vector<16xf32>
      %min3A_158 = arith.minimumf %while3A_92#9, %select_n3A_157 : vector<16xf32>
      %max3A_159 = arith.maximumf %while3A_92#9, %select_n3A_157 : vector<16xf32>
      %min3A_160 = arith.minimumf %while3A_92#10, %max3A_159 : vector<16xf32>
      %max3A_161 = arith.maximumf %while3A_92#10, %max3A_159 : vector<16xf32>
      %min3A_162 = arith.minimumf %while3A_92#11, %max3A_161 : vector<16xf32>
      %add3A_163 = arith.constant 1 : i32
      %add3A_164 = arith.addi %add3A_22, %add3A_163 : i32
      %while3A_165 = arith.constant 128 : i32
      %while3A_166 = arith.subi %while3A_165, %add3A_164 : i32
      %while3A_167 = arith.addi %add3A_164, %while3A_166 : i32
      %while3A_168 = arith.constant 1 : i32
      %while3A_169 = arith.divsi %while3A_166, %while3A_168 : i32
      %while3A_170 = arith.muli %while3A_169, %while3A_168 : i32
      %while3A_171 = arith.addi %add3A_164, %while3A_170 : i32
      %while3A_172 = arith.constant 1 : i32
      %while3A_173:12 = scf.for %while3A_1008 = %add3A_164 to %while3A_171 step %while3A_172 iter_args(%while3A_1009 = %min3A, %while3A_1010 = %min3A_115, %while3A_1011 = %min3A_117, %while3A_1012 = %min3A_128, %while3A_1013 = %min3A_130, %while3A_1014 = %min3A_132, %while3A_1015 = %min3A_143, %while3A_1016 = %min3A_145, %while3A_1017 = %min3A_147, %while3A_1018 = %min3A_158, %while3A_1019 = %min3A_160, %while3A_1020 = %min3A_162) -> (vector<16xf32>, vector<16xf32>, vector<16xf32>, vector<16xf32>, vector<16xf32>, vector<16xf32>, vector<16xf32>, vector<16xf32>, vector<16xf32>, vector<16xf32>, vector<16xf32>, vector<16xf32>)  : i32 {
        %mul3A_1021 = arith.constant 16 : i32
        %mul3A_1022 = arith.muli %while3A_1008, %mul3A_1021 : i32
        %get3A_1023 = arith.index_cast %mul3A_1022 : i32 to index
        %get3A_1024 = tpu.vector_load %arg7[%get3A_1023] {strides = array<i32>} : memref<2048xf32, #tpu.memory_space<vmem>>, vector<16xf32>,
        %get3A_1025 = vector.shape_cast %get3A_1024 : vector<16xf32> to vector<16xf32>
        %get3A_1026 = arith.index_cast %mul3A_1022 : i32 to index
        %get3A_1027 = tpu.vector_load %arg8[%get3A_1026] {strides = array<i32>} : memref<2048xf32, #tpu.memory_space<vmem>>, vector<16xf32>,
        %get3A_1028 = vector.shape_cast %get3A_1027 : vector<16xf32> to vector<16xf32>
        %get3A_1029 = arith.index_cast %mul3A_1022 : i32 to index
        %get3A_1030 = tpu.vector_load %arg9[%get3A_1029] {strides = array<i32>} : memref<2048xf32, #tpu.memory_space<vmem>>, vector<16xf32>,
        %get3A_1031 = vector.shape_cast %get3A_1030 : vector<16xf32> to vector<16xf32>
        %get3A_1032 = arith.index_cast %mul3A_1022 : i32 to index
        %get3A_1033 = tpu.vector_load %arg10[%get3A_1032] {strides = array<i32>} : memref<2048xf32, #tpu.memory_space<vmem>>, vector<16xf32>,
        %get3A_1034 = vector.shape_cast %get3A_1033 : vector<16xf32> to vector<16xf32>
        %mul3A_1035 = arith.mulf %get3A_1025, %broadcast_in_dim3A_49 : vector<16xf32>
        %mul3A_1036 = arith.mulf %get3A_1028, %broadcast_in_dim3A_52 : vector<16xf32>
        %add3A_1037 = arith.addf %mul3A_1035, %mul3A_1036 : vector<16xf32>
        %mul3A_1038 = arith.mulf %get3A_1031, %broadcast_in_dim3A_55 : vector<16xf32>
        %add3A_1039 = arith.addf %add3A_1037, %mul3A_1038 : vector<16xf32>
        %add3A_1040 = arith.addf %get3A_1034, %add3A_1039 : vector<16xf32>
        %min3A_1041 = arith.minimumf %while3A_1009, %add3A_1040 : vector<16xf32>
        %max3A_1042 = arith.maximumf %while3A_1009, %add3A_1040 : vector<16xf32>
        %min3A_1043 = arith.minimumf %while3A_1010, %max3A_1042 : vector<16xf32>
        %max3A_1044 = arith.maximumf %while3A_1010, %max3A_1042 : vector<16xf32>
        %min3A_1045 = arith.minimumf %while3A_1011, %max3A_1044 : vector<16xf32>
        %mul3A_1046 = arith.mulf %get3A_1025, %broadcast_in_dim3A_58 : vector<16xf32>
        %mul3A_1047 = arith.mulf %get3A_1028, %broadcast_in_dim3A_61 : vector<16xf32>
        %add3A_1048 = arith.addf %mul3A_1046, %mul3A_1047 : vector<16xf32>
        %mul3A_1049 = arith.mulf %get3A_1031, %broadcast_in_dim3A_64 : vector<16xf32>
        %add3A_1050 = arith.addf %add3A_1048, %mul3A_1049 : vector<16xf32>
        %add3A_1051 = arith.addf %get3A_1034, %add3A_1050 : vector<16xf32>
        %min3A_1052 = arith.minimumf %while3A_1012, %add3A_1051 : vector<16xf32>
        %max3A_1053 = arith.maximumf %while3A_1012, %add3A_1051 : vector<16xf32>
        %min3A_1054 = arith.minimumf %while3A_1013, %max3A_1053 : vector<16xf32>
        %max3A_1055 = arith.maximumf %while3A_1013, %max3A_1053 : vector<16xf32>
        %min3A_1056 = arith.minimumf %while3A_1014, %max3A_1055 : vector<16xf32>
        %mul3A_1057 = arith.mulf %get3A_1025, %broadcast_in_dim3A_67 : vector<16xf32>
        %mul3A_1058 = arith.mulf %get3A_1028, %broadcast_in_dim3A_70 : vector<16xf32>
        %add3A_1059 = arith.addf %mul3A_1057, %mul3A_1058 : vector<16xf32>
        %mul3A_1060 = arith.mulf %get3A_1031, %broadcast_in_dim3A_73 : vector<16xf32>
        %add3A_1061 = arith.addf %add3A_1059, %mul3A_1060 : vector<16xf32>
        %add3A_1062 = arith.addf %get3A_1034, %add3A_1061 : vector<16xf32>
        %min3A_1063 = arith.minimumf %while3A_1015, %add3A_1062 : vector<16xf32>
        %max3A_1064 = arith.maximumf %while3A_1015, %add3A_1062 : vector<16xf32>
        %min3A_1065 = arith.minimumf %while3A_1016, %max3A_1064 : vector<16xf32>
        %max3A_1066 = arith.maximumf %while3A_1016, %max3A_1064 : vector<16xf32>
        %min3A_1067 = arith.minimumf %while3A_1017, %max3A_1066 : vector<16xf32>
        %mul3A_1068 = arith.mulf %get3A_1025, %broadcast_in_dim3A_76 : vector<16xf32>
        %mul3A_1069 = arith.mulf %get3A_1028, %broadcast_in_dim3A_79 : vector<16xf32>
        %add3A_1070 = arith.addf %mul3A_1068, %mul3A_1069 : vector<16xf32>
        %mul3A_1071 = arith.mulf %get3A_1031, %broadcast_in_dim3A_82 : vector<16xf32>
        %add3A_1072 = arith.addf %add3A_1070, %mul3A_1071 : vector<16xf32>
        %add3A_1073 = arith.addf %get3A_1034, %add3A_1072 : vector<16xf32>
        %min3A_1074 = arith.minimumf %while3A_1018, %add3A_1073 : vector<16xf32>
        %max3A_1075 = arith.maximumf %while3A_1018, %add3A_1073 : vector<16xf32>
        %min3A_1076 = arith.minimumf %while3A_1019, %max3A_1075 : vector<16xf32>
        %max3A_1077 = arith.maximumf %while3A_1019, %max3A_1075 : vector<16xf32>
        %min3A_1078 = arith.minimumf %while3A_1020, %max3A_1077 : vector<16xf32>
        scf.yield %min3A_1041, %min3A_1043, %min3A_1045, %min3A_1052, %min3A_1054, %min3A_1056, %min3A_1063, %min3A_1065, %min3A_1067, %min3A_1074, %min3A_1076, %min3A_1078 : vector<16xf32>, vector<16xf32>, vector<16xf32>, vector<16xf32>, vector<16xf32>, vector<16xf32>, vector<16xf32>, vector<16xf32>, vector<16xf32>, vector<16xf32>, vector<16xf32>, vector<16xf32>
      }
      %while3A_174 = arith.constant 1 : i32
      %while3A_175:12 = scf.for %while3A_1008 = %while3A_171 to %while3A_167 step %while3A_174 iter_args(%while3A_1009 = %while3A_173#0, %while3A_1010 = %while3A_173#1, %while3A_1011 = %while3A_173#2, %while3A_1012 = %while3A_173#3, %while3A_1013 = %while3A_173#4, %while3A_1014 = %while3A_173#5, %while3A_1015 = %while3A_173#6, %while3A_1016 = %while3A_173#7, %while3A_1017 = %while3A_173#8, %while3A_1018 = %while3A_173#9, %while3A_1019 = %while3A_173#10, %while3A_1020 = %while3A_173#11) -> (vector<16xf32>, vector<16xf32>, vector<16xf32>, vector<16xf32>, vector<16xf32>, vector<16xf32>, vector<16xf32>, vector<16xf32>, vector<16xf32>, vector<16xf32>, vector<16xf32>, vector<16xf32>)  : i32 {
        %mul3A_1021 = arith.constant 16 : i32
        %mul3A_1022 = arith.muli %while3A_1008, %mul3A_1021 : i32
        %get3A_1023 = arith.index_cast %mul3A_1022 : i32 to index
        %get3A_1024 = tpu.vector_load %arg7[%get3A_1023] {strides = array<i32>} : memref<2048xf32, #tpu.memory_space<vmem>>, vector<16xf32>,
        %get3A_1025 = vector.shape_cast %get3A_1024 : vector<16xf32> to vector<16xf32>
        %get3A_1026 = arith.index_cast %mul3A_1022 : i32 to index
        %get3A_1027 = tpu.vector_load %arg8[%get3A_1026] {strides = array<i32>} : memref<2048xf32, #tpu.memory_space<vmem>>, vector<16xf32>,
        %get3A_1028 = vector.shape_cast %get3A_1027 : vector<16xf32> to vector<16xf32>
        %get3A_1029 = arith.index_cast %mul3A_1022 : i32 to index
        %get3A_1030 = tpu.vector_load %arg9[%get3A_1029] {strides = array<i32>} : memref<2048xf32, #tpu.memory_space<vmem>>, vector<16xf32>,
        %get3A_1031 = vector.shape_cast %get3A_1030 : vector<16xf32> to vector<16xf32>
        %get3A_1032 = arith.index_cast %mul3A_1022 : i32 to index
        %get3A_1033 = tpu.vector_load %arg10[%get3A_1032] {strides = array<i32>} : memref<2048xf32, #tpu.memory_space<vmem>>, vector<16xf32>,
        %get3A_1034 = vector.shape_cast %get3A_1033 : vector<16xf32> to vector<16xf32>
        %mul3A_1035 = arith.mulf %get3A_1025, %broadcast_in_dim3A_49 : vector<16xf32>
        %mul3A_1036 = arith.mulf %get3A_1028, %broadcast_in_dim3A_52 : vector<16xf32>
        %add3A_1037 = arith.addf %mul3A_1035, %mul3A_1036 : vector<16xf32>
        %mul3A_1038 = arith.mulf %get3A_1031, %broadcast_in_dim3A_55 : vector<16xf32>
        %add3A_1039 = arith.addf %add3A_1037, %mul3A_1038 : vector<16xf32>
        %add3A_1040 = arith.addf %get3A_1034, %add3A_1039 : vector<16xf32>
        %min3A_1041 = arith.minimumf %while3A_1009, %add3A_1040 : vector<16xf32>
        %max3A_1042 = arith.maximumf %while3A_1009, %add3A_1040 : vector<16xf32>
        %min3A_1043 = arith.minimumf %while3A_1010, %max3A_1042 : vector<16xf32>
        %max3A_1044 = arith.maximumf %while3A_1010, %max3A_1042 : vector<16xf32>
        %min3A_1045 = arith.minimumf %while3A_1011, %max3A_1044 : vector<16xf32>
        %mul3A_1046 = arith.mulf %get3A_1025, %broadcast_in_dim3A_58 : vector<16xf32>
        %mul3A_1047 = arith.mulf %get3A_1028, %broadcast_in_dim3A_61 : vector<16xf32>
        %add3A_1048 = arith.addf %mul3A_1046, %mul3A_1047 : vector<16xf32>
        %mul3A_1049 = arith.mulf %get3A_1031, %broadcast_in_dim3A_64 : vector<16xf32>
        %add3A_1050 = arith.addf %add3A_1048, %mul3A_1049 : vector<16xf32>
        %add3A_1051 = arith.addf %get3A_1034, %add3A_1050 : vector<16xf32>
        %min3A_1052 = arith.minimumf %while3A_1012, %add3A_1051 : vector<16xf32>
        %max3A_1053 = arith.maximumf %while3A_1012, %add3A_1051 : vector<16xf32>
        %min3A_1054 = arith.minimumf %while3A_1013, %max3A_1053 : vector<16xf32>
        %max3A_1055 = arith.maximumf %while3A_1013, %max3A_1053 : vector<16xf32>
        %min3A_1056 = arith.minimumf %while3A_1014, %max3A_1055 : vector<16xf32>
        %mul3A_1057 = arith.mulf %get3A_1025, %broadcast_in_dim3A_67 : vector<16xf32>
        %mul3A_1058 = arith.mulf %get3A_1028, %broadcast_in_dim3A_70 : vector<16xf32>
        %add3A_1059 = arith.addf %mul3A_1057, %mul3A_1058 : vector<16xf32>
        %mul3A_1060 = arith.mulf %get3A_1031, %broadcast_in_dim3A_73 : vector<16xf32>
        %add3A_1061 = arith.addf %add3A_1059, %mul3A_1060 : vector<16xf32>
        %add3A_1062 = arith.addf %get3A_1034, %add3A_1061 : vector<16xf32>
        %min3A_1063 = arith.minimumf %while3A_1015, %add3A_1062 : vector<16xf32>
        %max3A_1064 = arith.maximumf %while3A_1015, %add3A_1062 : vector<16xf32>
        %min3A_1065 = arith.minimumf %while3A_1016, %max3A_1064 : vector<16xf32>
        %max3A_1066 = arith.maximumf %while3A_1016, %max3A_1064 : vector<16xf32>
        %min3A_1067 = arith.minimumf %while3A_1017, %max3A_1066 : vector<16xf32>
        %mul3A_1068 = arith.mulf %get3A_1025, %broadcast_in_dim3A_76 : vector<16xf32>
        %mul3A_1069 = arith.mulf %get3A_1028, %broadcast_in_dim3A_79 : vector<16xf32>
        %add3A_1070 = arith.addf %mul3A_1068, %mul3A_1069 : vector<16xf32>
        %mul3A_1071 = arith.mulf %get3A_1031, %broadcast_in_dim3A_82 : vector<16xf32>
        %add3A_1072 = arith.addf %add3A_1070, %mul3A_1071 : vector<16xf32>
        %add3A_1073 = arith.addf %get3A_1034, %add3A_1072 : vector<16xf32>
        %min3A_1074 = arith.minimumf %while3A_1018, %add3A_1073 : vector<16xf32>
        %max3A_1075 = arith.maximumf %while3A_1018, %add3A_1073 : vector<16xf32>
        %min3A_1076 = arith.minimumf %while3A_1019, %max3A_1075 : vector<16xf32>
        %max3A_1077 = arith.maximumf %while3A_1019, %max3A_1075 : vector<16xf32>
        %min3A_1078 = arith.minimumf %while3A_1020, %max3A_1077 : vector<16xf32>
        scf.yield %min3A_1041, %min3A_1043, %min3A_1045, %min3A_1052, %min3A_1054, %min3A_1056, %min3A_1063, %min3A_1065, %min3A_1067, %min3A_1074, %min3A_1076, %min3A_1078 : vector<16xf32>, vector<16xf32>, vector<16xf32>, vector<16xf32>, vector<16xf32>, vector<16xf32>, vector<16xf32>, vector<16xf32>, vector<16xf32>, vector<16xf32>, vector<16xf32>, vector<16xf32>
      }
      %add3A_176 = arith.constant 0 : i32
      %add3A_177 = arith.addi %add3A_24, %add3A_176 : i32
      %mul3A_178 = arith.constant 48 : i32
      %mul3A_179 = arith.muli %add3A_177, %mul3A_178 : i32
      %add3A_180 = arith.constant 0 : i32
      %add3A_181 = arith.addi %mul3A_179, %add3A_180 : i32
      %swap3A = arith.index_cast %add3A_181 : i32 to index
      %swap3A_182 = tpu.vector_load %arg11[%swap3A] {strides = array<i32>} : memref<49152xf32, #tpu.memory_space<vmem>>, vector<16xf32>,
      %swap3A_183 = vector.shape_cast %swap3A_182 : vector<16xf32> to vector<16xf32>
      %swap3A_184 = vector.shape_cast %while3A_175#0 : vector<16xf32> to vector<16xf32>
      tpu.vector_store %arg11[%swap3A], %swap3A_184 {strides = array<i32>} : memref<49152xf32, #tpu.memory_space<vmem>>, vector<16xf32>,
      %add3A_185 = arith.constant 16 : i32
      %add3A_186 = arith.addi %mul3A_179, %add3A_185 : i32
      %swap3A_187 = arith.index_cast %add3A_186 : i32 to index
      %swap3A_188 = tpu.vector_load %arg11[%swap3A_187] {strides = array<i32>} : memref<49152xf32, #tpu.memory_space<vmem>>, vector<16xf32>,
      %swap3A_189 = vector.shape_cast %swap3A_188 : vector<16xf32> to vector<16xf32>
      %swap3A_190 = vector.shape_cast %while3A_175#1 : vector<16xf32> to vector<16xf32>
      tpu.vector_store %arg11[%swap3A_187], %swap3A_190 {strides = array<i32>} : memref<49152xf32, #tpu.memory_space<vmem>>, vector<16xf32>,
      %add3A_191 = arith.constant 32 : i32
      %add3A_192 = arith.addi %mul3A_179, %add3A_191 : i32
      %swap3A_193 = arith.index_cast %add3A_192 : i32 to index
      %swap3A_194 = tpu.vector_load %arg11[%swap3A_193] {strides = array<i32>} : memref<49152xf32, #tpu.memory_space<vmem>>, vector<16xf32>,
      %swap3A_195 = vector.shape_cast %swap3A_194 : vector<16xf32> to vector<16xf32>
      %swap3A_196 = vector.shape_cast %while3A_175#2 : vector<16xf32> to vector<16xf32>
      tpu.vector_store %arg11[%swap3A_193], %swap3A_196 {strides = array<i32>} : memref<49152xf32, #tpu.memory_space<vmem>>, vector<16xf32>,
      %add3A_197 = arith.constant 1 : i32
      %add3A_198 = arith.addi %add3A_24, %add3A_197 : i32
      %mul3A_199 = arith.constant 48 : i32
      %mul3A_200 = arith.muli %add3A_198, %mul3A_199 : i32
      %add3A_201 = arith.constant 0 : i32
      %add3A_202 = arith.addi %mul3A_200, %add3A_201 : i32
      %swap3A_203 = arith.index_cast %add3A_202 : i32 to index
      %swap3A_204 = tpu.vector_load %arg11[%swap3A_203] {strides = array<i32>} : memref<49152xf32, #tpu.memory_space<vmem>>, vector<16xf32>,
      %swap3A_205 = vector.shape_cast %swap3A_204 : vector<16xf32> to vector<16xf32>
      %swap3A_206 = vector.shape_cast %while3A_175#3 : vector<16xf32> to vector<16xf32>
      tpu.vector_store %arg11[%swap3A_203], %swap3A_206 {strides = array<i32>} : memref<49152xf32, #tpu.memory_space<vmem>>, vector<16xf32>,
      %add3A_207 = arith.constant 16 : i32
      %add3A_208 = arith.addi %mul3A_200, %add3A_207 : i32
      %swap3A_209 = arith.index_cast %add3A_208 : i32 to index
      %swap3A_210 = tpu.vector_load %arg11[%swap3A_209] {strides = array<i32>} : memref<49152xf32, #tpu.memory_space<vmem>>, vector<16xf32>,
      %swap3A_211 = vector.shape_cast %swap3A_210 : vector<16xf32> to vector<16xf32>
      %swap3A_212 = vector.shape_cast %while3A_175#4 : vector<16xf32> to vector<16xf32>
      tpu.vector_store %arg11[%swap3A_209], %swap3A_212 {strides = array<i32>} : memref<49152xf32, #tpu.memory_space<vmem>>, vector<16xf32>,
      %add3A_213 = arith.constant 32 : i32
      %add3A_214 = arith.addi %mul3A_200, %add3A_213 : i32
      %swap3A_215 = arith.index_cast %add3A_214 : i32 to index
      %swap3A_216 = tpu.vector_load %arg11[%swap3A_215] {strides = array<i32>} : memref<49152xf32, #tpu.memory_space<vmem>>, vector<16xf32>,
      %swap3A_217 = vector.shape_cast %swap3A_216 : vector<16xf32> to vector<16xf32>
      %swap3A_218 = vector.shape_cast %while3A_175#5 : vector<16xf32> to vector<16xf32>
      tpu.vector_store %arg11[%swap3A_215], %swap3A_218 {strides = array<i32>} : memref<49152xf32, #tpu.memory_space<vmem>>, vector<16xf32>,
      %add3A_219 = arith.constant 2 : i32
      %add3A_220 = arith.addi %add3A_24, %add3A_219 : i32
      %mul3A_221 = arith.constant 48 : i32
      %mul3A_222 = arith.muli %add3A_220, %mul3A_221 : i32
      %add3A_223 = arith.constant 0 : i32
      %add3A_224 = arith.addi %mul3A_222, %add3A_223 : i32
      %swap3A_225 = arith.index_cast %add3A_224 : i32 to index
      %swap3A_226 = tpu.vector_load %arg11[%swap3A_225] {strides = array<i32>} : memref<49152xf32, #tpu.memory_space<vmem>>, vector<16xf32>,
      %swap3A_227 = vector.shape_cast %swap3A_226 : vector<16xf32> to vector<16xf32>
      %swap3A_228 = vector.shape_cast %while3A_175#6 : vector<16xf32> to vector<16xf32>
      tpu.vector_store %arg11[%swap3A_225], %swap3A_228 {strides = array<i32>} : memref<49152xf32, #tpu.memory_space<vmem>>, vector<16xf32>,
      %add3A_229 = arith.constant 16 : i32
      %add3A_230 = arith.addi %mul3A_222, %add3A_229 : i32
      %swap3A_231 = arith.index_cast %add3A_230 : i32 to index
      %swap3A_232 = tpu.vector_load %arg11[%swap3A_231] {strides = array<i32>} : memref<49152xf32, #tpu.memory_space<vmem>>, vector<16xf32>,
      %swap3A_233 = vector.shape_cast %swap3A_232 : vector<16xf32> to vector<16xf32>
      %swap3A_234 = vector.shape_cast %while3A_175#7 : vector<16xf32> to vector<16xf32>
      tpu.vector_store %arg11[%swap3A_231], %swap3A_234 {strides = array<i32>} : memref<49152xf32, #tpu.memory_space<vmem>>, vector<16xf32>,
      %add3A_235 = arith.constant 32 : i32
      %add3A_236 = arith.addi %mul3A_222, %add3A_235 : i32
      %swap3A_237 = arith.index_cast %add3A_236 : i32 to index
      %swap3A_238 = tpu.vector_load %arg11[%swap3A_237] {strides = array<i32>} : memref<49152xf32, #tpu.memory_space<vmem>>, vector<16xf32>,
      %swap3A_239 = vector.shape_cast %swap3A_238 : vector<16xf32> to vector<16xf32>
      %swap3A_240 = vector.shape_cast %while3A_175#8 : vector<16xf32> to vector<16xf32>
      tpu.vector_store %arg11[%swap3A_237], %swap3A_240 {strides = array<i32>} : memref<49152xf32, #tpu.memory_space<vmem>>, vector<16xf32>,
      %add3A_241 = arith.constant 3 : i32
      %add3A_242 = arith.addi %add3A_24, %add3A_241 : i32
      %mul3A_243 = arith.constant 48 : i32
      %mul3A_244 = arith.muli %add3A_242, %mul3A_243 : i32
      %add3A_245 = arith.constant 0 : i32
      %add3A_246 = arith.addi %mul3A_244, %add3A_245 : i32
      %swap3A_247 = arith.index_cast %add3A_246 : i32 to index
      %swap3A_248 = tpu.vector_load %arg11[%swap3A_247] {strides = array<i32>} : memref<49152xf32, #tpu.memory_space<vmem>>, vector<16xf32>,
      %swap3A_249 = vector.shape_cast %swap3A_248 : vector<16xf32> to vector<16xf32>
      %swap3A_250 = vector.shape_cast %while3A_175#9 : vector<16xf32> to vector<16xf32>
      tpu.vector_store %arg11[%swap3A_247], %swap3A_250 {strides = array<i32>} : memref<49152xf32, #tpu.memory_space<vmem>>, vector<16xf32>,
      %add3A_251 = arith.constant 16 : i32
      %add3A_252 = arith.addi %mul3A_244, %add3A_251 : i32
      %swap3A_253 = arith.index_cast %add3A_252 : i32 to index
      %swap3A_254 = tpu.vector_load %arg11[%swap3A_253] {strides = array<i32>} : memref<49152xf32, #tpu.memory_space<vmem>>, vector<16xf32>,
      %swap3A_255 = vector.shape_cast %swap3A_254 : vector<16xf32> to vector<16xf32>
      %swap3A_256 = vector.shape_cast %while3A_175#10 : vector<16xf32> to vector<16xf32>
      tpu.vector_store %arg11[%swap3A_253], %swap3A_256 {strides = array<i32>} : memref<49152xf32, #tpu.memory_space<vmem>>, vector<16xf32>,
      %add3A_257 = arith.constant 32 : i32
      %add3A_258 = arith.addi %mul3A_244, %add3A_257 : i32
      %swap3A_259 = arith.index_cast %add3A_258 : i32 to index
      %swap3A_260 = tpu.vector_load %arg11[%swap3A_259] {strides = array<i32>} : memref<49152xf32, #tpu.memory_space<vmem>>, vector<16xf32>,
      %swap3A_261 = vector.shape_cast %swap3A_260 : vector<16xf32> to vector<16xf32>
      %swap3A_262 = vector.shape_cast %while3A_175#11 : vector<16xf32> to vector<16xf32>
      tpu.vector_store %arg11[%swap3A_259], %swap3A_262 {strides = array<i32>} : memref<49152xf32, #tpu.memory_space<vmem>>, vector<16xf32>,
      %add3A_263 = arith.constant 4 : i32
      %add3A_264 = arith.addi %mul3A_11, %add3A_263 : i32
      %slice3A_265 = vector.extract_strided_slice %get3A_13 {offsets = [4], sizes = [1], strides = [1]} : vector<16xf32> to vector<1xf32>
      %squeeze3A_266 = vector.extract %slice3A_265[0] : f32 from vector<1xf32>
      %slice3A_267 = vector.extract_strided_slice %get3A_16 {offsets = [4], sizes = [1], strides = [1]} : vector<16xf32> to vector<1xf32>
      %squeeze3A_268 = vector.extract %slice3A_267[0] : f32 from vector<1xf32>
      %slice3A_269 = vector.extract_strided_slice %get3A_19 {offsets = [4], sizes = [1], strides = [1]} : vector<16xf32> to vector<1xf32>
      %squeeze3A_270 = vector.extract %slice3A_269[0] : f32 from vector<1xf32>
      %slice3A_271 = vector.extract_strided_slice %get3A_13 {offsets = [5], sizes = [1], strides = [1]} : vector<16xf32> to vector<1xf32>
      %squeeze3A_272 = vector.extract %slice3A_271[0] : f32 from vector<1xf32>
      %slice3A_273 = vector.extract_strided_slice %get3A_16 {offsets = [5], sizes = [1], strides = [1]} : vector<16xf32> to vector<1xf32>
      %squeeze3A_274 = vector.extract %slice3A_273[0] : f32 from vector<1xf32>
      %slice3A_275 = vector.extract_strided_slice %get3A_19 {offsets = [5], sizes = [1], strides = [1]} : vector<16xf32> to vector<1xf32>
      %squeeze3A_276 = vector.extract %slice3A_275[0] : f32 from vector<1xf32>
      %slice3A_277 = vector.extract_strided_slice %get3A_13 {offsets = [6], sizes = [1], strides = [1]} : vector<16xf32> to vector<1xf32>
      %squeeze3A_278 = vector.extract %slice3A_277[0] : f32 from vector<1xf32>
      %slice3A_279 = vector.extract_strided_slice %get3A_16 {offsets = [6], sizes = [1], strides = [1]} : vector<16xf32> to vector<1xf32>
      %squeeze3A_280 = vector.extract %slice3A_279[0] : f32 from vector<1xf32>
      %slice3A_281 = vector.extract_strided_slice %get3A_19 {offsets = [6], sizes = [1], strides = [1]} : vector<16xf32> to vector<1xf32>
      %squeeze3A_282 = vector.extract %slice3A_281[0] : f32 from vector<1xf32>
      %slice3A_283 = vector.extract_strided_slice %get3A_13 {offsets = [7], sizes = [1], strides = [1]} : vector<16xf32> to vector<1xf32>
      %squeeze3A_284 = vector.extract %slice3A_283[0] : f32 from vector<1xf32>
      %slice3A_285 = vector.extract_strided_slice %get3A_16 {offsets = [7], sizes = [1], strides = [1]} : vector<16xf32> to vector<1xf32>
      %squeeze3A_286 = vector.extract %slice3A_285[0] : f32 from vector<1xf32>
      %slice3A_287 = vector.extract_strided_slice %get3A_19 {offsets = [7], sizes = [1], strides = [1]} : vector<16xf32> to vector<1xf32>
      %squeeze3A_288 = vector.extract %slice3A_287[0] : f32 from vector<1xf32>
      %mul3A_289 = arith.constant -2.000000e+00 : f32
      %mul3A_290 = arith.mulf %mul3A_289, %squeeze3A_266 : f32
      %broadcast_in_dim3A_291 = vector.broadcast %mul3A_290 : f32 to vector<16xf32>
      %mul3A_292 = arith.constant -2.000000e+00 : f32
      %mul3A_293 = arith.mulf %mul3A_292, %squeeze3A_268 : f32
      %broadcast_in_dim3A_294 = vector.broadcast %mul3A_293 : f32 to vector<16xf32>
      %mul3A_295 = arith.constant -2.000000e+00 : f32
      %mul3A_296 = arith.mulf %mul3A_295, %squeeze3A_270 : f32
      %broadcast_in_dim3A_297 = vector.broadcast %mul3A_296 : f32 to vector<16xf32>
      %mul3A_298 = arith.constant -2.000000e+00 : f32
      %mul3A_299 = arith.mulf %mul3A_298, %squeeze3A_272 : f32
      %broadcast_in_dim3A_300 = vector.broadcast %mul3A_299 : f32 to vector<16xf32>
      %mul3A_301 = arith.constant -2.000000e+00 : f32
      %mul3A_302 = arith.mulf %mul3A_301, %squeeze3A_274 : f32
      %broadcast_in_dim3A_303 = vector.broadcast %mul3A_302 : f32 to vector<16xf32>
      %mul3A_304 = arith.constant -2.000000e+00 : f32
      %mul3A_305 = arith.mulf %mul3A_304, %squeeze3A_276 : f32
      %broadcast_in_dim3A_306 = vector.broadcast %mul3A_305 : f32 to vector<16xf32>
      %mul3A_307 = arith.constant -2.000000e+00 : f32
      %mul3A_308 = arith.mulf %mul3A_307, %squeeze3A_278 : f32
      %broadcast_in_dim3A_309 = vector.broadcast %mul3A_308 : f32 to vector<16xf32>
      %mul3A_310 = arith.constant -2.000000e+00 : f32
      %mul3A_311 = arith.mulf %mul3A_310, %squeeze3A_280 : f32
      %broadcast_in_dim3A_312 = vector.broadcast %mul3A_311 : f32 to vector<16xf32>
      %mul3A_313 = arith.constant -2.000000e+00 : f32
      %mul3A_314 = arith.mulf %mul3A_313, %squeeze3A_282 : f32
      %broadcast_in_dim3A_315 = vector.broadcast %mul3A_314 : f32 to vector<16xf32>
      %mul3A_316 = arith.constant -2.000000e+00 : f32
      %mul3A_317 = arith.mulf %mul3A_316, %squeeze3A_284 : f32
      %broadcast_in_dim3A_318 = vector.broadcast %mul3A_317 : f32 to vector<16xf32>
      %mul3A_319 = arith.constant -2.000000e+00 : f32
      %mul3A_320 = arith.mulf %mul3A_319, %squeeze3A_286 : f32
      %broadcast_in_dim3A_321 = vector.broadcast %mul3A_320 : f32 to vector<16xf32>
      %mul3A_322 = arith.constant -2.000000e+00 : f32
      %mul3A_323 = arith.mulf %mul3A_322, %squeeze3A_288 : f32
      %broadcast_in_dim3A_324 = vector.broadcast %mul3A_323 : f32 to vector<16xf32>
      %while3A_325 = arith.constant 0 : i32
      %while3A_326 = arith.subi %add3A_22, %while3A_325 : i32
      %while3A_327 = arith.addi %while3A_325, %while3A_326 : i32
      %while3A_328 = arith.constant 1 : i32
      %while3A_329 = arith.divsi %while3A_326, %while3A_328 : i32
      %while3A_330 = arith.muli %while3A_329, %while3A_328 : i32
      %while3A_331 = arith.addi %while3A_325, %while3A_330 : i32
      %while3A_332 = arith.constant 1 : i32
      %while3A_333:12 = scf.for %while3A_1008 = %while3A_325 to %while3A_331 step %while3A_332 iter_args(%while3A_1009 = %broadcast_in_dim3A_0, %while3A_1010 = %broadcast_in_dim3A_0, %while3A_1011 = %broadcast_in_dim3A_0, %while3A_1012 = %broadcast_in_dim3A_0, %while3A_1013 = %broadcast_in_dim3A_0, %while3A_1014 = %broadcast_in_dim3A_0, %while3A_1015 = %broadcast_in_dim3A_0, %while3A_1016 = %broadcast_in_dim3A_0, %while3A_1017 = %broadcast_in_dim3A_0, %while3A_1018 = %broadcast_in_dim3A_0, %while3A_1019 = %broadcast_in_dim3A_0, %while3A_1020 = %broadcast_in_dim3A_0) -> (vector<16xf32>, vector<16xf32>, vector<16xf32>, vector<16xf32>, vector<16xf32>, vector<16xf32>, vector<16xf32>, vector<16xf32>, vector<16xf32>, vector<16xf32>, vector<16xf32>, vector<16xf32>)  : i32 {
        %mul3A_1021 = arith.constant 16 : i32
        %mul3A_1022 = arith.muli %while3A_1008, %mul3A_1021 : i32
        %get3A_1023 = arith.index_cast %mul3A_1022 : i32 to index
        %get3A_1024 = tpu.vector_load %arg7[%get3A_1023] {strides = array<i32>} : memref<2048xf32, #tpu.memory_space<vmem>>, vector<16xf32>,
        %get3A_1025 = vector.shape_cast %get3A_1024 : vector<16xf32> to vector<16xf32>
        %get3A_1026 = arith.index_cast %mul3A_1022 : i32 to index
        %get3A_1027 = tpu.vector_load %arg8[%get3A_1026] {strides = array<i32>} : memref<2048xf32, #tpu.memory_space<vmem>>, vector<16xf32>,
        %get3A_1028 = vector.shape_cast %get3A_1027 : vector<16xf32> to vector<16xf32>
        %get3A_1029 = arith.index_cast %mul3A_1022 : i32 to index
        %get3A_1030 = tpu.vector_load %arg9[%get3A_1029] {strides = array<i32>} : memref<2048xf32, #tpu.memory_space<vmem>>, vector<16xf32>,
        %get3A_1031 = vector.shape_cast %get3A_1030 : vector<16xf32> to vector<16xf32>
        %get3A_1032 = arith.index_cast %mul3A_1022 : i32 to index
        %get3A_1033 = tpu.vector_load %arg10[%get3A_1032] {strides = array<i32>} : memref<2048xf32, #tpu.memory_space<vmem>>, vector<16xf32>,
        %get3A_1034 = vector.shape_cast %get3A_1033 : vector<16xf32> to vector<16xf32>
        %mul3A_1035 = arith.mulf %get3A_1025, %broadcast_in_dim3A_291 : vector<16xf32>
        %mul3A_1036 = arith.mulf %get3A_1028, %broadcast_in_dim3A_294 : vector<16xf32>
        %add3A_1037 = arith.addf %mul3A_1035, %mul3A_1036 : vector<16xf32>
        %mul3A_1038 = arith.mulf %get3A_1031, %broadcast_in_dim3A_297 : vector<16xf32>
        %add3A_1039 = arith.addf %add3A_1037, %mul3A_1038 : vector<16xf32>
        %add3A_1040 = arith.addf %get3A_1034, %add3A_1039 : vector<16xf32>
        %min3A_1041 = arith.minimumf %while3A_1009, %add3A_1040 : vector<16xf32>
        %max3A_1042 = arith.maximumf %while3A_1009, %add3A_1040 : vector<16xf32>
        %min3A_1043 = arith.minimumf %while3A_1010, %max3A_1042 : vector<16xf32>
        %max3A_1044 = arith.maximumf %while3A_1010, %max3A_1042 : vector<16xf32>
        %min3A_1045 = arith.minimumf %while3A_1011, %max3A_1044 : vector<16xf32>
        %mul3A_1046 = arith.mulf %get3A_1025, %broadcast_in_dim3A_300 : vector<16xf32>
        %mul3A_1047 = arith.mulf %get3A_1028, %broadcast_in_dim3A_303 : vector<16xf32>
        %add3A_1048 = arith.addf %mul3A_1046, %mul3A_1047 : vector<16xf32>
        %mul3A_1049 = arith.mulf %get3A_1031, %broadcast_in_dim3A_306 : vector<16xf32>
        %add3A_1050 = arith.addf %add3A_1048, %mul3A_1049 : vector<16xf32>
        %add3A_1051 = arith.addf %get3A_1034, %add3A_1050 : vector<16xf32>
        %min3A_1052 = arith.minimumf %while3A_1012, %add3A_1051 : vector<16xf32>
        %max3A_1053 = arith.maximumf %while3A_1012, %add3A_1051 : vector<16xf32>
        %min3A_1054 = arith.minimumf %while3A_1013, %max3A_1053 : vector<16xf32>
        %max3A_1055 = arith.maximumf %while3A_1013, %max3A_1053 : vector<16xf32>
        %min3A_1056 = arith.minimumf %while3A_1014, %max3A_1055 : vector<16xf32>
        %mul3A_1057 = arith.mulf %get3A_1025, %broadcast_in_dim3A_309 : vector<16xf32>
        %mul3A_1058 = arith.mulf %get3A_1028, %broadcast_in_dim3A_312 : vector<16xf32>
        %add3A_1059 = arith.addf %mul3A_1057, %mul3A_1058 : vector<16xf32>
        %mul3A_1060 = arith.mulf %get3A_1031, %broadcast_in_dim3A_315 : vector<16xf32>
        %add3A_1061 = arith.addf %add3A_1059, %mul3A_1060 : vector<16xf32>
        %add3A_1062 = arith.addf %get3A_1034, %add3A_1061 : vector<16xf32>
        %min3A_1063 = arith.minimumf %while3A_1015, %add3A_1062 : vector<16xf32>
        %max3A_1064 = arith.maximumf %while3A_1015, %add3A_1062 : vector<16xf32>
        %min3A_1065 = arith.minimumf %while3A_1016, %max3A_1064 : vector<16xf32>
        %max3A_1066 = arith.maximumf %while3A_1016, %max3A_1064 : vector<16xf32>
        %min3A_1067 = arith.minimumf %while3A_1017, %max3A_1066 : vector<16xf32>
        %mul3A_1068 = arith.mulf %get3A_1025, %broadcast_in_dim3A_318 : vector<16xf32>
        %mul3A_1069 = arith.mulf %get3A_1028, %broadcast_in_dim3A_321 : vector<16xf32>
        %add3A_1070 = arith.addf %mul3A_1068, %mul3A_1069 : vector<16xf32>
        %mul3A_1071 = arith.mulf %get3A_1031, %broadcast_in_dim3A_324 : vector<16xf32>
        %add3A_1072 = arith.addf %add3A_1070, %mul3A_1071 : vector<16xf32>
        %add3A_1073 = arith.addf %get3A_1034, %add3A_1072 : vector<16xf32>
        %min3A_1074 = arith.minimumf %while3A_1018, %add3A_1073 : vector<16xf32>
        %max3A_1075 = arith.maximumf %while3A_1018, %add3A_1073 : vector<16xf32>
        %min3A_1076 = arith.minimumf %while3A_1019, %max3A_1075 : vector<16xf32>
        %max3A_1077 = arith.maximumf %while3A_1019, %max3A_1075 : vector<16xf32>
        %min3A_1078 = arith.minimumf %while3A_1020, %max3A_1077 : vector<16xf32>
        scf.yield %min3A_1041, %min3A_1043, %min3A_1045, %min3A_1052, %min3A_1054, %min3A_1056, %min3A_1063, %min3A_1065, %min3A_1067, %min3A_1074, %min3A_1076, %min3A_1078 : vector<16xf32>, vector<16xf32>, vector<16xf32>, vector<16xf32>, vector<16xf32>, vector<16xf32>, vector<16xf32>, vector<16xf32>, vector<16xf32>, vector<16xf32>, vector<16xf32>, vector<16xf32>
      }
      %while3A_334 = arith.constant 1 : i32
      %while3A_335:12 = scf.for %while3A_1008 = %while3A_331 to %while3A_327 step %while3A_334 iter_args(%while3A_1009 = %while3A_333#0, %while3A_1010 = %while3A_333#1, %while3A_1011 = %while3A_333#2, %while3A_1012 = %while3A_333#3, %while3A_1013 = %while3A_333#4, %while3A_1014 = %while3A_333#5, %while3A_1015 = %while3A_333#6, %while3A_1016 = %while3A_333#7, %while3A_1017 = %while3A_333#8, %while3A_1018 = %while3A_333#9, %while3A_1019 = %while3A_333#10, %while3A_1020 = %while3A_333#11) -> (vector<16xf32>, vector<16xf32>, vector<16xf32>, vector<16xf32>, vector<16xf32>, vector<16xf32>, vector<16xf32>, vector<16xf32>, vector<16xf32>, vector<16xf32>, vector<16xf32>, vector<16xf32>)  : i32 {
        %mul3A_1021 = arith.constant 16 : i32
        %mul3A_1022 = arith.muli %while3A_1008, %mul3A_1021 : i32
        %get3A_1023 = arith.index_cast %mul3A_1022 : i32 to index
        %get3A_1024 = tpu.vector_load %arg7[%get3A_1023] {strides = array<i32>} : memref<2048xf32, #tpu.memory_space<vmem>>, vector<16xf32>,
        %get3A_1025 = vector.shape_cast %get3A_1024 : vector<16xf32> to vector<16xf32>
        %get3A_1026 = arith.index_cast %mul3A_1022 : i32 to index
        %get3A_1027 = tpu.vector_load %arg8[%get3A_1026] {strides = array<i32>} : memref<2048xf32, #tpu.memory_space<vmem>>, vector<16xf32>,
        %get3A_1028 = vector.shape_cast %get3A_1027 : vector<16xf32> to vector<16xf32>
        %get3A_1029 = arith.index_cast %mul3A_1022 : i32 to index
        %get3A_1030 = tpu.vector_load %arg9[%get3A_1029] {strides = array<i32>} : memref<2048xf32, #tpu.memory_space<vmem>>, vector<16xf32>,
        %get3A_1031 = vector.shape_cast %get3A_1030 : vector<16xf32> to vector<16xf32>
        %get3A_1032 = arith.index_cast %mul3A_1022 : i32 to index
        %get3A_1033 = tpu.vector_load %arg10[%get3A_1032] {strides = array<i32>} : memref<2048xf32, #tpu.memory_space<vmem>>, vector<16xf32>,
        %get3A_1034 = vector.shape_cast %get3A_1033 : vector<16xf32> to vector<16xf32>
        %mul3A_1035 = arith.mulf %get3A_1025, %broadcast_in_dim3A_291 : vector<16xf32>
        %mul3A_1036 = arith.mulf %get3A_1028, %broadcast_in_dim3A_294 : vector<16xf32>
        %add3A_1037 = arith.addf %mul3A_1035, %mul3A_1036 : vector<16xf32>
        %mul3A_1038 = arith.mulf %get3A_1031, %broadcast_in_dim3A_297 : vector<16xf32>
        %add3A_1039 = arith.addf %add3A_1037, %mul3A_1038 : vector<16xf32>
        %add3A_1040 = arith.addf %get3A_1034, %add3A_1039 : vector<16xf32>
        %min3A_1041 = arith.minimumf %while3A_1009, %add3A_1040 : vector<16xf32>
        %max3A_1042 = arith.maximumf %while3A_1009, %add3A_1040 : vector<16xf32>
        %min3A_1043 = arith.minimumf %while3A_1010, %max3A_1042 : vector<16xf32>
        %max3A_1044 = arith.maximumf %while3A_1010, %max3A_1042 : vector<16xf32>
        %min3A_1045 = arith.minimumf %while3A_1011, %max3A_1044 : vector<16xf32>
        %mul3A_1046 = arith.mulf %get3A_1025, %broadcast_in_dim3A_300 : vector<16xf32>
        %mul3A_1047 = arith.mulf %get3A_1028, %broadcast_in_dim3A_303 : vector<16xf32>
        %add3A_1048 = arith.addf %mul3A_1046, %mul3A_1047 : vector<16xf32>
        %mul3A_1049 = arith.mulf %get3A_1031, %broadcast_in_dim3A_306 : vector<16xf32>
        %add3A_1050 = arith.addf %add3A_1048, %mul3A_1049 : vector<16xf32>
        %add3A_1051 = arith.addf %get3A_1034, %add3A_1050 : vector<16xf32>
        %min3A_1052 = arith.minimumf %while3A_1012, %add3A_1051 : vector<16xf32>
        %max3A_1053 = arith.maximumf %while3A_1012, %add3A_1051 : vector<16xf32>
        %min3A_1054 = arith.minimumf %while3A_1013, %max3A_1053 : vector<16xf32>
        %max3A_1055 = arith.maximumf %while3A_1013, %max3A_1053 : vector<16xf32>
        %min3A_1056 = arith.minimumf %while3A_1014, %max3A_1055 : vector<16xf32>
        %mul3A_1057 = arith.mulf %get3A_1025, %broadcast_in_dim3A_309 : vector<16xf32>
        %mul3A_1058 = arith.mulf %get3A_1028, %broadcast_in_dim3A_312 : vector<16xf32>
        %add3A_1059 = arith.addf %mul3A_1057, %mul3A_1058 : vector<16xf32>
        %mul3A_1060 = arith.mulf %get3A_1031, %broadcast_in_dim3A_315 : vector<16xf32>
        %add3A_1061 = arith.addf %add3A_1059, %mul3A_1060 : vector<16xf32>
        %add3A_1062 = arith.addf %get3A_1034, %add3A_1061 : vector<16xf32>
        %min3A_1063 = arith.minimumf %while3A_1015, %add3A_1062 : vector<16xf32>
        %max3A_1064 = arith.maximumf %while3A_1015, %add3A_1062 : vector<16xf32>
        %min3A_1065 = arith.minimumf %while3A_1016, %max3A_1064 : vector<16xf32>
        %max3A_1066 = arith.maximumf %while3A_1016, %max3A_1064 : vector<16xf32>
        %min3A_1067 = arith.minimumf %while3A_1017, %max3A_1066 : vector<16xf32>
        %mul3A_1068 = arith.mulf %get3A_1025, %broadcast_in_dim3A_318 : vector<16xf32>
        %mul3A_1069 = arith.mulf %get3A_1028, %broadcast_in_dim3A_321 : vector<16xf32>
        %add3A_1070 = arith.addf %mul3A_1068, %mul3A_1069 : vector<16xf32>
        %mul3A_1071 = arith.mulf %get3A_1031, %broadcast_in_dim3A_324 : vector<16xf32>
        %add3A_1072 = arith.addf %add3A_1070, %mul3A_1071 : vector<16xf32>
        %add3A_1073 = arith.addf %get3A_1034, %add3A_1072 : vector<16xf32>
        %min3A_1074 = arith.minimumf %while3A_1018, %add3A_1073 : vector<16xf32>
        %max3A_1075 = arith.maximumf %while3A_1018, %add3A_1073 : vector<16xf32>
        %min3A_1076 = arith.minimumf %while3A_1019, %max3A_1075 : vector<16xf32>
        %max3A_1077 = arith.maximumf %while3A_1019, %max3A_1075 : vector<16xf32>
        %min3A_1078 = arith.minimumf %while3A_1020, %max3A_1077 : vector<16xf32>
        scf.yield %min3A_1041, %min3A_1043, %min3A_1045, %min3A_1052, %min3A_1054, %min3A_1056, %min3A_1063, %min3A_1065, %min3A_1067, %min3A_1074, %min3A_1076, %min3A_1078 : vector<16xf32>, vector<16xf32>, vector<16xf32>, vector<16xf32>, vector<16xf32>, vector<16xf32>, vector<16xf32>, vector<16xf32>, vector<16xf32>, vector<16xf32>, vector<16xf32>, vector<16xf32>
      }
      %mul3A_336 = arith.constant 16 : i32
      %mul3A_337 = arith.muli %add3A_22, %mul3A_336 : i32
      %get3A_338 = arith.index_cast %mul3A_337 : i32 to index
      %get3A_339 = tpu.vector_load %arg7[%get3A_338] {strides = array<i32>} : memref<2048xf32, #tpu.memory_space<vmem>>, vector<16xf32>,
      %get3A_340 = vector.shape_cast %get3A_339 : vector<16xf32> to vector<16xf32>
      %get3A_341 = arith.index_cast %mul3A_337 : i32 to index
      %get3A_342 = tpu.vector_load %arg8[%get3A_341] {strides = array<i32>} : memref<2048xf32, #tpu.memory_space<vmem>>, vector<16xf32>,
      %get3A_343 = vector.shape_cast %get3A_342 : vector<16xf32> to vector<16xf32>
      %get3A_344 = arith.index_cast %mul3A_337 : i32 to index
      %get3A_345 = tpu.vector_load %arg9[%get3A_344] {strides = array<i32>} : memref<2048xf32, #tpu.memory_space<vmem>>, vector<16xf32>,
      %get3A_346 = vector.shape_cast %get3A_345 : vector<16xf32> to vector<16xf32>
      %get3A_347 = arith.index_cast %mul3A_337 : i32 to index
      %get3A_348 = tpu.vector_load %arg10[%get3A_347] {strides = array<i32>} : memref<2048xf32, #tpu.memory_space<vmem>>, vector<16xf32>,
      %get3A_349 = vector.shape_cast %get3A_348 : vector<16xf32> to vector<16xf32>
      %mul3A_350 = arith.mulf %get3A_340, %broadcast_in_dim3A_291 : vector<16xf32>
      %mul3A_351 = arith.mulf %get3A_343, %broadcast_in_dim3A_294 : vector<16xf32>
      %add3A_352 = arith.addf %mul3A_350, %mul3A_351 : vector<16xf32>
      %mul3A_353 = arith.mulf %get3A_346, %broadcast_in_dim3A_297 : vector<16xf32>
      %add3A_354 = arith.addf %add3A_352, %mul3A_353 : vector<16xf32>
      %add3A_355 = arith.addf %get3A_349, %add3A_354 : vector<16xf32>
      %eq3A_356 = arith.constant 4 : i32
      %eq3A_357 = vector.broadcast %eq3A_356 : i32 to vector<16xi32>
      %eq3A_358 = arith.cmpi eq, %iota3A, %eq3A_357 : vector<16xi32>
      %select_n3A_359 = arith.select %eq3A_358, %broadcast_in_dim3A_0, %add3A_355 : vector<16xi1>, vector<16xf32>
      %min3A_360 = arith.minimumf %while3A_335#0, %select_n3A_359 : vector<16xf32>
      %max3A_361 = arith.maximumf %while3A_335#0, %select_n3A_359 : vector<16xf32>
      %min3A_362 = arith.minimumf %while3A_335#1, %max3A_361 : vector<16xf32>
      %max3A_363 = arith.maximumf %while3A_335#1, %max3A_361 : vector<16xf32>
      %min3A_364 = arith.minimumf %while3A_335#2, %max3A_363 : vector<16xf32>
      %mul3A_365 = arith.mulf %get3A_340, %broadcast_in_dim3A_300 : vector<16xf32>
      %mul3A_366 = arith.mulf %get3A_343, %broadcast_in_dim3A_303 : vector<16xf32>
      %add3A_367 = arith.addf %mul3A_365, %mul3A_366 : vector<16xf32>
      %mul3A_368 = arith.mulf %get3A_346, %broadcast_in_dim3A_306 : vector<16xf32>
      %add3A_369 = arith.addf %add3A_367, %mul3A_368 : vector<16xf32>
      %add3A_370 = arith.addf %get3A_349, %add3A_369 : vector<16xf32>
      %eq3A_371 = arith.constant 5 : i32
      %eq3A_372 = vector.broadcast %eq3A_371 : i32 to vector<16xi32>
      %eq3A_373 = arith.cmpi eq, %iota3A, %eq3A_372 : vector<16xi32>
      %select_n3A_374 = arith.select %eq3A_373, %broadcast_in_dim3A_0, %add3A_370 : vector<16xi1>, vector<16xf32>
      %min3A_375 = arith.minimumf %while3A_335#3, %select_n3A_374 : vector<16xf32>
      %max3A_376 = arith.maximumf %while3A_335#3, %select_n3A_374 : vector<16xf32>
      %min3A_377 = arith.minimumf %while3A_335#4, %max3A_376 : vector<16xf32>
      %max3A_378 = arith.maximumf %while3A_335#4, %max3A_376 : vector<16xf32>
      %min3A_379 = arith.minimumf %while3A_335#5, %max3A_378 : vector<16xf32>
      %mul3A_380 = arith.mulf %get3A_340, %broadcast_in_dim3A_309 : vector<16xf32>
      %mul3A_381 = arith.mulf %get3A_343, %broadcast_in_dim3A_312 : vector<16xf32>
      %add3A_382 = arith.addf %mul3A_380, %mul3A_381 : vector<16xf32>
      %mul3A_383 = arith.mulf %get3A_346, %broadcast_in_dim3A_315 : vector<16xf32>
      %add3A_384 = arith.addf %add3A_382, %mul3A_383 : vector<16xf32>
      %add3A_385 = arith.addf %get3A_349, %add3A_384 : vector<16xf32>
      %eq3A_386 = arith.constant 6 : i32
      %eq3A_387 = vector.broadcast %eq3A_386 : i32 to vector<16xi32>
      %eq3A_388 = arith.cmpi eq, %iota3A, %eq3A_387 : vector<16xi32>
      %select_n3A_389 = arith.select %eq3A_388, %broadcast_in_dim3A_0, %add3A_385 : vector<16xi1>, vector<16xf32>
      %min3A_390 = arith.minimumf %while3A_335#6, %select_n3A_389 : vector<16xf32>
      %max3A_391 = arith.maximumf %while3A_335#6, %select_n3A_389 : vector<16xf32>
      %min3A_392 = arith.minimumf %while3A_335#7, %max3A_391 : vector<16xf32>
      %max3A_393 = arith.maximumf %while3A_335#7, %max3A_391 : vector<16xf32>
      %min3A_394 = arith.minimumf %while3A_335#8, %max3A_393 : vector<16xf32>
      %mul3A_395 = arith.mulf %get3A_340, %broadcast_in_dim3A_318 : vector<16xf32>
      %mul3A_396 = arith.mulf %get3A_343, %broadcast_in_dim3A_321 : vector<16xf32>
      %add3A_397 = arith.addf %mul3A_395, %mul3A_396 : vector<16xf32>
      %mul3A_398 = arith.mulf %get3A_346, %broadcast_in_dim3A_324 : vector<16xf32>
      %add3A_399 = arith.addf %add3A_397, %mul3A_398 : vector<16xf32>
      %add3A_400 = arith.addf %get3A_349, %add3A_399 : vector<16xf32>
      %eq3A_401 = arith.constant 7 : i32
      %eq3A_402 = vector.broadcast %eq3A_401 : i32 to vector<16xi32>
      %eq3A_403 = arith.cmpi eq, %iota3A, %eq3A_402 : vector<16xi32>
      %select_n3A_404 = arith.select %eq3A_403, %broadcast_in_dim3A_0, %add3A_400 : vector<16xi1>, vector<16xf32>
      %min3A_405 = arith.minimumf %while3A_335#9, %select_n3A_404 : vector<16xf32>
      %max3A_406 = arith.maximumf %while3A_335#9, %select_n3A_404 : vector<16xf32>
      %min3A_407 = arith.minimumf %while3A_335#10, %max3A_406 : vector<16xf32>
      %max3A_408 = arith.maximumf %while3A_335#10, %max3A_406 : vector<16xf32>
      %min3A_409 = arith.minimumf %while3A_335#11, %max3A_408 : vector<16xf32>
      %add3A_410 = arith.constant 1 : i32
      %add3A_411 = arith.addi %add3A_22, %add3A_410 : i32
      %while3A_412 = arith.constant 128 : i32
      %while3A_413 = arith.subi %while3A_412, %add3A_411 : i32
      %while3A_414 = arith.addi %add3A_411, %while3A_413 : i32
      %while3A_415 = arith.constant 1 : i32
      %while3A_416 = arith.divsi %while3A_413, %while3A_415 : i32
      %while3A_417 = arith.muli %while3A_416, %while3A_415 : i32
      %while3A_418 = arith.addi %add3A_411, %while3A_417 : i32
      %while3A_419 = arith.constant 1 : i32
      %while3A_420:12 = scf.for %while3A_1008 = %add3A_411 to %while3A_418 step %while3A_419 iter_args(%while3A_1009 = %min3A_360, %while3A_1010 = %min3A_362, %while3A_1011 = %min3A_364, %while3A_1012 = %min3A_375, %while3A_1013 = %min3A_377, %while3A_1014 = %min3A_379, %while3A_1015 = %min3A_390, %while3A_1016 = %min3A_392, %while3A_1017 = %min3A_394, %while3A_1018 = %min3A_405, %while3A_1019 = %min3A_407, %while3A_1020 = %min3A_409) -> (vector<16xf32>, vector<16xf32>, vector<16xf32>, vector<16xf32>, vector<16xf32>, vector<16xf32>, vector<16xf32>, vector<16xf32>, vector<16xf32>, vector<16xf32>, vector<16xf32>, vector<16xf32>)  : i32 {
        %mul3A_1021 = arith.constant 16 : i32
        %mul3A_1022 = arith.muli %while3A_1008, %mul3A_1021 : i32
        %get3A_1023 = arith.index_cast %mul3A_1022 : i32 to index
        %get3A_1024 = tpu.vector_load %arg7[%get3A_1023] {strides = array<i32>} : memref<2048xf32, #tpu.memory_space<vmem>>, vector<16xf32>,
        %get3A_1025 = vector.shape_cast %get3A_1024 : vector<16xf32> to vector<16xf32>
        %get3A_1026 = arith.index_cast %mul3A_1022 : i32 to index
        %get3A_1027 = tpu.vector_load %arg8[%get3A_1026] {strides = array<i32>} : memref<2048xf32, #tpu.memory_space<vmem>>, vector<16xf32>,
        %get3A_1028 = vector.shape_cast %get3A_1027 : vector<16xf32> to vector<16xf32>
        %get3A_1029 = arith.index_cast %mul3A_1022 : i32 to index
        %get3A_1030 = tpu.vector_load %arg9[%get3A_1029] {strides = array<i32>} : memref<2048xf32, #tpu.memory_space<vmem>>, vector<16xf32>,
        %get3A_1031 = vector.shape_cast %get3A_1030 : vector<16xf32> to vector<16xf32>
        %get3A_1032 = arith.index_cast %mul3A_1022 : i32 to index
        %get3A_1033 = tpu.vector_load %arg10[%get3A_1032] {strides = array<i32>} : memref<2048xf32, #tpu.memory_space<vmem>>, vector<16xf32>,
        %get3A_1034 = vector.shape_cast %get3A_1033 : vector<16xf32> to vector<16xf32>
        %mul3A_1035 = arith.mulf %get3A_1025, %broadcast_in_dim3A_291 : vector<16xf32>
        %mul3A_1036 = arith.mulf %get3A_1028, %broadcast_in_dim3A_294 : vector<16xf32>
        %add3A_1037 = arith.addf %mul3A_1035, %mul3A_1036 : vector<16xf32>
        %mul3A_1038 = arith.mulf %get3A_1031, %broadcast_in_dim3A_297 : vector<16xf32>
        %add3A_1039 = arith.addf %add3A_1037, %mul3A_1038 : vector<16xf32>
        %add3A_1040 = arith.addf %get3A_1034, %add3A_1039 : vector<16xf32>
        %min3A_1041 = arith.minimumf %while3A_1009, %add3A_1040 : vector<16xf32>
        %max3A_1042 = arith.maximumf %while3A_1009, %add3A_1040 : vector<16xf32>
        %min3A_1043 = arith.minimumf %while3A_1010, %max3A_1042 : vector<16xf32>
        %max3A_1044 = arith.maximumf %while3A_1010, %max3A_1042 : vector<16xf32>
        %min3A_1045 = arith.minimumf %while3A_1011, %max3A_1044 : vector<16xf32>
        %mul3A_1046 = arith.mulf %get3A_1025, %broadcast_in_dim3A_300 : vector<16xf32>
        %mul3A_1047 = arith.mulf %get3A_1028, %broadcast_in_dim3A_303 : vector<16xf32>
        %add3A_1048 = arith.addf %mul3A_1046, %mul3A_1047 : vector<16xf32>
        %mul3A_1049 = arith.mulf %get3A_1031, %broadcast_in_dim3A_306 : vector<16xf32>
        %add3A_1050 = arith.addf %add3A_1048, %mul3A_1049 : vector<16xf32>
        %add3A_1051 = arith.addf %get3A_1034, %add3A_1050 : vector<16xf32>
        %min3A_1052 = arith.minimumf %while3A_1012, %add3A_1051 : vector<16xf32>
        %max3A_1053 = arith.maximumf %while3A_1012, %add3A_1051 : vector<16xf32>
        %min3A_1054 = arith.minimumf %while3A_1013, %max3A_1053 : vector<16xf32>
        %max3A_1055 = arith.maximumf %while3A_1013, %max3A_1053 : vector<16xf32>
        %min3A_1056 = arith.minimumf %while3A_1014, %max3A_1055 : vector<16xf32>
        %mul3A_1057 = arith.mulf %get3A_1025, %broadcast_in_dim3A_309 : vector<16xf32>
        %mul3A_1058 = arith.mulf %get3A_1028, %broadcast_in_dim3A_312 : vector<16xf32>
        %add3A_1059 = arith.addf %mul3A_1057, %mul3A_1058 : vector<16xf32>
        %mul3A_1060 = arith.mulf %get3A_1031, %broadcast_in_dim3A_315 : vector<16xf32>
        %add3A_1061 = arith.addf %add3A_1059, %mul3A_1060 : vector<16xf32>
        %add3A_1062 = arith.addf %get3A_1034, %add3A_1061 : vector<16xf32>
        %min3A_1063 = arith.minimumf %while3A_1015, %add3A_1062 : vector<16xf32>
        %max3A_1064 = arith.maximumf %while3A_1015, %add3A_1062 : vector<16xf32>
        %min3A_1065 = arith.minimumf %while3A_1016, %max3A_1064 : vector<16xf32>
        %max3A_1066 = arith.maximumf %while3A_1016, %max3A_1064 : vector<16xf32>
        %min3A_1067 = arith.minimumf %while3A_1017, %max3A_1066 : vector<16xf32>
        %mul3A_1068 = arith.mulf %get3A_1025, %broadcast_in_dim3A_318 : vector<16xf32>
        %mul3A_1069 = arith.mulf %get3A_1028, %broadcast_in_dim3A_321 : vector<16xf32>
        %add3A_1070 = arith.addf %mul3A_1068, %mul3A_1069 : vector<16xf32>
        %mul3A_1071 = arith.mulf %get3A_1031, %broadcast_in_dim3A_324 : vector<16xf32>
        %add3A_1072 = arith.addf %add3A_1070, %mul3A_1071 : vector<16xf32>
        %add3A_1073 = arith.addf %get3A_1034, %add3A_1072 : vector<16xf32>
        %min3A_1074 = arith.minimumf %while3A_1018, %add3A_1073 : vector<16xf32>
        %max3A_1075 = arith.maximumf %while3A_1018, %add3A_1073 : vector<16xf32>
        %min3A_1076 = arith.minimumf %while3A_1019, %max3A_1075 : vector<16xf32>
        %max3A_1077 = arith.maximumf %while3A_1019, %max3A_1075 : vector<16xf32>
        %min3A_1078 = arith.minimumf %while3A_1020, %max3A_1077 : vector<16xf32>
        scf.yield %min3A_1041, %min3A_1043, %min3A_1045, %min3A_1052, %min3A_1054, %min3A_1056, %min3A_1063, %min3A_1065, %min3A_1067, %min3A_1074, %min3A_1076, %min3A_1078 : vector<16xf32>, vector<16xf32>, vector<16xf32>, vector<16xf32>, vector<16xf32>, vector<16xf32>, vector<16xf32>, vector<16xf32>, vector<16xf32>, vector<16xf32>, vector<16xf32>, vector<16xf32>
      }
      %while3A_421 = arith.constant 1 : i32
      %while3A_422:12 = scf.for %while3A_1008 = %while3A_418 to %while3A_414 step %while3A_421 iter_args(%while3A_1009 = %while3A_420#0, %while3A_1010 = %while3A_420#1, %while3A_1011 = %while3A_420#2, %while3A_1012 = %while3A_420#3, %while3A_1013 = %while3A_420#4, %while3A_1014 = %while3A_420#5, %while3A_1015 = %while3A_420#6, %while3A_1016 = %while3A_420#7, %while3A_1017 = %while3A_420#8, %while3A_1018 = %while3A_420#9, %while3A_1019 = %while3A_420#10, %while3A_1020 = %while3A_420#11) -> (vector<16xf32>, vector<16xf32>, vector<16xf32>, vector<16xf32>, vector<16xf32>, vector<16xf32>, vector<16xf32>, vector<16xf32>, vector<16xf32>, vector<16xf32>, vector<16xf32>, vector<16xf32>)  : i32 {
        %mul3A_1021 = arith.constant 16 : i32
        %mul3A_1022 = arith.muli %while3A_1008, %mul3A_1021 : i32
        %get3A_1023 = arith.index_cast %mul3A_1022 : i32 to index
        %get3A_1024 = tpu.vector_load %arg7[%get3A_1023] {strides = array<i32>} : memref<2048xf32, #tpu.memory_space<vmem>>, vector<16xf32>,
        %get3A_1025 = vector.shape_cast %get3A_1024 : vector<16xf32> to vector<16xf32>
        %get3A_1026 = arith.index_cast %mul3A_1022 : i32 to index
        %get3A_1027 = tpu.vector_load %arg8[%get3A_1026] {strides = array<i32>} : memref<2048xf32, #tpu.memory_space<vmem>>, vector<16xf32>,
        %get3A_1028 = vector.shape_cast %get3A_1027 : vector<16xf32> to vector<16xf32>
        %get3A_1029 = arith.index_cast %mul3A_1022 : i32 to index
        %get3A_1030 = tpu.vector_load %arg9[%get3A_1029] {strides = array<i32>} : memref<2048xf32, #tpu.memory_space<vmem>>, vector<16xf32>,
        %get3A_1031 = vector.shape_cast %get3A_1030 : vector<16xf32> to vector<16xf32>
        %get3A_1032 = arith.index_cast %mul3A_1022 : i32 to index
        %get3A_1033 = tpu.vector_load %arg10[%get3A_1032] {strides = array<i32>} : memref<2048xf32, #tpu.memory_space<vmem>>, vector<16xf32>,
        %get3A_1034 = vector.shape_cast %get3A_1033 : vector<16xf32> to vector<16xf32>
        %mul3A_1035 = arith.mulf %get3A_1025, %broadcast_in_dim3A_291 : vector<16xf32>
        %mul3A_1036 = arith.mulf %get3A_1028, %broadcast_in_dim3A_294 : vector<16xf32>
        %add3A_1037 = arith.addf %mul3A_1035, %mul3A_1036 : vector<16xf32>
        %mul3A_1038 = arith.mulf %get3A_1031, %broadcast_in_dim3A_297 : vector<16xf32>
        %add3A_1039 = arith.addf %add3A_1037, %mul3A_1038 : vector<16xf32>
        %add3A_1040 = arith.addf %get3A_1034, %add3A_1039 : vector<16xf32>
        %min3A_1041 = arith.minimumf %while3A_1009, %add3A_1040 : vector<16xf32>
        %max3A_1042 = arith.maximumf %while3A_1009, %add3A_1040 : vector<16xf32>
        %min3A_1043 = arith.minimumf %while3A_1010, %max3A_1042 : vector<16xf32>
        %max3A_1044 = arith.maximumf %while3A_1010, %max3A_1042 : vector<16xf32>
        %min3A_1045 = arith.minimumf %while3A_1011, %max3A_1044 : vector<16xf32>
        %mul3A_1046 = arith.mulf %get3A_1025, %broadcast_in_dim3A_300 : vector<16xf32>
        %mul3A_1047 = arith.mulf %get3A_1028, %broadcast_in_dim3A_303 : vector<16xf32>
        %add3A_1048 = arith.addf %mul3A_1046, %mul3A_1047 : vector<16xf32>
        %mul3A_1049 = arith.mulf %get3A_1031, %broadcast_in_dim3A_306 : vector<16xf32>
        %add3A_1050 = arith.addf %add3A_1048, %mul3A_1049 : vector<16xf32>
        %add3A_1051 = arith.addf %get3A_1034, %add3A_1050 : vector<16xf32>
        %min3A_1052 = arith.minimumf %while3A_1012, %add3A_1051 : vector<16xf32>
        %max3A_1053 = arith.maximumf %while3A_1012, %add3A_1051 : vector<16xf32>
        %min3A_1054 = arith.minimumf %while3A_1013, %max3A_1053 : vector<16xf32>
        %max3A_1055 = arith.maximumf %while3A_1013, %max3A_1053 : vector<16xf32>
        %min3A_1056 = arith.minimumf %while3A_1014, %max3A_1055 : vector<16xf32>
        %mul3A_1057 = arith.mulf %get3A_1025, %broadcast_in_dim3A_309 : vector<16xf32>
        %mul3A_1058 = arith.mulf %get3A_1028, %broadcast_in_dim3A_312 : vector<16xf32>
        %add3A_1059 = arith.addf %mul3A_1057, %mul3A_1058 : vector<16xf32>
        %mul3A_1060 = arith.mulf %get3A_1031, %broadcast_in_dim3A_315 : vector<16xf32>
        %add3A_1061 = arith.addf %add3A_1059, %mul3A_1060 : vector<16xf32>
        %add3A_1062 = arith.addf %get3A_1034, %add3A_1061 : vector<16xf32>
        %min3A_1063 = arith.minimumf %while3A_1015, %add3A_1062 : vector<16xf32>
        %max3A_1064 = arith.maximumf %while3A_1015, %add3A_1062 : vector<16xf32>
        %min3A_1065 = arith.minimumf %while3A_1016, %max3A_1064 : vector<16xf32>
        %max3A_1066 = arith.maximumf %while3A_1016, %max3A_1064 : vector<16xf32>
        %min3A_1067 = arith.minimumf %while3A_1017, %max3A_1066 : vector<16xf32>
        %mul3A_1068 = arith.mulf %get3A_1025, %broadcast_in_dim3A_318 : vector<16xf32>
        %mul3A_1069 = arith.mulf %get3A_1028, %broadcast_in_dim3A_321 : vector<16xf32>
        %add3A_1070 = arith.addf %mul3A_1068, %mul3A_1069 : vector<16xf32>
        %mul3A_1071 = arith.mulf %get3A_1031, %broadcast_in_dim3A_324 : vector<16xf32>
        %add3A_1072 = arith.addf %add3A_1070, %mul3A_1071 : vector<16xf32>
        %add3A_1073 = arith.addf %get3A_1034, %add3A_1072 : vector<16xf32>
        %min3A_1074 = arith.minimumf %while3A_1018, %add3A_1073 : vector<16xf32>
        %max3A_1075 = arith.maximumf %while3A_1018, %add3A_1073 : vector<16xf32>
        %min3A_1076 = arith.minimumf %while3A_1019, %max3A_1075 : vector<16xf32>
        %max3A_1077 = arith.maximumf %while3A_1019, %max3A_1075 : vector<16xf32>
        %min3A_1078 = arith.minimumf %while3A_1020, %max3A_1077 : vector<16xf32>
        scf.yield %min3A_1041, %min3A_1043, %min3A_1045, %min3A_1052, %min3A_1054, %min3A_1056, %min3A_1063, %min3A_1065, %min3A_1067, %min3A_1074, %min3A_1076, %min3A_1078 : vector<16xf32>, vector<16xf32>, vector<16xf32>, vector<16xf32>, vector<16xf32>, vector<16xf32>, vector<16xf32>, vector<16xf32>, vector<16xf32>, vector<16xf32>, vector<16xf32>, vector<16xf32>
      }
      %add3A_423 = arith.constant 0 : i32
      %add3A_424 = arith.addi %add3A_264, %add3A_423 : i32
      %mul3A_425 = arith.constant 48 : i32
      %mul3A_426 = arith.muli %add3A_424, %mul3A_425 : i32
      %add3A_427 = arith.constant 0 : i32
      %add3A_428 = arith.addi %mul3A_426, %add3A_427 : i32
      %swap3A_429 = arith.index_cast %add3A_428 : i32 to index
      %swap3A_430 = tpu.vector_load %arg11[%swap3A_429] {strides = array<i32>} : memref<49152xf32, #tpu.memory_space<vmem>>, vector<16xf32>,
      %swap3A_431 = vector.shape_cast %swap3A_430 : vector<16xf32> to vector<16xf32>
      %swap3A_432 = vector.shape_cast %while3A_422#0 : vector<16xf32> to vector<16xf32>
      tpu.vector_store %arg11[%swap3A_429], %swap3A_432 {strides = array<i32>} : memref<49152xf32, #tpu.memory_space<vmem>>, vector<16xf32>,
      %add3A_433 = arith.constant 16 : i32
      %add3A_434 = arith.addi %mul3A_426, %add3A_433 : i32
      %swap3A_435 = arith.index_cast %add3A_434 : i32 to index
      %swap3A_436 = tpu.vector_load %arg11[%swap3A_435] {strides = array<i32>} : memref<49152xf32, #tpu.memory_space<vmem>>, vector<16xf32>,
      %swap3A_437 = vector.shape_cast %swap3A_436 : vector<16xf32> to vector<16xf32>
      %swap3A_438 = vector.shape_cast %while3A_422#1 : vector<16xf32> to vector<16xf32>
      tpu.vector_store %arg11[%swap3A_435], %swap3A_438 {strides = array<i32>} : memref<49152xf32, #tpu.memory_space<vmem>>, vector<16xf32>,
      %add3A_439 = arith.constant 32 : i32
      %add3A_440 = arith.addi %mul3A_426, %add3A_439 : i32
      %swap3A_441 = arith.index_cast %add3A_440 : i32 to index
      %swap3A_442 = tpu.vector_load %arg11[%swap3A_441] {strides = array<i32>} : memref<49152xf32, #tpu.memory_space<vmem>>, vector<16xf32>,
      %swap3A_443 = vector.shape_cast %swap3A_442 : vector<16xf32> to vector<16xf32>
      %swap3A_444 = vector.shape_cast %while3A_422#2 : vector<16xf32> to vector<16xf32>
      tpu.vector_store %arg11[%swap3A_441], %swap3A_444 {strides = array<i32>} : memref<49152xf32, #tpu.memory_space<vmem>>, vector<16xf32>,
      %add3A_445 = arith.constant 1 : i32
      %add3A_446 = arith.addi %add3A_264, %add3A_445 : i32
      %mul3A_447 = arith.constant 48 : i32
      %mul3A_448 = arith.muli %add3A_446, %mul3A_447 : i32
      %add3A_449 = arith.constant 0 : i32
      %add3A_450 = arith.addi %mul3A_448, %add3A_449 : i32
      %swap3A_451 = arith.index_cast %add3A_450 : i32 to index
      %swap3A_452 = tpu.vector_load %arg11[%swap3A_451] {strides = array<i32>} : memref<49152xf32, #tpu.memory_space<vmem>>, vector<16xf32>,
      %swap3A_453 = vector.shape_cast %swap3A_452 : vector<16xf32> to vector<16xf32>
      %swap3A_454 = vector.shape_cast %while3A_422#3 : vector<16xf32> to vector<16xf32>
      tpu.vector_store %arg11[%swap3A_451], %swap3A_454 {strides = array<i32>} : memref<49152xf32, #tpu.memory_space<vmem>>, vector<16xf32>,
      %add3A_455 = arith.constant 16 : i32
      %add3A_456 = arith.addi %mul3A_448, %add3A_455 : i32
      %swap3A_457 = arith.index_cast %add3A_456 : i32 to index
      %swap3A_458 = tpu.vector_load %arg11[%swap3A_457] {strides = array<i32>} : memref<49152xf32, #tpu.memory_space<vmem>>, vector<16xf32>,
      %swap3A_459 = vector.shape_cast %swap3A_458 : vector<16xf32> to vector<16xf32>
      %swap3A_460 = vector.shape_cast %while3A_422#4 : vector<16xf32> to vector<16xf32>
      tpu.vector_store %arg11[%swap3A_457], %swap3A_460 {strides = array<i32>} : memref<49152xf32, #tpu.memory_space<vmem>>, vector<16xf32>,
      %add3A_461 = arith.constant 32 : i32
      %add3A_462 = arith.addi %mul3A_448, %add3A_461 : i32
      %swap3A_463 = arith.index_cast %add3A_462 : i32 to index
      %swap3A_464 = tpu.vector_load %arg11[%swap3A_463] {strides = array<i32>} : memref<49152xf32, #tpu.memory_space<vmem>>, vector<16xf32>,
      %swap3A_465 = vector.shape_cast %swap3A_464 : vector<16xf32> to vector<16xf32>
      %swap3A_466 = vector.shape_cast %while3A_422#5 : vector<16xf32> to vector<16xf32>
      tpu.vector_store %arg11[%swap3A_463], %swap3A_466 {strides = array<i32>} : memref<49152xf32, #tpu.memory_space<vmem>>, vector<16xf32>,
      %add3A_467 = arith.constant 2 : i32
      %add3A_468 = arith.addi %add3A_264, %add3A_467 : i32
      %mul3A_469 = arith.constant 48 : i32
      %mul3A_470 = arith.muli %add3A_468, %mul3A_469 : i32
      %add3A_471 = arith.constant 0 : i32
      %add3A_472 = arith.addi %mul3A_470, %add3A_471 : i32
      %swap3A_473 = arith.index_cast %add3A_472 : i32 to index
      %swap3A_474 = tpu.vector_load %arg11[%swap3A_473] {strides = array<i32>} : memref<49152xf32, #tpu.memory_space<vmem>>, vector<16xf32>,
      %swap3A_475 = vector.shape_cast %swap3A_474 : vector<16xf32> to vector<16xf32>
      %swap3A_476 = vector.shape_cast %while3A_422#6 : vector<16xf32> to vector<16xf32>
      tpu.vector_store %arg11[%swap3A_473], %swap3A_476 {strides = array<i32>} : memref<49152xf32, #tpu.memory_space<vmem>>, vector<16xf32>,
      %add3A_477 = arith.constant 16 : i32
      %add3A_478 = arith.addi %mul3A_470, %add3A_477 : i32
      %swap3A_479 = arith.index_cast %add3A_478 : i32 to index
      %swap3A_480 = tpu.vector_load %arg11[%swap3A_479] {strides = array<i32>} : memref<49152xf32, #tpu.memory_space<vmem>>, vector<16xf32>,
      %swap3A_481 = vector.shape_cast %swap3A_480 : vector<16xf32> to vector<16xf32>
      %swap3A_482 = vector.shape_cast %while3A_422#7 : vector<16xf32> to vector<16xf32>
      tpu.vector_store %arg11[%swap3A_479], %swap3A_482 {strides = array<i32>} : memref<49152xf32, #tpu.memory_space<vmem>>, vector<16xf32>,
      %add3A_483 = arith.constant 32 : i32
      %add3A_484 = arith.addi %mul3A_470, %add3A_483 : i32
      %swap3A_485 = arith.index_cast %add3A_484 : i32 to index
      %swap3A_486 = tpu.vector_load %arg11[%swap3A_485] {strides = array<i32>} : memref<49152xf32, #tpu.memory_space<vmem>>, vector<16xf32>,
      %swap3A_487 = vector.shape_cast %swap3A_486 : vector<16xf32> to vector<16xf32>
      %swap3A_488 = vector.shape_cast %while3A_422#8 : vector<16xf32> to vector<16xf32>
      tpu.vector_store %arg11[%swap3A_485], %swap3A_488 {strides = array<i32>} : memref<49152xf32, #tpu.memory_space<vmem>>, vector<16xf32>,
      %add3A_489 = arith.constant 3 : i32
      %add3A_490 = arith.addi %add3A_264, %add3A_489 : i32
      %mul3A_491 = arith.constant 48 : i32
      %mul3A_492 = arith.muli %add3A_490, %mul3A_491 : i32
      %add3A_493 = arith.constant 0 : i32
      %add3A_494 = arith.addi %mul3A_492, %add3A_493 : i32
      %swap3A_495 = arith.index_cast %add3A_494 : i32 to index
      %swap3A_496 = tpu.vector_load %arg11[%swap3A_495] {strides = array<i32>} : memref<49152xf32, #tpu.memory_space<vmem>>, vector<16xf32>,
      %swap3A_497 = vector.shape_cast %swap3A_496 : vector<16xf32> to vector<16xf32>
      %swap3A_498 = vector.shape_cast %while3A_422#9 : vector<16xf32> to vector<16xf32>
      tpu.vector_store %arg11[%swap3A_495], %swap3A_498 {strides = array<i32>} : memref<49152xf32, #tpu.memory_space<vmem>>, vector<16xf32>,
      %add3A_499 = arith.constant 16 : i32
      %add3A_500 = arith.addi %mul3A_492, %add3A_499 : i32
      %swap3A_501 = arith.index_cast %add3A_500 : i32 to index
      %swap3A_502 = tpu.vector_load %arg11[%swap3A_501] {strides = array<i32>} : memref<49152xf32, #tpu.memory_space<vmem>>, vector<16xf32>,
      %swap3A_503 = vector.shape_cast %swap3A_502 : vector<16xf32> to vector<16xf32>
      %swap3A_504 = vector.shape_cast %while3A_422#10 : vector<16xf32> to vector<16xf32>
      tpu.vector_store %arg11[%swap3A_501], %swap3A_504 {strides = array<i32>} : memref<49152xf32, #tpu.memory_space<vmem>>, vector<16xf32>,
      %add3A_505 = arith.constant 32 : i32
      %add3A_506 = arith.addi %mul3A_492, %add3A_505 : i32
      %swap3A_507 = arith.index_cast %add3A_506 : i32 to index
      %swap3A_508 = tpu.vector_load %arg11[%swap3A_507] {strides = array<i32>} : memref<49152xf32, #tpu.memory_space<vmem>>, vector<16xf32>,
      %swap3A_509 = vector.shape_cast %swap3A_508 : vector<16xf32> to vector<16xf32>
      %swap3A_510 = vector.shape_cast %while3A_422#11 : vector<16xf32> to vector<16xf32>
      tpu.vector_store %arg11[%swap3A_507], %swap3A_510 {strides = array<i32>} : memref<49152xf32, #tpu.memory_space<vmem>>, vector<16xf32>,
      %add3A_511 = arith.constant 8 : i32
      %add3A_512 = arith.addi %mul3A_11, %add3A_511 : i32
      %slice3A_513 = vector.extract_strided_slice %get3A_13 {offsets = [8], sizes = [1], strides = [1]} : vector<16xf32> to vector<1xf32>
      %squeeze3A_514 = vector.extract %slice3A_513[0] : f32 from vector<1xf32>
      %slice3A_515 = vector.extract_strided_slice %get3A_16 {offsets = [8], sizes = [1], strides = [1]} : vector<16xf32> to vector<1xf32>
      %squeeze3A_516 = vector.extract %slice3A_515[0] : f32 from vector<1xf32>
      %slice3A_517 = vector.extract_strided_slice %get3A_19 {offsets = [8], sizes = [1], strides = [1]} : vector<16xf32> to vector<1xf32>
      %squeeze3A_518 = vector.extract %slice3A_517[0] : f32 from vector<1xf32>
      %slice3A_519 = vector.extract_strided_slice %get3A_13 {offsets = [9], sizes = [1], strides = [1]} : vector<16xf32> to vector<1xf32>
      %squeeze3A_520 = vector.extract %slice3A_519[0] : f32 from vector<1xf32>
      %slice3A_521 = vector.extract_strided_slice %get3A_16 {offsets = [9], sizes = [1], strides = [1]} : vector<16xf32> to vector<1xf32>
      %squeeze3A_522 = vector.extract %slice3A_521[0] : f32 from vector<1xf32>
      %slice3A_523 = vector.extract_strided_slice %get3A_19 {offsets = [9], sizes = [1], strides = [1]} : vector<16xf32> to vector<1xf32>
      %squeeze3A_524 = vector.extract %slice3A_523[0] : f32 from vector<1xf32>
      %slice3A_525 = vector.extract_strided_slice %get3A_13 {offsets = [10], sizes = [1], strides = [1]} : vector<16xf32> to vector<1xf32>
      %squeeze3A_526 = vector.extract %slice3A_525[0] : f32 from vector<1xf32>
      %slice3A_527 = vector.extract_strided_slice %get3A_16 {offsets = [10], sizes = [1], strides = [1]} : vector<16xf32> to vector<1xf32>
      %squeeze3A_528 = vector.extract %slice3A_527[0] : f32 from vector<1xf32>
      %slice3A_529 = vector.extract_strided_slice %get3A_19 {offsets = [10], sizes = [1], strides = [1]} : vector<16xf32> to vector<1xf32>
      %squeeze3A_530 = vector.extract %slice3A_529[0] : f32 from vector<1xf32>
      %slice3A_531 = vector.extract_strided_slice %get3A_13 {offsets = [11], sizes = [1], strides = [1]} : vector<16xf32> to vector<1xf32>
      %squeeze3A_532 = vector.extract %slice3A_531[0] : f32 from vector<1xf32>
      %slice3A_533 = vector.extract_strided_slice %get3A_16 {offsets = [11], sizes = [1], strides = [1]} : vector<16xf32> to vector<1xf32>
      %squeeze3A_534 = vector.extract %slice3A_533[0] : f32 from vector<1xf32>
      %slice3A_535 = vector.extract_strided_slice %get3A_19 {offsets = [11], sizes = [1], strides = [1]} : vector<16xf32> to vector<1xf32>
      %squeeze3A_536 = vector.extract %slice3A_535[0] : f32 from vector<1xf32>
      %mul3A_537 = arith.constant -2.000000e+00 : f32
      %mul3A_538 = arith.mulf %mul3A_537, %squeeze3A_514 : f32
      %broadcast_in_dim3A_539 = vector.broadcast %mul3A_538 : f32 to vector<16xf32>
      %mul3A_540 = arith.constant -2.000000e+00 : f32
      %mul3A_541 = arith.mulf %mul3A_540, %squeeze3A_516 : f32
      %broadcast_in_dim3A_542 = vector.broadcast %mul3A_541 : f32 to vector<16xf32>
      %mul3A_543 = arith.constant -2.000000e+00 : f32
      %mul3A_544 = arith.mulf %mul3A_543, %squeeze3A_518 : f32
      %broadcast_in_dim3A_545 = vector.broadcast %mul3A_544 : f32 to vector<16xf32>
      %mul3A_546 = arith.constant -2.000000e+00 : f32
      %mul3A_547 = arith.mulf %mul3A_546, %squeeze3A_520 : f32
      %broadcast_in_dim3A_548 = vector.broadcast %mul3A_547 : f32 to vector<16xf32>
      %mul3A_549 = arith.constant -2.000000e+00 : f32
      %mul3A_550 = arith.mulf %mul3A_549, %squeeze3A_522 : f32
      %broadcast_in_dim3A_551 = vector.broadcast %mul3A_550 : f32 to vector<16xf32>
      %mul3A_552 = arith.constant -2.000000e+00 : f32
      %mul3A_553 = arith.mulf %mul3A_552, %squeeze3A_524 : f32
      %broadcast_in_dim3A_554 = vector.broadcast %mul3A_553 : f32 to vector<16xf32>
      %mul3A_555 = arith.constant -2.000000e+00 : f32
      %mul3A_556 = arith.mulf %mul3A_555, %squeeze3A_526 : f32
      %broadcast_in_dim3A_557 = vector.broadcast %mul3A_556 : f32 to vector<16xf32>
      %mul3A_558 = arith.constant -2.000000e+00 : f32
      %mul3A_559 = arith.mulf %mul3A_558, %squeeze3A_528 : f32
      %broadcast_in_dim3A_560 = vector.broadcast %mul3A_559 : f32 to vector<16xf32>
      %mul3A_561 = arith.constant -2.000000e+00 : f32
      %mul3A_562 = arith.mulf %mul3A_561, %squeeze3A_530 : f32
      %broadcast_in_dim3A_563 = vector.broadcast %mul3A_562 : f32 to vector<16xf32>
      %mul3A_564 = arith.constant -2.000000e+00 : f32
      %mul3A_565 = arith.mulf %mul3A_564, %squeeze3A_532 : f32
      %broadcast_in_dim3A_566 = vector.broadcast %mul3A_565 : f32 to vector<16xf32>
      %mul3A_567 = arith.constant -2.000000e+00 : f32
      %mul3A_568 = arith.mulf %mul3A_567, %squeeze3A_534 : f32
      %broadcast_in_dim3A_569 = vector.broadcast %mul3A_568 : f32 to vector<16xf32>
      %mul3A_570 = arith.constant -2.000000e+00 : f32
      %mul3A_571 = arith.mulf %mul3A_570, %squeeze3A_536 : f32
      %broadcast_in_dim3A_572 = vector.broadcast %mul3A_571 : f32 to vector<16xf32>
      %while3A_573 = arith.constant 0 : i32
      %while3A_574 = arith.subi %add3A_22, %while3A_573 : i32
      %while3A_575 = arith.addi %while3A_573, %while3A_574 : i32
      %while3A_576 = arith.constant 1 : i32
      %while3A_577 = arith.divsi %while3A_574, %while3A_576 : i32
      %while3A_578 = arith.muli %while3A_577, %while3A_576 : i32
      %while3A_579 = arith.addi %while3A_573, %while3A_578 : i32
      %while3A_580 = arith.constant 1 : i32
      %while3A_581:12 = scf.for %while3A_1008 = %while3A_573 to %while3A_579 step %while3A_580 iter_args(%while3A_1009 = %broadcast_in_dim3A_0, %while3A_1010 = %broadcast_in_dim3A_0, %while3A_1011 = %broadcast_in_dim3A_0, %while3A_1012 = %broadcast_in_dim3A_0, %while3A_1013 = %broadcast_in_dim3A_0, %while3A_1014 = %broadcast_in_dim3A_0, %while3A_1015 = %broadcast_in_dim3A_0, %while3A_1016 = %broadcast_in_dim3A_0, %while3A_1017 = %broadcast_in_dim3A_0, %while3A_1018 = %broadcast_in_dim3A_0, %while3A_1019 = %broadcast_in_dim3A_0, %while3A_1020 = %broadcast_in_dim3A_0) -> (vector<16xf32>, vector<16xf32>, vector<16xf32>, vector<16xf32>, vector<16xf32>, vector<16xf32>, vector<16xf32>, vector<16xf32>, vector<16xf32>, vector<16xf32>, vector<16xf32>, vector<16xf32>)  : i32 {
        %mul3A_1021 = arith.constant 16 : i32
        %mul3A_1022 = arith.muli %while3A_1008, %mul3A_1021 : i32
        %get3A_1023 = arith.index_cast %mul3A_1022 : i32 to index
        %get3A_1024 = tpu.vector_load %arg7[%get3A_1023] {strides = array<i32>} : memref<2048xf32, #tpu.memory_space<vmem>>, vector<16xf32>,
        %get3A_1025 = vector.shape_cast %get3A_1024 : vector<16xf32> to vector<16xf32>
        %get3A_1026 = arith.index_cast %mul3A_1022 : i32 to index
        %get3A_1027 = tpu.vector_load %arg8[%get3A_1026] {strides = array<i32>} : memref<2048xf32, #tpu.memory_space<vmem>>, vector<16xf32>,
        %get3A_1028 = vector.shape_cast %get3A_1027 : vector<16xf32> to vector<16xf32>
        %get3A_1029 = arith.index_cast %mul3A_1022 : i32 to index
        %get3A_1030 = tpu.vector_load %arg9[%get3A_1029] {strides = array<i32>} : memref<2048xf32, #tpu.memory_space<vmem>>, vector<16xf32>,
        %get3A_1031 = vector.shape_cast %get3A_1030 : vector<16xf32> to vector<16xf32>
        %get3A_1032 = arith.index_cast %mul3A_1022 : i32 to index
        %get3A_1033 = tpu.vector_load %arg10[%get3A_1032] {strides = array<i32>} : memref<2048xf32, #tpu.memory_space<vmem>>, vector<16xf32>,
        %get3A_1034 = vector.shape_cast %get3A_1033 : vector<16xf32> to vector<16xf32>
        %mul3A_1035 = arith.mulf %get3A_1025, %broadcast_in_dim3A_539 : vector<16xf32>
        %mul3A_1036 = arith.mulf %get3A_1028, %broadcast_in_dim3A_542 : vector<16xf32>
        %add3A_1037 = arith.addf %mul3A_1035, %mul3A_1036 : vector<16xf32>
        %mul3A_1038 = arith.mulf %get3A_1031, %broadcast_in_dim3A_545 : vector<16xf32>
        %add3A_1039 = arith.addf %add3A_1037, %mul3A_1038 : vector<16xf32>
        %add3A_1040 = arith.addf %get3A_1034, %add3A_1039 : vector<16xf32>
        %min3A_1041 = arith.minimumf %while3A_1009, %add3A_1040 : vector<16xf32>
        %max3A_1042 = arith.maximumf %while3A_1009, %add3A_1040 : vector<16xf32>
        %min3A_1043 = arith.minimumf %while3A_1010, %max3A_1042 : vector<16xf32>
        %max3A_1044 = arith.maximumf %while3A_1010, %max3A_1042 : vector<16xf32>
        %min3A_1045 = arith.minimumf %while3A_1011, %max3A_1044 : vector<16xf32>
        %mul3A_1046 = arith.mulf %get3A_1025, %broadcast_in_dim3A_548 : vector<16xf32>
        %mul3A_1047 = arith.mulf %get3A_1028, %broadcast_in_dim3A_551 : vector<16xf32>
        %add3A_1048 = arith.addf %mul3A_1046, %mul3A_1047 : vector<16xf32>
        %mul3A_1049 = arith.mulf %get3A_1031, %broadcast_in_dim3A_554 : vector<16xf32>
        %add3A_1050 = arith.addf %add3A_1048, %mul3A_1049 : vector<16xf32>
        %add3A_1051 = arith.addf %get3A_1034, %add3A_1050 : vector<16xf32>
        %min3A_1052 = arith.minimumf %while3A_1012, %add3A_1051 : vector<16xf32>
        %max3A_1053 = arith.maximumf %while3A_1012, %add3A_1051 : vector<16xf32>
        %min3A_1054 = arith.minimumf %while3A_1013, %max3A_1053 : vector<16xf32>
        %max3A_1055 = arith.maximumf %while3A_1013, %max3A_1053 : vector<16xf32>
        %min3A_1056 = arith.minimumf %while3A_1014, %max3A_1055 : vector<16xf32>
        %mul3A_1057 = arith.mulf %get3A_1025, %broadcast_in_dim3A_557 : vector<16xf32>
        %mul3A_1058 = arith.mulf %get3A_1028, %broadcast_in_dim3A_560 : vector<16xf32>
        %add3A_1059 = arith.addf %mul3A_1057, %mul3A_1058 : vector<16xf32>
        %mul3A_1060 = arith.mulf %get3A_1031, %broadcast_in_dim3A_563 : vector<16xf32>
        %add3A_1061 = arith.addf %add3A_1059, %mul3A_1060 : vector<16xf32>
        %add3A_1062 = arith.addf %get3A_1034, %add3A_1061 : vector<16xf32>
        %min3A_1063 = arith.minimumf %while3A_1015, %add3A_1062 : vector<16xf32>
        %max3A_1064 = arith.maximumf %while3A_1015, %add3A_1062 : vector<16xf32>
        %min3A_1065 = arith.minimumf %while3A_1016, %max3A_1064 : vector<16xf32>
        %max3A_1066 = arith.maximumf %while3A_1016, %max3A_1064 : vector<16xf32>
        %min3A_1067 = arith.minimumf %while3A_1017, %max3A_1066 : vector<16xf32>
        %mul3A_1068 = arith.mulf %get3A_1025, %broadcast_in_dim3A_566 : vector<16xf32>
        %mul3A_1069 = arith.mulf %get3A_1028, %broadcast_in_dim3A_569 : vector<16xf32>
        %add3A_1070 = arith.addf %mul3A_1068, %mul3A_1069 : vector<16xf32>
        %mul3A_1071 = arith.mulf %get3A_1031, %broadcast_in_dim3A_572 : vector<16xf32>
        %add3A_1072 = arith.addf %add3A_1070, %mul3A_1071 : vector<16xf32>
        %add3A_1073 = arith.addf %get3A_1034, %add3A_1072 : vector<16xf32>
        %min3A_1074 = arith.minimumf %while3A_1018, %add3A_1073 : vector<16xf32>
        %max3A_1075 = arith.maximumf %while3A_1018, %add3A_1073 : vector<16xf32>
        %min3A_1076 = arith.minimumf %while3A_1019, %max3A_1075 : vector<16xf32>
        %max3A_1077 = arith.maximumf %while3A_1019, %max3A_1075 : vector<16xf32>
        %min3A_1078 = arith.minimumf %while3A_1020, %max3A_1077 : vector<16xf32>
        scf.yield %min3A_1041, %min3A_1043, %min3A_1045, %min3A_1052, %min3A_1054, %min3A_1056, %min3A_1063, %min3A_1065, %min3A_1067, %min3A_1074, %min3A_1076, %min3A_1078 : vector<16xf32>, vector<16xf32>, vector<16xf32>, vector<16xf32>, vector<16xf32>, vector<16xf32>, vector<16xf32>, vector<16xf32>, vector<16xf32>, vector<16xf32>, vector<16xf32>, vector<16xf32>
      }
      %while3A_582 = arith.constant 1 : i32
      %while3A_583:12 = scf.for %while3A_1008 = %while3A_579 to %while3A_575 step %while3A_582 iter_args(%while3A_1009 = %while3A_581#0, %while3A_1010 = %while3A_581#1, %while3A_1011 = %while3A_581#2, %while3A_1012 = %while3A_581#3, %while3A_1013 = %while3A_581#4, %while3A_1014 = %while3A_581#5, %while3A_1015 = %while3A_581#6, %while3A_1016 = %while3A_581#7, %while3A_1017 = %while3A_581#8, %while3A_1018 = %while3A_581#9, %while3A_1019 = %while3A_581#10, %while3A_1020 = %while3A_581#11) -> (vector<16xf32>, vector<16xf32>, vector<16xf32>, vector<16xf32>, vector<16xf32>, vector<16xf32>, vector<16xf32>, vector<16xf32>, vector<16xf32>, vector<16xf32>, vector<16xf32>, vector<16xf32>)  : i32 {
        %mul3A_1021 = arith.constant 16 : i32
        %mul3A_1022 = arith.muli %while3A_1008, %mul3A_1021 : i32
        %get3A_1023 = arith.index_cast %mul3A_1022 : i32 to index
        %get3A_1024 = tpu.vector_load %arg7[%get3A_1023] {strides = array<i32>} : memref<2048xf32, #tpu.memory_space<vmem>>, vector<16xf32>,
        %get3A_1025 = vector.shape_cast %get3A_1024 : vector<16xf32> to vector<16xf32>
        %get3A_1026 = arith.index_cast %mul3A_1022 : i32 to index
        %get3A_1027 = tpu.vector_load %arg8[%get3A_1026] {strides = array<i32>} : memref<2048xf32, #tpu.memory_space<vmem>>, vector<16xf32>,
        %get3A_1028 = vector.shape_cast %get3A_1027 : vector<16xf32> to vector<16xf32>
        %get3A_1029 = arith.index_cast %mul3A_1022 : i32 to index
        %get3A_1030 = tpu.vector_load %arg9[%get3A_1029] {strides = array<i32>} : memref<2048xf32, #tpu.memory_space<vmem>>, vector<16xf32>,
        %get3A_1031 = vector.shape_cast %get3A_1030 : vector<16xf32> to vector<16xf32>
        %get3A_1032 = arith.index_cast %mul3A_1022 : i32 to index
        %get3A_1033 = tpu.vector_load %arg10[%get3A_1032] {strides = array<i32>} : memref<2048xf32, #tpu.memory_space<vmem>>, vector<16xf32>,
        %get3A_1034 = vector.shape_cast %get3A_1033 : vector<16xf32> to vector<16xf32>
        %mul3A_1035 = arith.mulf %get3A_1025, %broadcast_in_dim3A_539 : vector<16xf32>
        %mul3A_1036 = arith.mulf %get3A_1028, %broadcast_in_dim3A_542 : vector<16xf32>
        %add3A_1037 = arith.addf %mul3A_1035, %mul3A_1036 : vector<16xf32>
        %mul3A_1038 = arith.mulf %get3A_1031, %broadcast_in_dim3A_545 : vector<16xf32>
        %add3A_1039 = arith.addf %add3A_1037, %mul3A_1038 : vector<16xf32>
        %add3A_1040 = arith.addf %get3A_1034, %add3A_1039 : vector<16xf32>
        %min3A_1041 = arith.minimumf %while3A_1009, %add3A_1040 : vector<16xf32>
        %max3A_1042 = arith.maximumf %while3A_1009, %add3A_1040 : vector<16xf32>
        %min3A_1043 = arith.minimumf %while3A_1010, %max3A_1042 : vector<16xf32>
        %max3A_1044 = arith.maximumf %while3A_1010, %max3A_1042 : vector<16xf32>
        %min3A_1045 = arith.minimumf %while3A_1011, %max3A_1044 : vector<16xf32>
        %mul3A_1046 = arith.mulf %get3A_1025, %broadcast_in_dim3A_548 : vector<16xf32>
        %mul3A_1047 = arith.mulf %get3A_1028, %broadcast_in_dim3A_551 : vector<16xf32>
        %add3A_1048 = arith.addf %mul3A_1046, %mul3A_1047 : vector<16xf32>
        %mul3A_1049 = arith.mulf %get3A_1031, %broadcast_in_dim3A_554 : vector<16xf32>
        %add3A_1050 = arith.addf %add3A_1048, %mul3A_1049 : vector<16xf32>
        %add3A_1051 = arith.addf %get3A_1034, %add3A_1050 : vector<16xf32>
        %min3A_1052 = arith.minimumf %while3A_1012, %add3A_1051 : vector<16xf32>
        %max3A_1053 = arith.maximumf %while3A_1012, %add3A_1051 : vector<16xf32>
        %min3A_1054 = arith.minimumf %while3A_1013, %max3A_1053 : vector<16xf32>
        %max3A_1055 = arith.maximumf %while3A_1013, %max3A_1053 : vector<16xf32>
        %min3A_1056 = arith.minimumf %while3A_1014, %max3A_1055 : vector<16xf32>
        %mul3A_1057 = arith.mulf %get3A_1025, %broadcast_in_dim3A_557 : vector<16xf32>
        %mul3A_1058 = arith.mulf %get3A_1028, %broadcast_in_dim3A_560 : vector<16xf32>
        %add3A_1059 = arith.addf %mul3A_1057, %mul3A_1058 : vector<16xf32>
        %mul3A_1060 = arith.mulf %get3A_1031, %broadcast_in_dim3A_563 : vector<16xf32>
        %add3A_1061 = arith.addf %add3A_1059, %mul3A_1060 : vector<16xf32>
        %add3A_1062 = arith.addf %get3A_1034, %add3A_1061 : vector<16xf32>
        %min3A_1063 = arith.minimumf %while3A_1015, %add3A_1062 : vector<16xf32>
        %max3A_1064 = arith.maximumf %while3A_1015, %add3A_1062 : vector<16xf32>
        %min3A_1065 = arith.minimumf %while3A_1016, %max3A_1064 : vector<16xf32>
        %max3A_1066 = arith.maximumf %while3A_1016, %max3A_1064 : vector<16xf32>
        %min3A_1067 = arith.minimumf %while3A_1017, %max3A_1066 : vector<16xf32>
        %mul3A_1068 = arith.mulf %get3A_1025, %broadcast_in_dim3A_566 : vector<16xf32>
        %mul3A_1069 = arith.mulf %get3A_1028, %broadcast_in_dim3A_569 : vector<16xf32>
        %add3A_1070 = arith.addf %mul3A_1068, %mul3A_1069 : vector<16xf32>
        %mul3A_1071 = arith.mulf %get3A_1031, %broadcast_in_dim3A_572 : vector<16xf32>
        %add3A_1072 = arith.addf %add3A_1070, %mul3A_1071 : vector<16xf32>
        %add3A_1073 = arith.addf %get3A_1034, %add3A_1072 : vector<16xf32>
        %min3A_1074 = arith.minimumf %while3A_1018, %add3A_1073 : vector<16xf32>
        %max3A_1075 = arith.maximumf %while3A_1018, %add3A_1073 : vector<16xf32>
        %min3A_1076 = arith.minimumf %while3A_1019, %max3A_1075 : vector<16xf32>
        %max3A_1077 = arith.maximumf %while3A_1019, %max3A_1075 : vector<16xf32>
        %min3A_1078 = arith.minimumf %while3A_1020, %max3A_1077 : vector<16xf32>
        scf.yield %min3A_1041, %min3A_1043, %min3A_1045, %min3A_1052, %min3A_1054, %min3A_1056, %min3A_1063, %min3A_1065, %min3A_1067, %min3A_1074, %min3A_1076, %min3A_1078 : vector<16xf32>, vector<16xf32>, vector<16xf32>, vector<16xf32>, vector<16xf32>, vector<16xf32>, vector<16xf32>, vector<16xf32>, vector<16xf32>, vector<16xf32>, vector<16xf32>, vector<16xf32>
      }
      %mul3A_584 = arith.constant 16 : i32
      %mul3A_585 = arith.muli %add3A_22, %mul3A_584 : i32
      %get3A_586 = arith.index_cast %mul3A_585 : i32 to index
      %get3A_587 = tpu.vector_load %arg7[%get3A_586] {strides = array<i32>} : memref<2048xf32, #tpu.memory_space<vmem>>, vector<16xf32>,
      %get3A_588 = vector.shape_cast %get3A_587 : vector<16xf32> to vector<16xf32>
      %get3A_589 = arith.index_cast %mul3A_585 : i32 to index
      %get3A_590 = tpu.vector_load %arg8[%get3A_589] {strides = array<i32>} : memref<2048xf32, #tpu.memory_space<vmem>>, vector<16xf32>,
      %get3A_591 = vector.shape_cast %get3A_590 : vector<16xf32> to vector<16xf32>
      %get3A_592 = arith.index_cast %mul3A_585 : i32 to index
      %get3A_593 = tpu.vector_load %arg9[%get3A_592] {strides = array<i32>} : memref<2048xf32, #tpu.memory_space<vmem>>, vector<16xf32>,
      %get3A_594 = vector.shape_cast %get3A_593 : vector<16xf32> to vector<16xf32>
      %get3A_595 = arith.index_cast %mul3A_585 : i32 to index
      %get3A_596 = tpu.vector_load %arg10[%get3A_595] {strides = array<i32>} : memref<2048xf32, #tpu.memory_space<vmem>>, vector<16xf32>,
      %get3A_597 = vector.shape_cast %get3A_596 : vector<16xf32> to vector<16xf32>
      %mul3A_598 = arith.mulf %get3A_588, %broadcast_in_dim3A_539 : vector<16xf32>
      %mul3A_599 = arith.mulf %get3A_591, %broadcast_in_dim3A_542 : vector<16xf32>
      %add3A_600 = arith.addf %mul3A_598, %mul3A_599 : vector<16xf32>
      %mul3A_601 = arith.mulf %get3A_594, %broadcast_in_dim3A_545 : vector<16xf32>
      %add3A_602 = arith.addf %add3A_600, %mul3A_601 : vector<16xf32>
      %add3A_603 = arith.addf %get3A_597, %add3A_602 : vector<16xf32>
      %eq3A_604 = arith.constant 8 : i32
      %eq3A_605 = vector.broadcast %eq3A_604 : i32 to vector<16xi32>
      %eq3A_606 = arith.cmpi eq, %iota3A, %eq3A_605 : vector<16xi32>
      %select_n3A_607 = arith.select %eq3A_606, %broadcast_in_dim3A_0, %add3A_603 : vector<16xi1>, vector<16xf32>
      %min3A_608 = arith.minimumf %while3A_583#0, %select_n3A_607 : vector<16xf32>
      %max3A_609 = arith.maximumf %while3A_583#0, %select_n3A_607 : vector<16xf32>
      %min3A_610 = arith.minimumf %while3A_583#1, %max3A_609 : vector<16xf32>
      %max3A_611 = arith.maximumf %while3A_583#1, %max3A_609 : vector<16xf32>
      %min3A_612 = arith.minimumf %while3A_583#2, %max3A_611 : vector<16xf32>
      %mul3A_613 = arith.mulf %get3A_588, %broadcast_in_dim3A_548 : vector<16xf32>
      %mul3A_614 = arith.mulf %get3A_591, %broadcast_in_dim3A_551 : vector<16xf32>
      %add3A_615 = arith.addf %mul3A_613, %mul3A_614 : vector<16xf32>
      %mul3A_616 = arith.mulf %get3A_594, %broadcast_in_dim3A_554 : vector<16xf32>
      %add3A_617 = arith.addf %add3A_615, %mul3A_616 : vector<16xf32>
      %add3A_618 = arith.addf %get3A_597, %add3A_617 : vector<16xf32>
      %eq3A_619 = arith.constant 9 : i32
      %eq3A_620 = vector.broadcast %eq3A_619 : i32 to vector<16xi32>
      %eq3A_621 = arith.cmpi eq, %iota3A, %eq3A_620 : vector<16xi32>
      %select_n3A_622 = arith.select %eq3A_621, %broadcast_in_dim3A_0, %add3A_618 : vector<16xi1>, vector<16xf32>
      %min3A_623 = arith.minimumf %while3A_583#3, %select_n3A_622 : vector<16xf32>
      %max3A_624 = arith.maximumf %while3A_583#3, %select_n3A_622 : vector<16xf32>
      %min3A_625 = arith.minimumf %while3A_583#4, %max3A_624 : vector<16xf32>
      %max3A_626 = arith.maximumf %while3A_583#4, %max3A_624 : vector<16xf32>
      %min3A_627 = arith.minimumf %while3A_583#5, %max3A_626 : vector<16xf32>
      %mul3A_628 = arith.mulf %get3A_588, %broadcast_in_dim3A_557 : vector<16xf32>
      %mul3A_629 = arith.mulf %get3A_591, %broadcast_in_dim3A_560 : vector<16xf32>
      %add3A_630 = arith.addf %mul3A_628, %mul3A_629 : vector<16xf32>
      %mul3A_631 = arith.mulf %get3A_594, %broadcast_in_dim3A_563 : vector<16xf32>
      %add3A_632 = arith.addf %add3A_630, %mul3A_631 : vector<16xf32>
      %add3A_633 = arith.addf %get3A_597, %add3A_632 : vector<16xf32>
      %eq3A_634 = arith.constant 10 : i32
      %eq3A_635 = vector.broadcast %eq3A_634 : i32 to vector<16xi32>
      %eq3A_636 = arith.cmpi eq, %iota3A, %eq3A_635 : vector<16xi32>
      %select_n3A_637 = arith.select %eq3A_636, %broadcast_in_dim3A_0, %add3A_633 : vector<16xi1>, vector<16xf32>
      %min3A_638 = arith.minimumf %while3A_583#6, %select_n3A_637 : vector<16xf32>
      %max3A_639 = arith.maximumf %while3A_583#6, %select_n3A_637 : vector<16xf32>
      %min3A_640 = arith.minimumf %while3A_583#7, %max3A_639 : vector<16xf32>
      %max3A_641 = arith.maximumf %while3A_583#7, %max3A_639 : vector<16xf32>
      %min3A_642 = arith.minimumf %while3A_583#8, %max3A_641 : vector<16xf32>
      %mul3A_643 = arith.mulf %get3A_588, %broadcast_in_dim3A_566 : vector<16xf32>
      %mul3A_644 = arith.mulf %get3A_591, %broadcast_in_dim3A_569 : vector<16xf32>
      %add3A_645 = arith.addf %mul3A_643, %mul3A_644 : vector<16xf32>
      %mul3A_646 = arith.mulf %get3A_594, %broadcast_in_dim3A_572 : vector<16xf32>
      %add3A_647 = arith.addf %add3A_645, %mul3A_646 : vector<16xf32>
      %add3A_648 = arith.addf %get3A_597, %add3A_647 : vector<16xf32>
      %eq3A_649 = arith.constant 11 : i32
      %eq3A_650 = vector.broadcast %eq3A_649 : i32 to vector<16xi32>
      %eq3A_651 = arith.cmpi eq, %iota3A, %eq3A_650 : vector<16xi32>
      %select_n3A_652 = arith.select %eq3A_651, %broadcast_in_dim3A_0, %add3A_648 : vector<16xi1>, vector<16xf32>
      %min3A_653 = arith.minimumf %while3A_583#9, %select_n3A_652 : vector<16xf32>
      %max3A_654 = arith.maximumf %while3A_583#9, %select_n3A_652 : vector<16xf32>
      %min3A_655 = arith.minimumf %while3A_583#10, %max3A_654 : vector<16xf32>
      %max3A_656 = arith.maximumf %while3A_583#10, %max3A_654 : vector<16xf32>
      %min3A_657 = arith.minimumf %while3A_583#11, %max3A_656 : vector<16xf32>
      %add3A_658 = arith.constant 1 : i32
      %add3A_659 = arith.addi %add3A_22, %add3A_658 : i32
      %while3A_660 = arith.constant 128 : i32
      %while3A_661 = arith.subi %while3A_660, %add3A_659 : i32
      %while3A_662 = arith.addi %add3A_659, %while3A_661 : i32
      %while3A_663 = arith.constant 1 : i32
      %while3A_664 = arith.divsi %while3A_661, %while3A_663 : i32
      %while3A_665 = arith.muli %while3A_664, %while3A_663 : i32
      %while3A_666 = arith.addi %add3A_659, %while3A_665 : i32
      %while3A_667 = arith.constant 1 : i32
      %while3A_668:12 = scf.for %while3A_1008 = %add3A_659 to %while3A_666 step %while3A_667 iter_args(%while3A_1009 = %min3A_608, %while3A_1010 = %min3A_610, %while3A_1011 = %min3A_612, %while3A_1012 = %min3A_623, %while3A_1013 = %min3A_625, %while3A_1014 = %min3A_627, %while3A_1015 = %min3A_638, %while3A_1016 = %min3A_640, %while3A_1017 = %min3A_642, %while3A_1018 = %min3A_653, %while3A_1019 = %min3A_655, %while3A_1020 = %min3A_657) -> (vector<16xf32>, vector<16xf32>, vector<16xf32>, vector<16xf32>, vector<16xf32>, vector<16xf32>, vector<16xf32>, vector<16xf32>, vector<16xf32>, vector<16xf32>, vector<16xf32>, vector<16xf32>)  : i32 {
        %mul3A_1021 = arith.constant 16 : i32
        %mul3A_1022 = arith.muli %while3A_1008, %mul3A_1021 : i32
        %get3A_1023 = arith.index_cast %mul3A_1022 : i32 to index
        %get3A_1024 = tpu.vector_load %arg7[%get3A_1023] {strides = array<i32>} : memref<2048xf32, #tpu.memory_space<vmem>>, vector<16xf32>,
        %get3A_1025 = vector.shape_cast %get3A_1024 : vector<16xf32> to vector<16xf32>
        %get3A_1026 = arith.index_cast %mul3A_1022 : i32 to index
        %get3A_1027 = tpu.vector_load %arg8[%get3A_1026] {strides = array<i32>} : memref<2048xf32, #tpu.memory_space<vmem>>, vector<16xf32>,
        %get3A_1028 = vector.shape_cast %get3A_1027 : vector<16xf32> to vector<16xf32>
        %get3A_1029 = arith.index_cast %mul3A_1022 : i32 to index
        %get3A_1030 = tpu.vector_load %arg9[%get3A_1029] {strides = array<i32>} : memref<2048xf32, #tpu.memory_space<vmem>>, vector<16xf32>,
        %get3A_1031 = vector.shape_cast %get3A_1030 : vector<16xf32> to vector<16xf32>
        %get3A_1032 = arith.index_cast %mul3A_1022 : i32 to index
        %get3A_1033 = tpu.vector_load %arg10[%get3A_1032] {strides = array<i32>} : memref<2048xf32, #tpu.memory_space<vmem>>, vector<16xf32>,
        %get3A_1034 = vector.shape_cast %get3A_1033 : vector<16xf32> to vector<16xf32>
        %mul3A_1035 = arith.mulf %get3A_1025, %broadcast_in_dim3A_539 : vector<16xf32>
        %mul3A_1036 = arith.mulf %get3A_1028, %broadcast_in_dim3A_542 : vector<16xf32>
        %add3A_1037 = arith.addf %mul3A_1035, %mul3A_1036 : vector<16xf32>
        %mul3A_1038 = arith.mulf %get3A_1031, %broadcast_in_dim3A_545 : vector<16xf32>
        %add3A_1039 = arith.addf %add3A_1037, %mul3A_1038 : vector<16xf32>
        %add3A_1040 = arith.addf %get3A_1034, %add3A_1039 : vector<16xf32>
        %min3A_1041 = arith.minimumf %while3A_1009, %add3A_1040 : vector<16xf32>
        %max3A_1042 = arith.maximumf %while3A_1009, %add3A_1040 : vector<16xf32>
        %min3A_1043 = arith.minimumf %while3A_1010, %max3A_1042 : vector<16xf32>
        %max3A_1044 = arith.maximumf %while3A_1010, %max3A_1042 : vector<16xf32>
        %min3A_1045 = arith.minimumf %while3A_1011, %max3A_1044 : vector<16xf32>
        %mul3A_1046 = arith.mulf %get3A_1025, %broadcast_in_dim3A_548 : vector<16xf32>
        %mul3A_1047 = arith.mulf %get3A_1028, %broadcast_in_dim3A_551 : vector<16xf32>
        %add3A_1048 = arith.addf %mul3A_1046, %mul3A_1047 : vector<16xf32>
        %mul3A_1049 = arith.mulf %get3A_1031, %broadcast_in_dim3A_554 : vector<16xf32>
        %add3A_1050 = arith.addf %add3A_1048, %mul3A_1049 : vector<16xf32>
        %add3A_1051 = arith.addf %get3A_1034, %add3A_1050 : vector<16xf32>
        %min3A_1052 = arith.minimumf %while3A_1012, %add3A_1051 : vector<16xf32>
        %max3A_1053 = arith.maximumf %while3A_1012, %add3A_1051 : vector<16xf32>
        %min3A_1054 = arith.minimumf %while3A_1013, %max3A_1053 : vector<16xf32>
        %max3A_1055 = arith.maximumf %while3A_1013, %max3A_1053 : vector<16xf32>
        %min3A_1056 = arith.minimumf %while3A_1014, %max3A_1055 : vector<16xf32>
        %mul3A_1057 = arith.mulf %get3A_1025, %broadcast_in_dim3A_557 : vector<16xf32>
        %mul3A_1058 = arith.mulf %get3A_1028, %broadcast_in_dim3A_560 : vector<16xf32>
        %add3A_1059 = arith.addf %mul3A_1057, %mul3A_1058 : vector<16xf32>
        %mul3A_1060 = arith.mulf %get3A_1031, %broadcast_in_dim3A_563 : vector<16xf32>
        %add3A_1061 = arith.addf %add3A_1059, %mul3A_1060 : vector<16xf32>
        %add3A_1062 = arith.addf %get3A_1034, %add3A_1061 : vector<16xf32>
        %min3A_1063 = arith.minimumf %while3A_1015, %add3A_1062 : vector<16xf32>
        %max3A_1064 = arith.maximumf %while3A_1015, %add3A_1062 : vector<16xf32>
        %min3A_1065 = arith.minimumf %while3A_1016, %max3A_1064 : vector<16xf32>
        %max3A_1066 = arith.maximumf %while3A_1016, %max3A_1064 : vector<16xf32>
        %min3A_1067 = arith.minimumf %while3A_1017, %max3A_1066 : vector<16xf32>
        %mul3A_1068 = arith.mulf %get3A_1025, %broadcast_in_dim3A_566 : vector<16xf32>
        %mul3A_1069 = arith.mulf %get3A_1028, %broadcast_in_dim3A_569 : vector<16xf32>
        %add3A_1070 = arith.addf %mul3A_1068, %mul3A_1069 : vector<16xf32>
        %mul3A_1071 = arith.mulf %get3A_1031, %broadcast_in_dim3A_572 : vector<16xf32>
        %add3A_1072 = arith.addf %add3A_1070, %mul3A_1071 : vector<16xf32>
        %add3A_1073 = arith.addf %get3A_1034, %add3A_1072 : vector<16xf32>
        %min3A_1074 = arith.minimumf %while3A_1018, %add3A_1073 : vector<16xf32>
        %max3A_1075 = arith.maximumf %while3A_1018, %add3A_1073 : vector<16xf32>
        %min3A_1076 = arith.minimumf %while3A_1019, %max3A_1075 : vector<16xf32>
        %max3A_1077 = arith.maximumf %while3A_1019, %max3A_1075 : vector<16xf32>
        %min3A_1078 = arith.minimumf %while3A_1020, %max3A_1077 : vector<16xf32>
        scf.yield %min3A_1041, %min3A_1043, %min3A_1045, %min3A_1052, %min3A_1054, %min3A_1056, %min3A_1063, %min3A_1065, %min3A_1067, %min3A_1074, %min3A_1076, %min3A_1078 : vector<16xf32>, vector<16xf32>, vector<16xf32>, vector<16xf32>, vector<16xf32>, vector<16xf32>, vector<16xf32>, vector<16xf32>, vector<16xf32>, vector<16xf32>, vector<16xf32>, vector<16xf32>
      }
      %while3A_669 = arith.constant 1 : i32
      %while3A_670:12 = scf.for %while3A_1008 = %while3A_666 to %while3A_662 step %while3A_669 iter_args(%while3A_1009 = %while3A_668#0, %while3A_1010 = %while3A_668#1, %while3A_1011 = %while3A_668#2, %while3A_1012 = %while3A_668#3, %while3A_1013 = %while3A_668#4, %while3A_1014 = %while3A_668#5, %while3A_1015 = %while3A_668#6, %while3A_1016 = %while3A_668#7, %while3A_1017 = %while3A_668#8, %while3A_1018 = %while3A_668#9, %while3A_1019 = %while3A_668#10, %while3A_1020 = %while3A_668#11) -> (vector<16xf32>, vector<16xf32>, vector<16xf32>, vector<16xf32>, vector<16xf32>, vector<16xf32>, vector<16xf32>, vector<16xf32>, vector<16xf32>, vector<16xf32>, vector<16xf32>, vector<16xf32>)  : i32 {
        %mul3A_1021 = arith.constant 16 : i32
        %mul3A_1022 = arith.muli %while3A_1008, %mul3A_1021 : i32
        %get3A_1023 = arith.index_cast %mul3A_1022 : i32 to index
        %get3A_1024 = tpu.vector_load %arg7[%get3A_1023] {strides = array<i32>} : memref<2048xf32, #tpu.memory_space<vmem>>, vector<16xf32>,
        %get3A_1025 = vector.shape_cast %get3A_1024 : vector<16xf32> to vector<16xf32>
        %get3A_1026 = arith.index_cast %mul3A_1022 : i32 to index
        %get3A_1027 = tpu.vector_load %arg8[%get3A_1026] {strides = array<i32>} : memref<2048xf32, #tpu.memory_space<vmem>>, vector<16xf32>,
        %get3A_1028 = vector.shape_cast %get3A_1027 : vector<16xf32> to vector<16xf32>
        %get3A_1029 = arith.index_cast %mul3A_1022 : i32 to index
        %get3A_1030 = tpu.vector_load %arg9[%get3A_1029] {strides = array<i32>} : memref<2048xf32, #tpu.memory_space<vmem>>, vector<16xf32>,
        %get3A_1031 = vector.shape_cast %get3A_1030 : vector<16xf32> to vector<16xf32>
        %get3A_1032 = arith.index_cast %mul3A_1022 : i32 to index
        %get3A_1033 = tpu.vector_load %arg10[%get3A_1032] {strides = array<i32>} : memref<2048xf32, #tpu.memory_space<vmem>>, vector<16xf32>,
        %get3A_1034 = vector.shape_cast %get3A_1033 : vector<16xf32> to vector<16xf32>
        %mul3A_1035 = arith.mulf %get3A_1025, %broadcast_in_dim3A_539 : vector<16xf32>
        %mul3A_1036 = arith.mulf %get3A_1028, %broadcast_in_dim3A_542 : vector<16xf32>
        %add3A_1037 = arith.addf %mul3A_1035, %mul3A_1036 : vector<16xf32>
        %mul3A_1038 = arith.mulf %get3A_1031, %broadcast_in_dim3A_545 : vector<16xf32>
        %add3A_1039 = arith.addf %add3A_1037, %mul3A_1038 : vector<16xf32>
        %add3A_1040 = arith.addf %get3A_1034, %add3A_1039 : vector<16xf32>
        %min3A_1041 = arith.minimumf %while3A_1009, %add3A_1040 : vector<16xf32>
        %max3A_1042 = arith.maximumf %while3A_1009, %add3A_1040 : vector<16xf32>
        %min3A_1043 = arith.minimumf %while3A_1010, %max3A_1042 : vector<16xf32>
        %max3A_1044 = arith.maximumf %while3A_1010, %max3A_1042 : vector<16xf32>
        %min3A_1045 = arith.minimumf %while3A_1011, %max3A_1044 : vector<16xf32>
        %mul3A_1046 = arith.mulf %get3A_1025, %broadcast_in_dim3A_548 : vector<16xf32>
        %mul3A_1047 = arith.mulf %get3A_1028, %broadcast_in_dim3A_551 : vector<16xf32>
        %add3A_1048 = arith.addf %mul3A_1046, %mul3A_1047 : vector<16xf32>
        %mul3A_1049 = arith.mulf %get3A_1031, %broadcast_in_dim3A_554 : vector<16xf32>
        %add3A_1050 = arith.addf %add3A_1048, %mul3A_1049 : vector<16xf32>
        %add3A_1051 = arith.addf %get3A_1034, %add3A_1050 : vector<16xf32>
        %min3A_1052 = arith.minimumf %while3A_1012, %add3A_1051 : vector<16xf32>
        %max3A_1053 = arith.maximumf %while3A_1012, %add3A_1051 : vector<16xf32>
        %min3A_1054 = arith.minimumf %while3A_1013, %max3A_1053 : vector<16xf32>
        %max3A_1055 = arith.maximumf %while3A_1013, %max3A_1053 : vector<16xf32>
        %min3A_1056 = arith.minimumf %while3A_1014, %max3A_1055 : vector<16xf32>
        %mul3A_1057 = arith.mulf %get3A_1025, %broadcast_in_dim3A_557 : vector<16xf32>
        %mul3A_1058 = arith.mulf %get3A_1028, %broadcast_in_dim3A_560 : vector<16xf32>
        %add3A_1059 = arith.addf %mul3A_1057, %mul3A_1058 : vector<16xf32>
        %mul3A_1060 = arith.mulf %get3A_1031, %broadcast_in_dim3A_563 : vector<16xf32>
        %add3A_1061 = arith.addf %add3A_1059, %mul3A_1060 : vector<16xf32>
        %add3A_1062 = arith.addf %get3A_1034, %add3A_1061 : vector<16xf32>
        %min3A_1063 = arith.minimumf %while3A_1015, %add3A_1062 : vector<16xf32>
        %max3A_1064 = arith.maximumf %while3A_1015, %add3A_1062 : vector<16xf32>
        %min3A_1065 = arith.minimumf %while3A_1016, %max3A_1064 : vector<16xf32>
        %max3A_1066 = arith.maximumf %while3A_1016, %max3A_1064 : vector<16xf32>
        %min3A_1067 = arith.minimumf %while3A_1017, %max3A_1066 : vector<16xf32>
        %mul3A_1068 = arith.mulf %get3A_1025, %broadcast_in_dim3A_566 : vector<16xf32>
        %mul3A_1069 = arith.mulf %get3A_1028, %broadcast_in_dim3A_569 : vector<16xf32>
        %add3A_1070 = arith.addf %mul3A_1068, %mul3A_1069 : vector<16xf32>
        %mul3A_1071 = arith.mulf %get3A_1031, %broadcast_in_dim3A_572 : vector<16xf32>
        %add3A_1072 = arith.addf %add3A_1070, %mul3A_1071 : vector<16xf32>
        %add3A_1073 = arith.addf %get3A_1034, %add3A_1072 : vector<16xf32>
        %min3A_1074 = arith.minimumf %while3A_1018, %add3A_1073 : vector<16xf32>
        %max3A_1075 = arith.maximumf %while3A_1018, %add3A_1073 : vector<16xf32>
        %min3A_1076 = arith.minimumf %while3A_1019, %max3A_1075 : vector<16xf32>
        %max3A_1077 = arith.maximumf %while3A_1019, %max3A_1075 : vector<16xf32>
        %min3A_1078 = arith.minimumf %while3A_1020, %max3A_1077 : vector<16xf32>
        scf.yield %min3A_1041, %min3A_1043, %min3A_1045, %min3A_1052, %min3A_1054, %min3A_1056, %min3A_1063, %min3A_1065, %min3A_1067, %min3A_1074, %min3A_1076, %min3A_1078 : vector<16xf32>, vector<16xf32>, vector<16xf32>, vector<16xf32>, vector<16xf32>, vector<16xf32>, vector<16xf32>, vector<16xf32>, vector<16xf32>, vector<16xf32>, vector<16xf32>, vector<16xf32>
      }
      %add3A_671 = arith.constant 0 : i32
      %add3A_672 = arith.addi %add3A_512, %add3A_671 : i32
      %mul3A_673 = arith.constant 48 : i32
      %mul3A_674 = arith.muli %add3A_672, %mul3A_673 : i32
      %add3A_675 = arith.constant 0 : i32
      %add3A_676 = arith.addi %mul3A_674, %add3A_675 : i32
      %swap3A_677 = arith.index_cast %add3A_676 : i32 to index
      %swap3A_678 = tpu.vector_load %arg11[%swap3A_677] {strides = array<i32>} : memref<49152xf32, #tpu.memory_space<vmem>>, vector<16xf32>,
      %swap3A_679 = vector.shape_cast %swap3A_678 : vector<16xf32> to vector<16xf32>
      %swap3A_680 = vector.shape_cast %while3A_670#0 : vector<16xf32> to vector<16xf32>
      tpu.vector_store %arg11[%swap3A_677], %swap3A_680 {strides = array<i32>} : memref<49152xf32, #tpu.memory_space<vmem>>, vector<16xf32>,
      %add3A_681 = arith.constant 16 : i32
      %add3A_682 = arith.addi %mul3A_674, %add3A_681 : i32
      %swap3A_683 = arith.index_cast %add3A_682 : i32 to index
      %swap3A_684 = tpu.vector_load %arg11[%swap3A_683] {strides = array<i32>} : memref<49152xf32, #tpu.memory_space<vmem>>, vector<16xf32>,
      %swap3A_685 = vector.shape_cast %swap3A_684 : vector<16xf32> to vector<16xf32>
      %swap3A_686 = vector.shape_cast %while3A_670#1 : vector<16xf32> to vector<16xf32>
      tpu.vector_store %arg11[%swap3A_683], %swap3A_686 {strides = array<i32>} : memref<49152xf32, #tpu.memory_space<vmem>>, vector<16xf32>,
      %add3A_687 = arith.constant 32 : i32
      %add3A_688 = arith.addi %mul3A_674, %add3A_687 : i32
      %swap3A_689 = arith.index_cast %add3A_688 : i32 to index
      %swap3A_690 = tpu.vector_load %arg11[%swap3A_689] {strides = array<i32>} : memref<49152xf32, #tpu.memory_space<vmem>>, vector<16xf32>,
      %swap3A_691 = vector.shape_cast %swap3A_690 : vector<16xf32> to vector<16xf32>
      %swap3A_692 = vector.shape_cast %while3A_670#2 : vector<16xf32> to vector<16xf32>
      tpu.vector_store %arg11[%swap3A_689], %swap3A_692 {strides = array<i32>} : memref<49152xf32, #tpu.memory_space<vmem>>, vector<16xf32>,
      %add3A_693 = arith.constant 1 : i32
      %add3A_694 = arith.addi %add3A_512, %add3A_693 : i32
      %mul3A_695 = arith.constant 48 : i32
      %mul3A_696 = arith.muli %add3A_694, %mul3A_695 : i32
      %add3A_697 = arith.constant 0 : i32
      %add3A_698 = arith.addi %mul3A_696, %add3A_697 : i32
      %swap3A_699 = arith.index_cast %add3A_698 : i32 to index
      %swap3A_700 = tpu.vector_load %arg11[%swap3A_699] {strides = array<i32>} : memref<49152xf32, #tpu.memory_space<vmem>>, vector<16xf32>,
      %swap3A_701 = vector.shape_cast %swap3A_700 : vector<16xf32> to vector<16xf32>
      %swap3A_702 = vector.shape_cast %while3A_670#3 : vector<16xf32> to vector<16xf32>
      tpu.vector_store %arg11[%swap3A_699], %swap3A_702 {strides = array<i32>} : memref<49152xf32, #tpu.memory_space<vmem>>, vector<16xf32>,
      %add3A_703 = arith.constant 16 : i32
      %add3A_704 = arith.addi %mul3A_696, %add3A_703 : i32
      %swap3A_705 = arith.index_cast %add3A_704 : i32 to index
      %swap3A_706 = tpu.vector_load %arg11[%swap3A_705] {strides = array<i32>} : memref<49152xf32, #tpu.memory_space<vmem>>, vector<16xf32>,
      %swap3A_707 = vector.shape_cast %swap3A_706 : vector<16xf32> to vector<16xf32>
      %swap3A_708 = vector.shape_cast %while3A_670#4 : vector<16xf32> to vector<16xf32>
      tpu.vector_store %arg11[%swap3A_705], %swap3A_708 {strides = array<i32>} : memref<49152xf32, #tpu.memory_space<vmem>>, vector<16xf32>,
      %add3A_709 = arith.constant 32 : i32
      %add3A_710 = arith.addi %mul3A_696, %add3A_709 : i32
      %swap3A_711 = arith.index_cast %add3A_710 : i32 to index
      %swap3A_712 = tpu.vector_load %arg11[%swap3A_711] {strides = array<i32>} : memref<49152xf32, #tpu.memory_space<vmem>>, vector<16xf32>,
      %swap3A_713 = vector.shape_cast %swap3A_712 : vector<16xf32> to vector<16xf32>
      %swap3A_714 = vector.shape_cast %while3A_670#5 : vector<16xf32> to vector<16xf32>
      tpu.vector_store %arg11[%swap3A_711], %swap3A_714 {strides = array<i32>} : memref<49152xf32, #tpu.memory_space<vmem>>, vector<16xf32>,
      %add3A_715 = arith.constant 2 : i32
      %add3A_716 = arith.addi %add3A_512, %add3A_715 : i32
      %mul3A_717 = arith.constant 48 : i32
      %mul3A_718 = arith.muli %add3A_716, %mul3A_717 : i32
      %add3A_719 = arith.constant 0 : i32
      %add3A_720 = arith.addi %mul3A_718, %add3A_719 : i32
      %swap3A_721 = arith.index_cast %add3A_720 : i32 to index
      %swap3A_722 = tpu.vector_load %arg11[%swap3A_721] {strides = array<i32>} : memref<49152xf32, #tpu.memory_space<vmem>>, vector<16xf32>,
      %swap3A_723 = vector.shape_cast %swap3A_722 : vector<16xf32> to vector<16xf32>
      %swap3A_724 = vector.shape_cast %while3A_670#6 : vector<16xf32> to vector<16xf32>
      tpu.vector_store %arg11[%swap3A_721], %swap3A_724 {strides = array<i32>} : memref<49152xf32, #tpu.memory_space<vmem>>, vector<16xf32>,
      %add3A_725 = arith.constant 16 : i32
      %add3A_726 = arith.addi %mul3A_718, %add3A_725 : i32
      %swap3A_727 = arith.index_cast %add3A_726 : i32 to index
      %swap3A_728 = tpu.vector_load %arg11[%swap3A_727] {strides = array<i32>} : memref<49152xf32, #tpu.memory_space<vmem>>, vector<16xf32>,
      %swap3A_729 = vector.shape_cast %swap3A_728 : vector<16xf32> to vector<16xf32>
      %swap3A_730 = vector.shape_cast %while3A_670#7 : vector<16xf32> to vector<16xf32>
      tpu.vector_store %arg11[%swap3A_727], %swap3A_730 {strides = array<i32>} : memref<49152xf32, #tpu.memory_space<vmem>>, vector<16xf32>,
      %add3A_731 = arith.constant 32 : i32
      %add3A_732 = arith.addi %mul3A_718, %add3A_731 : i32
      %swap3A_733 = arith.index_cast %add3A_732 : i32 to index
      %swap3A_734 = tpu.vector_load %arg11[%swap3A_733] {strides = array<i32>} : memref<49152xf32, #tpu.memory_space<vmem>>, vector<16xf32>,
      %swap3A_735 = vector.shape_cast %swap3A_734 : vector<16xf32> to vector<16xf32>
      %swap3A_736 = vector.shape_cast %while3A_670#8 : vector<16xf32> to vector<16xf32>
      tpu.vector_store %arg11[%swap3A_733], %swap3A_736 {strides = array<i32>} : memref<49152xf32, #tpu.memory_space<vmem>>, vector<16xf32>,
      %add3A_737 = arith.constant 3 : i32
      %add3A_738 = arith.addi %add3A_512, %add3A_737 : i32
      %mul3A_739 = arith.constant 48 : i32
      %mul3A_740 = arith.muli %add3A_738, %mul3A_739 : i32
      %add3A_741 = arith.constant 0 : i32
      %add3A_742 = arith.addi %mul3A_740, %add3A_741 : i32
      %swap3A_743 = arith.index_cast %add3A_742 : i32 to index
      %swap3A_744 = tpu.vector_load %arg11[%swap3A_743] {strides = array<i32>} : memref<49152xf32, #tpu.memory_space<vmem>>, vector<16xf32>,
      %swap3A_745 = vector.shape_cast %swap3A_744 : vector<16xf32> to vector<16xf32>
      %swap3A_746 = vector.shape_cast %while3A_670#9 : vector<16xf32> to vector<16xf32>
      tpu.vector_store %arg11[%swap3A_743], %swap3A_746 {strides = array<i32>} : memref<49152xf32, #tpu.memory_space<vmem>>, vector<16xf32>,
      %add3A_747 = arith.constant 16 : i32
      %add3A_748 = arith.addi %mul3A_740, %add3A_747 : i32
      %swap3A_749 = arith.index_cast %add3A_748 : i32 to index
      %swap3A_750 = tpu.vector_load %arg11[%swap3A_749] {strides = array<i32>} : memref<49152xf32, #tpu.memory_space<vmem>>, vector<16xf32>,
      %swap3A_751 = vector.shape_cast %swap3A_750 : vector<16xf32> to vector<16xf32>
      %swap3A_752 = vector.shape_cast %while3A_670#10 : vector<16xf32> to vector<16xf32>
      tpu.vector_store %arg11[%swap3A_749], %swap3A_752 {strides = array<i32>} : memref<49152xf32, #tpu.memory_space<vmem>>, vector<16xf32>,
      %add3A_753 = arith.constant 32 : i32
      %add3A_754 = arith.addi %mul3A_740, %add3A_753 : i32
      %swap3A_755 = arith.index_cast %add3A_754 : i32 to index
      %swap3A_756 = tpu.vector_load %arg11[%swap3A_755] {strides = array<i32>} : memref<49152xf32, #tpu.memory_space<vmem>>, vector<16xf32>,
      %swap3A_757 = vector.shape_cast %swap3A_756 : vector<16xf32> to vector<16xf32>
      %swap3A_758 = vector.shape_cast %while3A_670#11 : vector<16xf32> to vector<16xf32>
      tpu.vector_store %arg11[%swap3A_755], %swap3A_758 {strides = array<i32>} : memref<49152xf32, #tpu.memory_space<vmem>>, vector<16xf32>,
      %add3A_759 = arith.constant 12 : i32
      %add3A_760 = arith.addi %mul3A_11, %add3A_759 : i32
      %slice3A_761 = vector.extract_strided_slice %get3A_13 {offsets = [12], sizes = [1], strides = [1]} : vector<16xf32> to vector<1xf32>
      %squeeze3A_762 = vector.extract %slice3A_761[0] : f32 from vector<1xf32>
      %slice3A_763 = vector.extract_strided_slice %get3A_16 {offsets = [12], sizes = [1], strides = [1]} : vector<16xf32> to vector<1xf32>
      %squeeze3A_764 = vector.extract %slice3A_763[0] : f32 from vector<1xf32>
      %slice3A_765 = vector.extract_strided_slice %get3A_19 {offsets = [12], sizes = [1], strides = [1]} : vector<16xf32> to vector<1xf32>
      %squeeze3A_766 = vector.extract %slice3A_765[0] : f32 from vector<1xf32>
      %slice3A_767 = vector.extract_strided_slice %get3A_13 {offsets = [13], sizes = [1], strides = [1]} : vector<16xf32> to vector<1xf32>
      %squeeze3A_768 = vector.extract %slice3A_767[0] : f32 from vector<1xf32>
      %slice3A_769 = vector.extract_strided_slice %get3A_16 {offsets = [13], sizes = [1], strides = [1]} : vector<16xf32> to vector<1xf32>
      %squeeze3A_770 = vector.extract %slice3A_769[0] : f32 from vector<1xf32>
      %slice3A_771 = vector.extract_strided_slice %get3A_19 {offsets = [13], sizes = [1], strides = [1]} : vector<16xf32> to vector<1xf32>
      %squeeze3A_772 = vector.extract %slice3A_771[0] : f32 from vector<1xf32>
      %slice3A_773 = vector.extract_strided_slice %get3A_13 {offsets = [14], sizes = [1], strides = [1]} : vector<16xf32> to vector<1xf32>
      %squeeze3A_774 = vector.extract %slice3A_773[0] : f32 from vector<1xf32>
      %slice3A_775 = vector.extract_strided_slice %get3A_16 {offsets = [14], sizes = [1], strides = [1]} : vector<16xf32> to vector<1xf32>
      %squeeze3A_776 = vector.extract %slice3A_775[0] : f32 from vector<1xf32>
      %slice3A_777 = vector.extract_strided_slice %get3A_19 {offsets = [14], sizes = [1], strides = [1]} : vector<16xf32> to vector<1xf32>
      %squeeze3A_778 = vector.extract %slice3A_777[0] : f32 from vector<1xf32>
      %slice3A_779 = vector.extract_strided_slice %get3A_13 {offsets = [15], sizes = [1], strides = [1]} : vector<16xf32> to vector<1xf32>
      %squeeze3A_780 = vector.extract %slice3A_779[0] : f32 from vector<1xf32>
      %slice3A_781 = vector.extract_strided_slice %get3A_16 {offsets = [15], sizes = [1], strides = [1]} : vector<16xf32> to vector<1xf32>
      %squeeze3A_782 = vector.extract %slice3A_781[0] : f32 from vector<1xf32>
      %slice3A_783 = vector.extract_strided_slice %get3A_19 {offsets = [15], sizes = [1], strides = [1]} : vector<16xf32> to vector<1xf32>
      %squeeze3A_784 = vector.extract %slice3A_783[0] : f32 from vector<1xf32>
      %mul3A_785 = arith.constant -2.000000e+00 : f32
      %mul3A_786 = arith.mulf %mul3A_785, %squeeze3A_762 : f32
      %broadcast_in_dim3A_787 = vector.broadcast %mul3A_786 : f32 to vector<16xf32>
      %mul3A_788 = arith.constant -2.000000e+00 : f32
      %mul3A_789 = arith.mulf %mul3A_788, %squeeze3A_764 : f32
      %broadcast_in_dim3A_790 = vector.broadcast %mul3A_789 : f32 to vector<16xf32>
      %mul3A_791 = arith.constant -2.000000e+00 : f32
      %mul3A_792 = arith.mulf %mul3A_791, %squeeze3A_766 : f32
      %broadcast_in_dim3A_793 = vector.broadcast %mul3A_792 : f32 to vector<16xf32>
      %mul3A_794 = arith.constant -2.000000e+00 : f32
      %mul3A_795 = arith.mulf %mul3A_794, %squeeze3A_768 : f32
      %broadcast_in_dim3A_796 = vector.broadcast %mul3A_795 : f32 to vector<16xf32>
      %mul3A_797 = arith.constant -2.000000e+00 : f32
      %mul3A_798 = arith.mulf %mul3A_797, %squeeze3A_770 : f32
      %broadcast_in_dim3A_799 = vector.broadcast %mul3A_798 : f32 to vector<16xf32>
      %mul3A_800 = arith.constant -2.000000e+00 : f32
      %mul3A_801 = arith.mulf %mul3A_800, %squeeze3A_772 : f32
      %broadcast_in_dim3A_802 = vector.broadcast %mul3A_801 : f32 to vector<16xf32>
      %mul3A_803 = arith.constant -2.000000e+00 : f32
      %mul3A_804 = arith.mulf %mul3A_803, %squeeze3A_774 : f32
      %broadcast_in_dim3A_805 = vector.broadcast %mul3A_804 : f32 to vector<16xf32>
      %mul3A_806 = arith.constant -2.000000e+00 : f32
      %mul3A_807 = arith.mulf %mul3A_806, %squeeze3A_776 : f32
      %broadcast_in_dim3A_808 = vector.broadcast %mul3A_807 : f32 to vector<16xf32>
      %mul3A_809 = arith.constant -2.000000e+00 : f32
      %mul3A_810 = arith.mulf %mul3A_809, %squeeze3A_778 : f32
      %broadcast_in_dim3A_811 = vector.broadcast %mul3A_810 : f32 to vector<16xf32>
      %mul3A_812 = arith.constant -2.000000e+00 : f32
      %mul3A_813 = arith.mulf %mul3A_812, %squeeze3A_780 : f32
      %broadcast_in_dim3A_814 = vector.broadcast %mul3A_813 : f32 to vector<16xf32>
      %mul3A_815 = arith.constant -2.000000e+00 : f32
      %mul3A_816 = arith.mulf %mul3A_815, %squeeze3A_782 : f32
      %broadcast_in_dim3A_817 = vector.broadcast %mul3A_816 : f32 to vector<16xf32>
      %mul3A_818 = arith.constant -2.000000e+00 : f32
      %mul3A_819 = arith.mulf %mul3A_818, %squeeze3A_784 : f32
      %broadcast_in_dim3A_820 = vector.broadcast %mul3A_819 : f32 to vector<16xf32>
      %while3A_821 = arith.constant 0 : i32
      %while3A_822 = arith.subi %add3A_22, %while3A_821 : i32
      %while3A_823 = arith.addi %while3A_821, %while3A_822 : i32
      %while3A_824 = arith.constant 1 : i32
      %while3A_825 = arith.divsi %while3A_822, %while3A_824 : i32
      %while3A_826 = arith.muli %while3A_825, %while3A_824 : i32
      %while3A_827 = arith.addi %while3A_821, %while3A_826 : i32
      %while3A_828 = arith.constant 1 : i32
      %while3A_829:12 = scf.for %while3A_1008 = %while3A_821 to %while3A_827 step %while3A_828 iter_args(%while3A_1009 = %broadcast_in_dim3A_0, %while3A_1010 = %broadcast_in_dim3A_0, %while3A_1011 = %broadcast_in_dim3A_0, %while3A_1012 = %broadcast_in_dim3A_0, %while3A_1013 = %broadcast_in_dim3A_0, %while3A_1014 = %broadcast_in_dim3A_0, %while3A_1015 = %broadcast_in_dim3A_0, %while3A_1016 = %broadcast_in_dim3A_0, %while3A_1017 = %broadcast_in_dim3A_0, %while3A_1018 = %broadcast_in_dim3A_0, %while3A_1019 = %broadcast_in_dim3A_0, %while3A_1020 = %broadcast_in_dim3A_0) -> (vector<16xf32>, vector<16xf32>, vector<16xf32>, vector<16xf32>, vector<16xf32>, vector<16xf32>, vector<16xf32>, vector<16xf32>, vector<16xf32>, vector<16xf32>, vector<16xf32>, vector<16xf32>)  : i32 {
        %mul3A_1021 = arith.constant 16 : i32
        %mul3A_1022 = arith.muli %while3A_1008, %mul3A_1021 : i32
        %get3A_1023 = arith.index_cast %mul3A_1022 : i32 to index
        %get3A_1024 = tpu.vector_load %arg7[%get3A_1023] {strides = array<i32>} : memref<2048xf32, #tpu.memory_space<vmem>>, vector<16xf32>,
        %get3A_1025 = vector.shape_cast %get3A_1024 : vector<16xf32> to vector<16xf32>
        %get3A_1026 = arith.index_cast %mul3A_1022 : i32 to index
        %get3A_1027 = tpu.vector_load %arg8[%get3A_1026] {strides = array<i32>} : memref<2048xf32, #tpu.memory_space<vmem>>, vector<16xf32>,
        %get3A_1028 = vector.shape_cast %get3A_1027 : vector<16xf32> to vector<16xf32>
        %get3A_1029 = arith.index_cast %mul3A_1022 : i32 to index
        %get3A_1030 = tpu.vector_load %arg9[%get3A_1029] {strides = array<i32>} : memref<2048xf32, #tpu.memory_space<vmem>>, vector<16xf32>,
        %get3A_1031 = vector.shape_cast %get3A_1030 : vector<16xf32> to vector<16xf32>
        %get3A_1032 = arith.index_cast %mul3A_1022 : i32 to index
        %get3A_1033 = tpu.vector_load %arg10[%get3A_1032] {strides = array<i32>} : memref<2048xf32, #tpu.memory_space<vmem>>, vector<16xf32>,
        %get3A_1034 = vector.shape_cast %get3A_1033 : vector<16xf32> to vector<16xf32>
        %mul3A_1035 = arith.mulf %get3A_1025, %broadcast_in_dim3A_787 : vector<16xf32>
        %mul3A_1036 = arith.mulf %get3A_1028, %broadcast_in_dim3A_790 : vector<16xf32>
        %add3A_1037 = arith.addf %mul3A_1035, %mul3A_1036 : vector<16xf32>
        %mul3A_1038 = arith.mulf %get3A_1031, %broadcast_in_dim3A_793 : vector<16xf32>
        %add3A_1039 = arith.addf %add3A_1037, %mul3A_1038 : vector<16xf32>
        %add3A_1040 = arith.addf %get3A_1034, %add3A_1039 : vector<16xf32>
        %min3A_1041 = arith.minimumf %while3A_1009, %add3A_1040 : vector<16xf32>
        %max3A_1042 = arith.maximumf %while3A_1009, %add3A_1040 : vector<16xf32>
        %min3A_1043 = arith.minimumf %while3A_1010, %max3A_1042 : vector<16xf32>
        %max3A_1044 = arith.maximumf %while3A_1010, %max3A_1042 : vector<16xf32>
        %min3A_1045 = arith.minimumf %while3A_1011, %max3A_1044 : vector<16xf32>
        %mul3A_1046 = arith.mulf %get3A_1025, %broadcast_in_dim3A_796 : vector<16xf32>
        %mul3A_1047 = arith.mulf %get3A_1028, %broadcast_in_dim3A_799 : vector<16xf32>
        %add3A_1048 = arith.addf %mul3A_1046, %mul3A_1047 : vector<16xf32>
        %mul3A_1049 = arith.mulf %get3A_1031, %broadcast_in_dim3A_802 : vector<16xf32>
        %add3A_1050 = arith.addf %add3A_1048, %mul3A_1049 : vector<16xf32>
        %add3A_1051 = arith.addf %get3A_1034, %add3A_1050 : vector<16xf32>
        %min3A_1052 = arith.minimumf %while3A_1012, %add3A_1051 : vector<16xf32>
        %max3A_1053 = arith.maximumf %while3A_1012, %add3A_1051 : vector<16xf32>
        %min3A_1054 = arith.minimumf %while3A_1013, %max3A_1053 : vector<16xf32>
        %max3A_1055 = arith.maximumf %while3A_1013, %max3A_1053 : vector<16xf32>
        %min3A_1056 = arith.minimumf %while3A_1014, %max3A_1055 : vector<16xf32>
        %mul3A_1057 = arith.mulf %get3A_1025, %broadcast_in_dim3A_805 : vector<16xf32>
        %mul3A_1058 = arith.mulf %get3A_1028, %broadcast_in_dim3A_808 : vector<16xf32>
        %add3A_1059 = arith.addf %mul3A_1057, %mul3A_1058 : vector<16xf32>
        %mul3A_1060 = arith.mulf %get3A_1031, %broadcast_in_dim3A_811 : vector<16xf32>
        %add3A_1061 = arith.addf %add3A_1059, %mul3A_1060 : vector<16xf32>
        %add3A_1062 = arith.addf %get3A_1034, %add3A_1061 : vector<16xf32>
        %min3A_1063 = arith.minimumf %while3A_1015, %add3A_1062 : vector<16xf32>
        %max3A_1064 = arith.maximumf %while3A_1015, %add3A_1062 : vector<16xf32>
        %min3A_1065 = arith.minimumf %while3A_1016, %max3A_1064 : vector<16xf32>
        %max3A_1066 = arith.maximumf %while3A_1016, %max3A_1064 : vector<16xf32>
        %min3A_1067 = arith.minimumf %while3A_1017, %max3A_1066 : vector<16xf32>
        %mul3A_1068 = arith.mulf %get3A_1025, %broadcast_in_dim3A_814 : vector<16xf32>
        %mul3A_1069 = arith.mulf %get3A_1028, %broadcast_in_dim3A_817 : vector<16xf32>
        %add3A_1070 = arith.addf %mul3A_1068, %mul3A_1069 : vector<16xf32>
        %mul3A_1071 = arith.mulf %get3A_1031, %broadcast_in_dim3A_820 : vector<16xf32>
        %add3A_1072 = arith.addf %add3A_1070, %mul3A_1071 : vector<16xf32>
        %add3A_1073 = arith.addf %get3A_1034, %add3A_1072 : vector<16xf32>
        %min3A_1074 = arith.minimumf %while3A_1018, %add3A_1073 : vector<16xf32>
        %max3A_1075 = arith.maximumf %while3A_1018, %add3A_1073 : vector<16xf32>
        %min3A_1076 = arith.minimumf %while3A_1019, %max3A_1075 : vector<16xf32>
        %max3A_1077 = arith.maximumf %while3A_1019, %max3A_1075 : vector<16xf32>
        %min3A_1078 = arith.minimumf %while3A_1020, %max3A_1077 : vector<16xf32>
        scf.yield %min3A_1041, %min3A_1043, %min3A_1045, %min3A_1052, %min3A_1054, %min3A_1056, %min3A_1063, %min3A_1065, %min3A_1067, %min3A_1074, %min3A_1076, %min3A_1078 : vector<16xf32>, vector<16xf32>, vector<16xf32>, vector<16xf32>, vector<16xf32>, vector<16xf32>, vector<16xf32>, vector<16xf32>, vector<16xf32>, vector<16xf32>, vector<16xf32>, vector<16xf32>
      }
      %while3A_830 = arith.constant 1 : i32
      %while3A_831:12 = scf.for %while3A_1008 = %while3A_827 to %while3A_823 step %while3A_830 iter_args(%while3A_1009 = %while3A_829#0, %while3A_1010 = %while3A_829#1, %while3A_1011 = %while3A_829#2, %while3A_1012 = %while3A_829#3, %while3A_1013 = %while3A_829#4, %while3A_1014 = %while3A_829#5, %while3A_1015 = %while3A_829#6, %while3A_1016 = %while3A_829#7, %while3A_1017 = %while3A_829#8, %while3A_1018 = %while3A_829#9, %while3A_1019 = %while3A_829#10, %while3A_1020 = %while3A_829#11) -> (vector<16xf32>, vector<16xf32>, vector<16xf32>, vector<16xf32>, vector<16xf32>, vector<16xf32>, vector<16xf32>, vector<16xf32>, vector<16xf32>, vector<16xf32>, vector<16xf32>, vector<16xf32>)  : i32 {
        %mul3A_1021 = arith.constant 16 : i32
        %mul3A_1022 = arith.muli %while3A_1008, %mul3A_1021 : i32
        %get3A_1023 = arith.index_cast %mul3A_1022 : i32 to index
        %get3A_1024 = tpu.vector_load %arg7[%get3A_1023] {strides = array<i32>} : memref<2048xf32, #tpu.memory_space<vmem>>, vector<16xf32>,
        %get3A_1025 = vector.shape_cast %get3A_1024 : vector<16xf32> to vector<16xf32>
        %get3A_1026 = arith.index_cast %mul3A_1022 : i32 to index
        %get3A_1027 = tpu.vector_load %arg8[%get3A_1026] {strides = array<i32>} : memref<2048xf32, #tpu.memory_space<vmem>>, vector<16xf32>,
        %get3A_1028 = vector.shape_cast %get3A_1027 : vector<16xf32> to vector<16xf32>
        %get3A_1029 = arith.index_cast %mul3A_1022 : i32 to index
        %get3A_1030 = tpu.vector_load %arg9[%get3A_1029] {strides = array<i32>} : memref<2048xf32, #tpu.memory_space<vmem>>, vector<16xf32>,
        %get3A_1031 = vector.shape_cast %get3A_1030 : vector<16xf32> to vector<16xf32>
        %get3A_1032 = arith.index_cast %mul3A_1022 : i32 to index
        %get3A_1033 = tpu.vector_load %arg10[%get3A_1032] {strides = array<i32>} : memref<2048xf32, #tpu.memory_space<vmem>>, vector<16xf32>,
        %get3A_1034 = vector.shape_cast %get3A_1033 : vector<16xf32> to vector<16xf32>
        %mul3A_1035 = arith.mulf %get3A_1025, %broadcast_in_dim3A_787 : vector<16xf32>
        %mul3A_1036 = arith.mulf %get3A_1028, %broadcast_in_dim3A_790 : vector<16xf32>
        %add3A_1037 = arith.addf %mul3A_1035, %mul3A_1036 : vector<16xf32>
        %mul3A_1038 = arith.mulf %get3A_1031, %broadcast_in_dim3A_793 : vector<16xf32>
        %add3A_1039 = arith.addf %add3A_1037, %mul3A_1038 : vector<16xf32>
        %add3A_1040 = arith.addf %get3A_1034, %add3A_1039 : vector<16xf32>
        %min3A_1041 = arith.minimumf %while3A_1009, %add3A_1040 : vector<16xf32>
        %max3A_1042 = arith.maximumf %while3A_1009, %add3A_1040 : vector<16xf32>
        %min3A_1043 = arith.minimumf %while3A_1010, %max3A_1042 : vector<16xf32>
        %max3A_1044 = arith.maximumf %while3A_1010, %max3A_1042 : vector<16xf32>
        %min3A_1045 = arith.minimumf %while3A_1011, %max3A_1044 : vector<16xf32>
        %mul3A_1046 = arith.mulf %get3A_1025, %broadcast_in_dim3A_796 : vector<16xf32>
        %mul3A_1047 = arith.mulf %get3A_1028, %broadcast_in_dim3A_799 : vector<16xf32>
        %add3A_1048 = arith.addf %mul3A_1046, %mul3A_1047 : vector<16xf32>
        %mul3A_1049 = arith.mulf %get3A_1031, %broadcast_in_dim3A_802 : vector<16xf32>
        %add3A_1050 = arith.addf %add3A_1048, %mul3A_1049 : vector<16xf32>
        %add3A_1051 = arith.addf %get3A_1034, %add3A_1050 : vector<16xf32>
        %min3A_1052 = arith.minimumf %while3A_1012, %add3A_1051 : vector<16xf32>
        %max3A_1053 = arith.maximumf %while3A_1012, %add3A_1051 : vector<16xf32>
        %min3A_1054 = arith.minimumf %while3A_1013, %max3A_1053 : vector<16xf32>
        %max3A_1055 = arith.maximumf %while3A_1013, %max3A_1053 : vector<16xf32>
        %min3A_1056 = arith.minimumf %while3A_1014, %max3A_1055 : vector<16xf32>
        %mul3A_1057 = arith.mulf %get3A_1025, %broadcast_in_dim3A_805 : vector<16xf32>
        %mul3A_1058 = arith.mulf %get3A_1028, %broadcast_in_dim3A_808 : vector<16xf32>
        %add3A_1059 = arith.addf %mul3A_1057, %mul3A_1058 : vector<16xf32>
        %mul3A_1060 = arith.mulf %get3A_1031, %broadcast_in_dim3A_811 : vector<16xf32>
        %add3A_1061 = arith.addf %add3A_1059, %mul3A_1060 : vector<16xf32>
        %add3A_1062 = arith.addf %get3A_1034, %add3A_1061 : vector<16xf32>
        %min3A_1063 = arith.minimumf %while3A_1015, %add3A_1062 : vector<16xf32>
        %max3A_1064 = arith.maximumf %while3A_1015, %add3A_1062 : vector<16xf32>
        %min3A_1065 = arith.minimumf %while3A_1016, %max3A_1064 : vector<16xf32>
        %max3A_1066 = arith.maximumf %while3A_1016, %max3A_1064 : vector<16xf32>
        %min3A_1067 = arith.minimumf %while3A_1017, %max3A_1066 : vector<16xf32>
        %mul3A_1068 = arith.mulf %get3A_1025, %broadcast_in_dim3A_814 : vector<16xf32>
        %mul3A_1069 = arith.mulf %get3A_1028, %broadcast_in_dim3A_817 : vector<16xf32>
        %add3A_1070 = arith.addf %mul3A_1068, %mul3A_1069 : vector<16xf32>
        %mul3A_1071 = arith.mulf %get3A_1031, %broadcast_in_dim3A_820 : vector<16xf32>
        %add3A_1072 = arith.addf %add3A_1070, %mul3A_1071 : vector<16xf32>
        %add3A_1073 = arith.addf %get3A_1034, %add3A_1072 : vector<16xf32>
        %min3A_1074 = arith.minimumf %while3A_1018, %add3A_1073 : vector<16xf32>
        %max3A_1075 = arith.maximumf %while3A_1018, %add3A_1073 : vector<16xf32>
        %min3A_1076 = arith.minimumf %while3A_1019, %max3A_1075 : vector<16xf32>
        %max3A_1077 = arith.maximumf %while3A_1019, %max3A_1075 : vector<16xf32>
        %min3A_1078 = arith.minimumf %while3A_1020, %max3A_1077 : vector<16xf32>
        scf.yield %min3A_1041, %min3A_1043, %min3A_1045, %min3A_1052, %min3A_1054, %min3A_1056, %min3A_1063, %min3A_1065, %min3A_1067, %min3A_1074, %min3A_1076, %min3A_1078 : vector<16xf32>, vector<16xf32>, vector<16xf32>, vector<16xf32>, vector<16xf32>, vector<16xf32>, vector<16xf32>, vector<16xf32>, vector<16xf32>, vector<16xf32>, vector<16xf32>, vector<16xf32>
      }
      %mul3A_832 = arith.constant 16 : i32
      %mul3A_833 = arith.muli %add3A_22, %mul3A_832 : i32
      %get3A_834 = arith.index_cast %mul3A_833 : i32 to index
      %get3A_835 = tpu.vector_load %arg7[%get3A_834] {strides = array<i32>} : memref<2048xf32, #tpu.memory_space<vmem>>, vector<16xf32>,
      %get3A_836 = vector.shape_cast %get3A_835 : vector<16xf32> to vector<16xf32>
      %get3A_837 = arith.index_cast %mul3A_833 : i32 to index
      %get3A_838 = tpu.vector_load %arg8[%get3A_837] {strides = array<i32>} : memref<2048xf32, #tpu.memory_space<vmem>>, vector<16xf32>,
      %get3A_839 = vector.shape_cast %get3A_838 : vector<16xf32> to vector<16xf32>
      %get3A_840 = arith.index_cast %mul3A_833 : i32 to index
      %get3A_841 = tpu.vector_load %arg9[%get3A_840] {strides = array<i32>} : memref<2048xf32, #tpu.memory_space<vmem>>, vector<16xf32>,
      %get3A_842 = vector.shape_cast %get3A_841 : vector<16xf32> to vector<16xf32>
      %get3A_843 = arith.index_cast %mul3A_833 : i32 to index
      %get3A_844 = tpu.vector_load %arg10[%get3A_843] {strides = array<i32>} : memref<2048xf32, #tpu.memory_space<vmem>>, vector<16xf32>,
      %get3A_845 = vector.shape_cast %get3A_844 : vector<16xf32> to vector<16xf32>
      %mul3A_846 = arith.mulf %get3A_836, %broadcast_in_dim3A_787 : vector<16xf32>
      %mul3A_847 = arith.mulf %get3A_839, %broadcast_in_dim3A_790 : vector<16xf32>
      %add3A_848 = arith.addf %mul3A_846, %mul3A_847 : vector<16xf32>
      %mul3A_849 = arith.mulf %get3A_842, %broadcast_in_dim3A_793 : vector<16xf32>
      %add3A_850 = arith.addf %add3A_848, %mul3A_849 : vector<16xf32>
      %add3A_851 = arith.addf %get3A_845, %add3A_850 : vector<16xf32>
      %eq3A_852 = arith.constant 12 : i32
      %eq3A_853 = vector.broadcast %eq3A_852 : i32 to vector<16xi32>
      %eq3A_854 = arith.cmpi eq, %iota3A, %eq3A_853 : vector<16xi32>
      %select_n3A_855 = arith.select %eq3A_854, %broadcast_in_dim3A_0, %add3A_851 : vector<16xi1>, vector<16xf32>
      %min3A_856 = arith.minimumf %while3A_831#0, %select_n3A_855 : vector<16xf32>
      %max3A_857 = arith.maximumf %while3A_831#0, %select_n3A_855 : vector<16xf32>
      %min3A_858 = arith.minimumf %while3A_831#1, %max3A_857 : vector<16xf32>
      %max3A_859 = arith.maximumf %while3A_831#1, %max3A_857 : vector<16xf32>
      %min3A_860 = arith.minimumf %while3A_831#2, %max3A_859 : vector<16xf32>
      %mul3A_861 = arith.mulf %get3A_836, %broadcast_in_dim3A_796 : vector<16xf32>
      %mul3A_862 = arith.mulf %get3A_839, %broadcast_in_dim3A_799 : vector<16xf32>
      %add3A_863 = arith.addf %mul3A_861, %mul3A_862 : vector<16xf32>
      %mul3A_864 = arith.mulf %get3A_842, %broadcast_in_dim3A_802 : vector<16xf32>
      %add3A_865 = arith.addf %add3A_863, %mul3A_864 : vector<16xf32>
      %add3A_866 = arith.addf %get3A_845, %add3A_865 : vector<16xf32>
      %eq3A_867 = arith.constant 13 : i32
      %eq3A_868 = vector.broadcast %eq3A_867 : i32 to vector<16xi32>
      %eq3A_869 = arith.cmpi eq, %iota3A, %eq3A_868 : vector<16xi32>
      %select_n3A_870 = arith.select %eq3A_869, %broadcast_in_dim3A_0, %add3A_866 : vector<16xi1>, vector<16xf32>
      %min3A_871 = arith.minimumf %while3A_831#3, %select_n3A_870 : vector<16xf32>
      %max3A_872 = arith.maximumf %while3A_831#3, %select_n3A_870 : vector<16xf32>
      %min3A_873 = arith.minimumf %while3A_831#4, %max3A_872 : vector<16xf32>
      %max3A_874 = arith.maximumf %while3A_831#4, %max3A_872 : vector<16xf32>
      %min3A_875 = arith.minimumf %while3A_831#5, %max3A_874 : vector<16xf32>
      %mul3A_876 = arith.mulf %get3A_836, %broadcast_in_dim3A_805 : vector<16xf32>
      %mul3A_877 = arith.mulf %get3A_839, %broadcast_in_dim3A_808 : vector<16xf32>
      %add3A_878 = arith.addf %mul3A_876, %mul3A_877 : vector<16xf32>
      %mul3A_879 = arith.mulf %get3A_842, %broadcast_in_dim3A_811 : vector<16xf32>
      %add3A_880 = arith.addf %add3A_878, %mul3A_879 : vector<16xf32>
      %add3A_881 = arith.addf %get3A_845, %add3A_880 : vector<16xf32>
      %eq3A_882 = arith.constant 14 : i32
      %eq3A_883 = vector.broadcast %eq3A_882 : i32 to vector<16xi32>
      %eq3A_884 = arith.cmpi eq, %iota3A, %eq3A_883 : vector<16xi32>
      %select_n3A_885 = arith.select %eq3A_884, %broadcast_in_dim3A_0, %add3A_881 : vector<16xi1>, vector<16xf32>
      %min3A_886 = arith.minimumf %while3A_831#6, %select_n3A_885 : vector<16xf32>
      %max3A_887 = arith.maximumf %while3A_831#6, %select_n3A_885 : vector<16xf32>
      %min3A_888 = arith.minimumf %while3A_831#7, %max3A_887 : vector<16xf32>
      %max3A_889 = arith.maximumf %while3A_831#7, %max3A_887 : vector<16xf32>
      %min3A_890 = arith.minimumf %while3A_831#8, %max3A_889 : vector<16xf32>
      %mul3A_891 = arith.mulf %get3A_836, %broadcast_in_dim3A_814 : vector<16xf32>
      %mul3A_892 = arith.mulf %get3A_839, %broadcast_in_dim3A_817 : vector<16xf32>
      %add3A_893 = arith.addf %mul3A_891, %mul3A_892 : vector<16xf32>
      %mul3A_894 = arith.mulf %get3A_842, %broadcast_in_dim3A_820 : vector<16xf32>
      %add3A_895 = arith.addf %add3A_893, %mul3A_894 : vector<16xf32>
      %add3A_896 = arith.addf %get3A_845, %add3A_895 : vector<16xf32>
      %eq3A_897 = arith.constant 15 : i32
      %eq3A_898 = vector.broadcast %eq3A_897 : i32 to vector<16xi32>
      %eq3A_899 = arith.cmpi eq, %iota3A, %eq3A_898 : vector<16xi32>
      %select_n3A_900 = arith.select %eq3A_899, %broadcast_in_dim3A_0, %add3A_896 : vector<16xi1>, vector<16xf32>
      %min3A_901 = arith.minimumf %while3A_831#9, %select_n3A_900 : vector<16xf32>
      %max3A_902 = arith.maximumf %while3A_831#9, %select_n3A_900 : vector<16xf32>
      %min3A_903 = arith.minimumf %while3A_831#10, %max3A_902 : vector<16xf32>
      %max3A_904 = arith.maximumf %while3A_831#10, %max3A_902 : vector<16xf32>
      %min3A_905 = arith.minimumf %while3A_831#11, %max3A_904 : vector<16xf32>
      %add3A_906 = arith.constant 1 : i32
      %add3A_907 = arith.addi %add3A_22, %add3A_906 : i32
      %while3A_908 = arith.constant 128 : i32
      %while3A_909 = arith.subi %while3A_908, %add3A_907 : i32
      %while3A_910 = arith.addi %add3A_907, %while3A_909 : i32
      %while3A_911 = arith.constant 1 : i32
      %while3A_912 = arith.divsi %while3A_909, %while3A_911 : i32
      %while3A_913 = arith.muli %while3A_912, %while3A_911 : i32
      %while3A_914 = arith.addi %add3A_907, %while3A_913 : i32
      %while3A_915 = arith.constant 1 : i32
      %while3A_916:12 = scf.for %while3A_1008 = %add3A_907 to %while3A_914 step %while3A_915 iter_args(%while3A_1009 = %min3A_856, %while3A_1010 = %min3A_858, %while3A_1011 = %min3A_860, %while3A_1012 = %min3A_871, %while3A_1013 = %min3A_873, %while3A_1014 = %min3A_875, %while3A_1015 = %min3A_886, %while3A_1016 = %min3A_888, %while3A_1017 = %min3A_890, %while3A_1018 = %min3A_901, %while3A_1019 = %min3A_903, %while3A_1020 = %min3A_905) -> (vector<16xf32>, vector<16xf32>, vector<16xf32>, vector<16xf32>, vector<16xf32>, vector<16xf32>, vector<16xf32>, vector<16xf32>, vector<16xf32>, vector<16xf32>, vector<16xf32>, vector<16xf32>)  : i32 {
        %mul3A_1021 = arith.constant 16 : i32
        %mul3A_1022 = arith.muli %while3A_1008, %mul3A_1021 : i32
        %get3A_1023 = arith.index_cast %mul3A_1022 : i32 to index
        %get3A_1024 = tpu.vector_load %arg7[%get3A_1023] {strides = array<i32>} : memref<2048xf32, #tpu.memory_space<vmem>>, vector<16xf32>,
        %get3A_1025 = vector.shape_cast %get3A_1024 : vector<16xf32> to vector<16xf32>
        %get3A_1026 = arith.index_cast %mul3A_1022 : i32 to index
        %get3A_1027 = tpu.vector_load %arg8[%get3A_1026] {strides = array<i32>} : memref<2048xf32, #tpu.memory_space<vmem>>, vector<16xf32>,
        %get3A_1028 = vector.shape_cast %get3A_1027 : vector<16xf32> to vector<16xf32>
        %get3A_1029 = arith.index_cast %mul3A_1022 : i32 to index
        %get3A_1030 = tpu.vector_load %arg9[%get3A_1029] {strides = array<i32>} : memref<2048xf32, #tpu.memory_space<vmem>>, vector<16xf32>,
        %get3A_1031 = vector.shape_cast %get3A_1030 : vector<16xf32> to vector<16xf32>
        %get3A_1032 = arith.index_cast %mul3A_1022 : i32 to index
        %get3A_1033 = tpu.vector_load %arg10[%get3A_1032] {strides = array<i32>} : memref<2048xf32, #tpu.memory_space<vmem>>, vector<16xf32>,
        %get3A_1034 = vector.shape_cast %get3A_1033 : vector<16xf32> to vector<16xf32>
        %mul3A_1035 = arith.mulf %get3A_1025, %broadcast_in_dim3A_787 : vector<16xf32>
        %mul3A_1036 = arith.mulf %get3A_1028, %broadcast_in_dim3A_790 : vector<16xf32>
        %add3A_1037 = arith.addf %mul3A_1035, %mul3A_1036 : vector<16xf32>
        %mul3A_1038 = arith.mulf %get3A_1031, %broadcast_in_dim3A_793 : vector<16xf32>
        %add3A_1039 = arith.addf %add3A_1037, %mul3A_1038 : vector<16xf32>
        %add3A_1040 = arith.addf %get3A_1034, %add3A_1039 : vector<16xf32>
        %min3A_1041 = arith.minimumf %while3A_1009, %add3A_1040 : vector<16xf32>
        %max3A_1042 = arith.maximumf %while3A_1009, %add3A_1040 : vector<16xf32>
        %min3A_1043 = arith.minimumf %while3A_1010, %max3A_1042 : vector<16xf32>
        %max3A_1044 = arith.maximumf %while3A_1010, %max3A_1042 : vector<16xf32>
        %min3A_1045 = arith.minimumf %while3A_1011, %max3A_1044 : vector<16xf32>
        %mul3A_1046 = arith.mulf %get3A_1025, %broadcast_in_dim3A_796 : vector<16xf32>
        %mul3A_1047 = arith.mulf %get3A_1028, %broadcast_in_dim3A_799 : vector<16xf32>
        %add3A_1048 = arith.addf %mul3A_1046, %mul3A_1047 : vector<16xf32>
        %mul3A_1049 = arith.mulf %get3A_1031, %broadcast_in_dim3A_802 : vector<16xf32>
        %add3A_1050 = arith.addf %add3A_1048, %mul3A_1049 : vector<16xf32>
        %add3A_1051 = arith.addf %get3A_1034, %add3A_1050 : vector<16xf32>
        %min3A_1052 = arith.minimumf %while3A_1012, %add3A_1051 : vector<16xf32>
        %max3A_1053 = arith.maximumf %while3A_1012, %add3A_1051 : vector<16xf32>
        %min3A_1054 = arith.minimumf %while3A_1013, %max3A_1053 : vector<16xf32>
        %max3A_1055 = arith.maximumf %while3A_1013, %max3A_1053 : vector<16xf32>
        %min3A_1056 = arith.minimumf %while3A_1014, %max3A_1055 : vector<16xf32>
        %mul3A_1057 = arith.mulf %get3A_1025, %broadcast_in_dim3A_805 : vector<16xf32>
        %mul3A_1058 = arith.mulf %get3A_1028, %broadcast_in_dim3A_808 : vector<16xf32>
        %add3A_1059 = arith.addf %mul3A_1057, %mul3A_1058 : vector<16xf32>
        %mul3A_1060 = arith.mulf %get3A_1031, %broadcast_in_dim3A_811 : vector<16xf32>
        %add3A_1061 = arith.addf %add3A_1059, %mul3A_1060 : vector<16xf32>
        %add3A_1062 = arith.addf %get3A_1034, %add3A_1061 : vector<16xf32>
        %min3A_1063 = arith.minimumf %while3A_1015, %add3A_1062 : vector<16xf32>
        %max3A_1064 = arith.maximumf %while3A_1015, %add3A_1062 : vector<16xf32>
        %min3A_1065 = arith.minimumf %while3A_1016, %max3A_1064 : vector<16xf32>
        %max3A_1066 = arith.maximumf %while3A_1016, %max3A_1064 : vector<16xf32>
        %min3A_1067 = arith.minimumf %while3A_1017, %max3A_1066 : vector<16xf32>
        %mul3A_1068 = arith.mulf %get3A_1025, %broadcast_in_dim3A_814 : vector<16xf32>
        %mul3A_1069 = arith.mulf %get3A_1028, %broadcast_in_dim3A_817 : vector<16xf32>
        %add3A_1070 = arith.addf %mul3A_1068, %mul3A_1069 : vector<16xf32>
        %mul3A_1071 = arith.mulf %get3A_1031, %broadcast_in_dim3A_820 : vector<16xf32>
        %add3A_1072 = arith.addf %add3A_1070, %mul3A_1071 : vector<16xf32>
        %add3A_1073 = arith.addf %get3A_1034, %add3A_1072 : vector<16xf32>
        %min3A_1074 = arith.minimumf %while3A_1018, %add3A_1073 : vector<16xf32>
        %max3A_1075 = arith.maximumf %while3A_1018, %add3A_1073 : vector<16xf32>
        %min3A_1076 = arith.minimumf %while3A_1019, %max3A_1075 : vector<16xf32>
        %max3A_1077 = arith.maximumf %while3A_1019, %max3A_1075 : vector<16xf32>
        %min3A_1078 = arith.minimumf %while3A_1020, %max3A_1077 : vector<16xf32>
        scf.yield %min3A_1041, %min3A_1043, %min3A_1045, %min3A_1052, %min3A_1054, %min3A_1056, %min3A_1063, %min3A_1065, %min3A_1067, %min3A_1074, %min3A_1076, %min3A_1078 : vector<16xf32>, vector<16xf32>, vector<16xf32>, vector<16xf32>, vector<16xf32>, vector<16xf32>, vector<16xf32>, vector<16xf32>, vector<16xf32>, vector<16xf32>, vector<16xf32>, vector<16xf32>
      }
      %while3A_917 = arith.constant 1 : i32
      %while3A_918:12 = scf.for %while3A_1008 = %while3A_914 to %while3A_910 step %while3A_917 iter_args(%while3A_1009 = %while3A_916#0, %while3A_1010 = %while3A_916#1, %while3A_1011 = %while3A_916#2, %while3A_1012 = %while3A_916#3, %while3A_1013 = %while3A_916#4, %while3A_1014 = %while3A_916#5, %while3A_1015 = %while3A_916#6, %while3A_1016 = %while3A_916#7, %while3A_1017 = %while3A_916#8, %while3A_1018 = %while3A_916#9, %while3A_1019 = %while3A_916#10, %while3A_1020 = %while3A_916#11) -> (vector<16xf32>, vector<16xf32>, vector<16xf32>, vector<16xf32>, vector<16xf32>, vector<16xf32>, vector<16xf32>, vector<16xf32>, vector<16xf32>, vector<16xf32>, vector<16xf32>, vector<16xf32>)  : i32 {
        %mul3A_1021 = arith.constant 16 : i32
        %mul3A_1022 = arith.muli %while3A_1008, %mul3A_1021 : i32
        %get3A_1023 = arith.index_cast %mul3A_1022 : i32 to index
        %get3A_1024 = tpu.vector_load %arg7[%get3A_1023] {strides = array<i32>} : memref<2048xf32, #tpu.memory_space<vmem>>, vector<16xf32>,
        %get3A_1025 = vector.shape_cast %get3A_1024 : vector<16xf32> to vector<16xf32>
        %get3A_1026 = arith.index_cast %mul3A_1022 : i32 to index
        %get3A_1027 = tpu.vector_load %arg8[%get3A_1026] {strides = array<i32>} : memref<2048xf32, #tpu.memory_space<vmem>>, vector<16xf32>,
        %get3A_1028 = vector.shape_cast %get3A_1027 : vector<16xf32> to vector<16xf32>
        %get3A_1029 = arith.index_cast %mul3A_1022 : i32 to index
        %get3A_1030 = tpu.vector_load %arg9[%get3A_1029] {strides = array<i32>} : memref<2048xf32, #tpu.memory_space<vmem>>, vector<16xf32>,
        %get3A_1031 = vector.shape_cast %get3A_1030 : vector<16xf32> to vector<16xf32>
        %get3A_1032 = arith.index_cast %mul3A_1022 : i32 to index
        %get3A_1033 = tpu.vector_load %arg10[%get3A_1032] {strides = array<i32>} : memref<2048xf32, #tpu.memory_space<vmem>>, vector<16xf32>,
        %get3A_1034 = vector.shape_cast %get3A_1033 : vector<16xf32> to vector<16xf32>
        %mul3A_1035 = arith.mulf %get3A_1025, %broadcast_in_dim3A_787 : vector<16xf32>
        %mul3A_1036 = arith.mulf %get3A_1028, %broadcast_in_dim3A_790 : vector<16xf32>
        %add3A_1037 = arith.addf %mul3A_1035, %mul3A_1036 : vector<16xf32>
        %mul3A_1038 = arith.mulf %get3A_1031, %broadcast_in_dim3A_793 : vector<16xf32>
        %add3A_1039 = arith.addf %add3A_1037, %mul3A_1038 : vector<16xf32>
        %add3A_1040 = arith.addf %get3A_1034, %add3A_1039 : vector<16xf32>
        %min3A_1041 = arith.minimumf %while3A_1009, %add3A_1040 : vector<16xf32>
        %max3A_1042 = arith.maximumf %while3A_1009, %add3A_1040 : vector<16xf32>
        %min3A_1043 = arith.minimumf %while3A_1010, %max3A_1042 : vector<16xf32>
        %max3A_1044 = arith.maximumf %while3A_1010, %max3A_1042 : vector<16xf32>
        %min3A_1045 = arith.minimumf %while3A_1011, %max3A_1044 : vector<16xf32>
        %mul3A_1046 = arith.mulf %get3A_1025, %broadcast_in_dim3A_796 : vector<16xf32>
        %mul3A_1047 = arith.mulf %get3A_1028, %broadcast_in_dim3A_799 : vector<16xf32>
        %add3A_1048 = arith.addf %mul3A_1046, %mul3A_1047 : vector<16xf32>
        %mul3A_1049 = arith.mulf %get3A_1031, %broadcast_in_dim3A_802 : vector<16xf32>
        %add3A_1050 = arith.addf %add3A_1048, %mul3A_1049 : vector<16xf32>
        %add3A_1051 = arith.addf %get3A_1034, %add3A_1050 : vector<16xf32>
        %min3A_1052 = arith.minimumf %while3A_1012, %add3A_1051 : vector<16xf32>
        %max3A_1053 = arith.maximumf %while3A_1012, %add3A_1051 : vector<16xf32>
        %min3A_1054 = arith.minimumf %while3A_1013, %max3A_1053 : vector<16xf32>
        %max3A_1055 = arith.maximumf %while3A_1013, %max3A_1053 : vector<16xf32>
        %min3A_1056 = arith.minimumf %while3A_1014, %max3A_1055 : vector<16xf32>
        %mul3A_1057 = arith.mulf %get3A_1025, %broadcast_in_dim3A_805 : vector<16xf32>
        %mul3A_1058 = arith.mulf %get3A_1028, %broadcast_in_dim3A_808 : vector<16xf32>
        %add3A_1059 = arith.addf %mul3A_1057, %mul3A_1058 : vector<16xf32>
        %mul3A_1060 = arith.mulf %get3A_1031, %broadcast_in_dim3A_811 : vector<16xf32>
        %add3A_1061 = arith.addf %add3A_1059, %mul3A_1060 : vector<16xf32>
        %add3A_1062 = arith.addf %get3A_1034, %add3A_1061 : vector<16xf32>
        %min3A_1063 = arith.minimumf %while3A_1015, %add3A_1062 : vector<16xf32>
        %max3A_1064 = arith.maximumf %while3A_1015, %add3A_1062 : vector<16xf32>
        %min3A_1065 = arith.minimumf %while3A_1016, %max3A_1064 : vector<16xf32>
        %max3A_1066 = arith.maximumf %while3A_1016, %max3A_1064 : vector<16xf32>
        %min3A_1067 = arith.minimumf %while3A_1017, %max3A_1066 : vector<16xf32>
        %mul3A_1068 = arith.mulf %get3A_1025, %broadcast_in_dim3A_814 : vector<16xf32>
        %mul3A_1069 = arith.mulf %get3A_1028, %broadcast_in_dim3A_817 : vector<16xf32>
        %add3A_1070 = arith.addf %mul3A_1068, %mul3A_1069 : vector<16xf32>
        %mul3A_1071 = arith.mulf %get3A_1031, %broadcast_in_dim3A_820 : vector<16xf32>
        %add3A_1072 = arith.addf %add3A_1070, %mul3A_1071 : vector<16xf32>
        %add3A_1073 = arith.addf %get3A_1034, %add3A_1072 : vector<16xf32>
        %min3A_1074 = arith.minimumf %while3A_1018, %add3A_1073 : vector<16xf32>
        %max3A_1075 = arith.maximumf %while3A_1018, %add3A_1073 : vector<16xf32>
        %min3A_1076 = arith.minimumf %while3A_1019, %max3A_1075 : vector<16xf32>
        %max3A_1077 = arith.maximumf %while3A_1019, %max3A_1075 : vector<16xf32>
        %min3A_1078 = arith.minimumf %while3A_1020, %max3A_1077 : vector<16xf32>
        scf.yield %min3A_1041, %min3A_1043, %min3A_1045, %min3A_1052, %min3A_1054, %min3A_1056, %min3A_1063, %min3A_1065, %min3A_1067, %min3A_1074, %min3A_1076, %min3A_1078 : vector<16xf32>, vector<16xf32>, vector<16xf32>, vector<16xf32>, vector<16xf32>, vector<16xf32>, vector<16xf32>, vector<16xf32>, vector<16xf32>, vector<16xf32>, vector<16xf32>, vector<16xf32>
      }
      %add3A_919 = arith.constant 0 : i32
      %add3A_920 = arith.addi %add3A_760, %add3A_919 : i32
      %mul3A_921 = arith.constant 48 : i32
      %mul3A_922 = arith.muli %add3A_920, %mul3A_921 : i32
      %add3A_923 = arith.constant 0 : i32
      %add3A_924 = arith.addi %mul3A_922, %add3A_923 : i32
      %swap3A_925 = arith.index_cast %add3A_924 : i32 to index
      %swap3A_926 = tpu.vector_load %arg11[%swap3A_925] {strides = array<i32>} : memref<49152xf32, #tpu.memory_space<vmem>>, vector<16xf32>,
      %swap3A_927 = vector.shape_cast %swap3A_926 : vector<16xf32> to vector<16xf32>
      %swap3A_928 = vector.shape_cast %while3A_918#0 : vector<16xf32> to vector<16xf32>
      tpu.vector_store %arg11[%swap3A_925], %swap3A_928 {strides = array<i32>} : memref<49152xf32, #tpu.memory_space<vmem>>, vector<16xf32>,
      %add3A_929 = arith.constant 16 : i32
      %add3A_930 = arith.addi %mul3A_922, %add3A_929 : i32
      %swap3A_931 = arith.index_cast %add3A_930 : i32 to index
      %swap3A_932 = tpu.vector_load %arg11[%swap3A_931] {strides = array<i32>} : memref<49152xf32, #tpu.memory_space<vmem>>, vector<16xf32>,
      %swap3A_933 = vector.shape_cast %swap3A_932 : vector<16xf32> to vector<16xf32>
      %swap3A_934 = vector.shape_cast %while3A_918#1 : vector<16xf32> to vector<16xf32>
      tpu.vector_store %arg11[%swap3A_931], %swap3A_934 {strides = array<i32>} : memref<49152xf32, #tpu.memory_space<vmem>>, vector<16xf32>,
      %add3A_935 = arith.constant 32 : i32
      %add3A_936 = arith.addi %mul3A_922, %add3A_935 : i32
      %swap3A_937 = arith.index_cast %add3A_936 : i32 to index
      %swap3A_938 = tpu.vector_load %arg11[%swap3A_937] {strides = array<i32>} : memref<49152xf32, #tpu.memory_space<vmem>>, vector<16xf32>,
      %swap3A_939 = vector.shape_cast %swap3A_938 : vector<16xf32> to vector<16xf32>
      %swap3A_940 = vector.shape_cast %while3A_918#2 : vector<16xf32> to vector<16xf32>
      tpu.vector_store %arg11[%swap3A_937], %swap3A_940 {strides = array<i32>} : memref<49152xf32, #tpu.memory_space<vmem>>, vector<16xf32>,
      %add3A_941 = arith.constant 1 : i32
      %add3A_942 = arith.addi %add3A_760, %add3A_941 : i32
      %mul3A_943 = arith.constant 48 : i32
      %mul3A_944 = arith.muli %add3A_942, %mul3A_943 : i32
      %add3A_945 = arith.constant 0 : i32
      %add3A_946 = arith.addi %mul3A_944, %add3A_945 : i32
      %swap3A_947 = arith.index_cast %add3A_946 : i32 to index
      %swap3A_948 = tpu.vector_load %arg11[%swap3A_947] {strides = array<i32>} : memref<49152xf32, #tpu.memory_space<vmem>>, vector<16xf32>,
      %swap3A_949 = vector.shape_cast %swap3A_948 : vector<16xf32> to vector<16xf32>
      %swap3A_950 = vector.shape_cast %while3A_918#3 : vector<16xf32> to vector<16xf32>
      tpu.vector_store %arg11[%swap3A_947], %swap3A_950 {strides = array<i32>} : memref<49152xf32, #tpu.memory_space<vmem>>, vector<16xf32>,
      %add3A_951 = arith.constant 16 : i32
      %add3A_952 = arith.addi %mul3A_944, %add3A_951 : i32
      %swap3A_953 = arith.index_cast %add3A_952 : i32 to index
      %swap3A_954 = tpu.vector_load %arg11[%swap3A_953] {strides = array<i32>} : memref<49152xf32, #tpu.memory_space<vmem>>, vector<16xf32>,
      %swap3A_955 = vector.shape_cast %swap3A_954 : vector<16xf32> to vector<16xf32>
      %swap3A_956 = vector.shape_cast %while3A_918#4 : vector<16xf32> to vector<16xf32>
      tpu.vector_store %arg11[%swap3A_953], %swap3A_956 {strides = array<i32>} : memref<49152xf32, #tpu.memory_space<vmem>>, vector<16xf32>,
      %add3A_957 = arith.constant 32 : i32
      %add3A_958 = arith.addi %mul3A_944, %add3A_957 : i32
      %swap3A_959 = arith.index_cast %add3A_958 : i32 to index
      %swap3A_960 = tpu.vector_load %arg11[%swap3A_959] {strides = array<i32>} : memref<49152xf32, #tpu.memory_space<vmem>>, vector<16xf32>,
      %swap3A_961 = vector.shape_cast %swap3A_960 : vector<16xf32> to vector<16xf32>
      %swap3A_962 = vector.shape_cast %while3A_918#5 : vector<16xf32> to vector<16xf32>
      tpu.vector_store %arg11[%swap3A_959], %swap3A_962 {strides = array<i32>} : memref<49152xf32, #tpu.memory_space<vmem>>, vector<16xf32>,
      %add3A_963 = arith.constant 2 : i32
      %add3A_964 = arith.addi %add3A_760, %add3A_963 : i32
      %mul3A_965 = arith.constant 48 : i32
      %mul3A_966 = arith.muli %add3A_964, %mul3A_965 : i32
      %add3A_967 = arith.constant 0 : i32
      %add3A_968 = arith.addi %mul3A_966, %add3A_967 : i32
      %swap3A_969 = arith.index_cast %add3A_968 : i32 to index
      %swap3A_970 = tpu.vector_load %arg11[%swap3A_969] {strides = array<i32>} : memref<49152xf32, #tpu.memory_space<vmem>>, vector<16xf32>,
      %swap3A_971 = vector.shape_cast %swap3A_970 : vector<16xf32> to vector<16xf32>
      %swap3A_972 = vector.shape_cast %while3A_918#6 : vector<16xf32> to vector<16xf32>
      tpu.vector_store %arg11[%swap3A_969], %swap3A_972 {strides = array<i32>} : memref<49152xf32, #tpu.memory_space<vmem>>, vector<16xf32>,
      %add3A_973 = arith.constant 16 : i32
      %add3A_974 = arith.addi %mul3A_966, %add3A_973 : i32
      %swap3A_975 = arith.index_cast %add3A_974 : i32 to index
      %swap3A_976 = tpu.vector_load %arg11[%swap3A_975] {strides = array<i32>} : memref<49152xf32, #tpu.memory_space<vmem>>, vector<16xf32>,
      %swap3A_977 = vector.shape_cast %swap3A_976 : vector<16xf32> to vector<16xf32>
      %swap3A_978 = vector.shape_cast %while3A_918#7 : vector<16xf32> to vector<16xf32>
      tpu.vector_store %arg11[%swap3A_975], %swap3A_978 {strides = array<i32>} : memref<49152xf32, #tpu.memory_space<vmem>>, vector<16xf32>,
      %add3A_979 = arith.constant 32 : i32
      %add3A_980 = arith.addi %mul3A_966, %add3A_979 : i32
      %swap3A_981 = arith.index_cast %add3A_980 : i32 to index
      %swap3A_982 = tpu.vector_load %arg11[%swap3A_981] {strides = array<i32>} : memref<49152xf32, #tpu.memory_space<vmem>>, vector<16xf32>,
      %swap3A_983 = vector.shape_cast %swap3A_982 : vector<16xf32> to vector<16xf32>
      %swap3A_984 = vector.shape_cast %while3A_918#8 : vector<16xf32> to vector<16xf32>
      tpu.vector_store %arg11[%swap3A_981], %swap3A_984 {strides = array<i32>} : memref<49152xf32, #tpu.memory_space<vmem>>, vector<16xf32>,
      %add3A_985 = arith.constant 3 : i32
      %add3A_986 = arith.addi %add3A_760, %add3A_985 : i32
      %mul3A_987 = arith.constant 48 : i32
      %mul3A_988 = arith.muli %add3A_986, %mul3A_987 : i32
      %add3A_989 = arith.constant 0 : i32
      %add3A_990 = arith.addi %mul3A_988, %add3A_989 : i32
      %swap3A_991 = arith.index_cast %add3A_990 : i32 to index
      %swap3A_992 = tpu.vector_load %arg11[%swap3A_991] {strides = array<i32>} : memref<49152xf32, #tpu.memory_space<vmem>>, vector<16xf32>,
      %swap3A_993 = vector.shape_cast %swap3A_992 : vector<16xf32> to vector<16xf32>
      %swap3A_994 = vector.shape_cast %while3A_918#9 : vector<16xf32> to vector<16xf32>
      tpu.vector_store %arg11[%swap3A_991], %swap3A_994 {strides = array<i32>} : memref<49152xf32, #tpu.memory_space<vmem>>, vector<16xf32>,
      %add3A_995 = arith.constant 16 : i32
      %add3A_996 = arith.addi %mul3A_988, %add3A_995 : i32
      %swap3A_997 = arith.index_cast %add3A_996 : i32 to index
      %swap3A_998 = tpu.vector_load %arg11[%swap3A_997] {strides = array<i32>} : memref<49152xf32, #tpu.memory_space<vmem>>, vector<16xf32>,
      %swap3A_999 = vector.shape_cast %swap3A_998 : vector<16xf32> to vector<16xf32>
      %swap3A_1000 = vector.shape_cast %while3A_918#10 : vector<16xf32> to vector<16xf32>
      tpu.vector_store %arg11[%swap3A_997], %swap3A_1000 {strides = array<i32>} : memref<49152xf32, #tpu.memory_space<vmem>>, vector<16xf32>,
      %add3A_1001 = arith.constant 32 : i32
      %add3A_1002 = arith.addi %mul3A_988, %add3A_1001 : i32
      %swap3A_1003 = arith.index_cast %add3A_1002 : i32 to index
      %swap3A_1004 = tpu.vector_load %arg11[%swap3A_1003] {strides = array<i32>} : memref<49152xf32, #tpu.memory_space<vmem>>, vector<16xf32>,
      %swap3A_1005 = vector.shape_cast %swap3A_1004 : vector<16xf32> to vector<16xf32>
      %swap3A_1006 = vector.shape_cast %while3A_918#11 : vector<16xf32> to vector<16xf32>
      tpu.vector_store %arg11[%swap3A_1003], %swap3A_1006 {strides = array<i32>} : memref<49152xf32, #tpu.memory_space<vmem>>, vector<16xf32>,
      %scan3A_1007 = arith.constant 0 : i32
      scf.yield %scan3A_1007 : i32
    }
    %scan3A_7 = arith.constant 64 : i32
    "tpu.region"() ({
      %run_scoped3A = tpu.sem_alloc : memref<!tpu.dma_semaphore, #tpu.memory_space<semaphore_mem>>
      %dma_start3A = arith.constant 0 : i32
      %dma_start3A_8 = tpu.memref_slice %arg6[%arg1, %arg0, %dma_start3A] : memref<16x2x49152xf32, #tpu.memory_space<hbm>> -> memref<1x1x49152xf32, #tpu.memory_space<hbm>>
      %dma_start3A_9 = tpu.memref_squeeze %dma_start3A_8 : memref<1x1x49152xf32, #tpu.memory_space<hbm>> -> memref<49152xf32, #tpu.memory_space<hbm>>
      %dma_start3A_10 = arith.constant 0 : i32
      %dma_start3A_11 = tpu.memref_slice %arg6[%arg1, %arg0, %dma_start3A_10] : memref<16x2x49152xf32, #tpu.memory_space<hbm>> -> memref<1x1x49152xf32, #tpu.memory_space<hbm>>
      %dma_start3A_12 = tpu.memref_squeeze %dma_start3A_11 : memref<1x1x49152xf32, #tpu.memory_space<hbm>> -> memref<49152xf32, #tpu.memory_space<hbm>>
      tpu.enqueue_dma source(%arg11 : memref<49152xf32, #tpu.memory_space<vmem>>) target(%dma_start3A_12 : memref<49152xf32, #tpu.memory_space<hbm>>) target_semaphore(%run_scoped3A : memref<!tpu.dma_semaphore, #tpu.memory_space<semaphore_mem>>)
      %dma_wait3A = arith.constant 0 : i32
      %dma_wait3A_13 = tpu.memref_slice %arg6[%arg1, %arg0, %dma_wait3A] : memref<16x2x49152xf32, #tpu.memory_space<hbm>> -> memref<1x1x49152xf32, #tpu.memory_space<hbm>>
      %dma_wait3A_14 = tpu.memref_squeeze %dma_wait3A_13 : memref<1x1x49152xf32, #tpu.memory_space<hbm>> -> memref<49152xf32, #tpu.memory_space<hbm>>
      %dma_wait3A_15 = arith.constant 0 : i32
      %dma_wait3A_16 = tpu.memref_slice %arg6[%arg1, %arg0, %dma_wait3A_15] : memref<16x2x49152xf32, #tpu.memory_space<hbm>> -> memref<1x1x49152xf32, #tpu.memory_space<hbm>>
      %dma_wait3A_17 = tpu.memref_squeeze %dma_wait3A_16 : memref<1x1x49152xf32, #tpu.memory_space<hbm>> -> memref<49152xf32, #tpu.memory_space<hbm>>
      tpu.wait_dma2 semaphore(%run_scoped3A : memref<!tpu.dma_semaphore, #tpu.memory_space<semaphore_mem>>) src(%arg11 : memref<49152xf32, #tpu.memory_space<vmem>>) dst(%dma_wait3A_17 : memref<49152xf32, #tpu.memory_space<hbm>>)
      tpu.yield
    }) : () -> ()
    return
  }
}

module attributes {stable_mosaic.version = 14 : i64} {
  func.func @_tc_body(%arg0: i32, %arg1: memref<1x2048x3xf32, #tpu.memory_space<vmem>>, %arg2: memref<1x2048x48xf32, #tpu.memory_space<vmem>>, %arg3: memref<3x384xf32, #tpu.memory_space<vmem>>, %arg4: memref<1x384xf32, #tpu.memory_space<vmem>>, %arg5: memref<1x384xf32, #tpu.memory_space<vmem>>, %arg6: memref<1x384xf32, #tpu.memory_space<vmem>>, %arg7: memref<1x2048x384xf32, #tpu.memory_space<vmem>>) attributes {dimension_semantics = [#tpu.dimension_semantics<arbitrary>], iteration_bounds = array<i64: 16>, scalar_prefetch = 0 : i64, scratch_operands = 0 : i64, tpu.core_type = #tpu.core_type<tc>, window_params = [{transform_indices = @transform_0, window_bounds = array<i64: 1, 2048, 3>}, {transform_indices = @transform_1, window_bounds = array<i64: 1, 2048, 48>}, {pipeline_mode = #tpu.pipeline_mode<synchronous>, transform_indices = @transform_2, window_bounds = array<i64: 3, 384>}, {pipeline_mode = #tpu.pipeline_mode<synchronous>, transform_indices = @transform_3, window_bounds = array<i64: 1, 384>}, {pipeline_mode = #tpu.pipeline_mode<synchronous>, transform_indices = @transform_4, window_bounds = array<i64: 1, 384>}, {pipeline_mode = #tpu.pipeline_mode<synchronous>, transform_indices = @transform_5, window_bounds = array<i64: 1, 384>}, {transform_indices = @transform_6, window_bounds = array<i64: 1, 2048, 384>}]} {
    %get3A = arith.constant 0 : index
    %get3A_0 = arith.constant 0 : index
    %get3A_1 = arith.constant 0 : index
    %get3A_2 = vector.load %arg1[%get3A, %get3A_0, %get3A_1] : memref<1x2048x3xf32, #tpu.memory_space<vmem>>, vector<1x2048x3xf32>
    %get3A_3 = vector.shape_cast %get3A_2 : vector<1x2048x3xf32> to vector<2048x3xf32>
    %reduce_sum3A = arith.constant dense<0.000000e+00> : vector<3xf32>
    %reduce_sum3A_4 = vector.multi_reduction <add>, %get3A_3, %reduce_sum3A [0] : vector<2048x3xf32> to vector<3xf32>
    %broadcast_in_dim3A = vector.shape_cast %reduce_sum3A_4 : vector<3xf32> to vector<1x3xf32>
    %div3A = arith.constant 2.048000e+03 : f32
    %div3A_5 = vector.broadcast %div3A : f32 to vector<1x3xf32>
    %div3A_6 = arith.divf %broadcast_in_dim3A, %div3A_5 : vector<1x3xf32>
    %sub3A = vector.broadcast %div3A_6 : vector<1x3xf32> to vector<2048x3xf32>
    %sub3A_7 = arith.subf %get3A_3, %sub3A : vector<2048x3xf32>
    %mul3A = arith.mulf %sub3A_7, %sub3A_7 : vector<2048x3xf32>
    %reduce_sum3A_8 = arith.constant dense<0.000000e+00> : vector<2048xf32>
    %reduce_sum3A_9 = vector.multi_reduction <add>, %mul3A, %reduce_sum3A_8 [1] : vector<2048x3xf32> to vector<2048xf32>
    %broadcast_in_dim3A_10 = vector.shape_cast %reduce_sum3A_9 : vector<2048xf32> to vector<2048x1xf32>
    %sqrt3A = math.sqrt %broadcast_in_dim3A_10 : vector<2048x1xf32>
    %mul3A_11 = arith.mulf %get3A_3, %get3A_3 : vector<2048x3xf32>
    %reduce_sum3A_12 = arith.constant dense<0.000000e+00> : vector<2048xf32>
    %reduce_sum3A_13 = vector.multi_reduction <add>, %mul3A_11, %reduce_sum3A_12 [1] : vector<2048x3xf32> to vector<2048xf32>
    %broadcast_in_dim3A_14 = vector.shape_cast %reduce_sum3A_13 : vector<2048xf32> to vector<2048x1xf32>
    %get3A_15 = arith.constant 0 : index
    %get3A_16 = arith.constant 0 : index
    %get3A_17 = arith.constant 0 : index
    %get3A_18 = vector.load %arg2[%get3A_15, %get3A_16, %get3A_17] : memref<1x2048x48xf32, #tpu.memory_space<vmem>>, vector<1x2048x48xf32>
    %get3A_19 = vector.shape_cast %get3A_18 : vector<1x2048x48xf32> to vector<2048x48xf32>
    %add3A = vector.broadcast %broadcast_in_dim3A_14 : vector<2048x1xf32> to vector<2048x48xf32>
    %add3A_20 = arith.addf %get3A_19, %add3A : vector<2048x48xf32>
    %max3A = arith.constant 0.000000e+00 : f32
    %max3A_21 = vector.broadcast %max3A : f32 to vector<2048x48xf32>
    %max3A_22 = arith.maximumf %add3A_20, %max3A_21 : vector<2048x48xf32>
    %iota3A = tpu.iota {dimensions = array<i32: 1>} : vector<2048x48xi32>
    %convert_element_type3A = arith.sitofp %iota3A : vector<2048x48xi32> to vector<2048x48xf32>
    %broadcast_in_dim3A_23 = arith.constant 0.000000e+00 : f32
    %broadcast_in_dim3A_24 = vector.broadcast %broadcast_in_dim3A_23 : f32 to vector<2048x1xf32>
    %reduce_min3A = arith.constant dense<0x7F800000> : vector<2048xf32>
    %reduce_min3A_25 = vector.multi_reduction <minimumf>, %max3A_22, %reduce_min3A [1] : vector<2048x48xf32> to vector<2048xf32>
    %broadcast_in_dim3A_26 = vector.shape_cast %reduce_min3A_25 : vector<2048xf32> to vector<2048x1xf32>
    %sqrt3A_27 = math.sqrt %broadcast_in_dim3A_26 : vector<2048x1xf32>
    %add3A_28 = arith.addf %broadcast_in_dim3A_24, %sqrt3A_27 : vector<2048x1xf32>
    %eq3A = vector.broadcast %broadcast_in_dim3A_26 : vector<2048x1xf32> to vector<2048x48xf32>
    %eq3A_29 = arith.cmpf oeq, %max3A_22, %eq3A : vector<2048x48xf32>
    %jit3A = arith.constant 1.000000e+09 : f32
    %broadcast_in_dim3A_30 = vector.broadcast %jit3A : f32 to vector<2048x48xf32>
    %select_n3A = arith.select %eq3A_29, %convert_element_type3A, %broadcast_in_dim3A_30 : vector<2048x48xi1>, vector<2048x48xf32>
    %reduce_min3A_31 = arith.constant dense<0x7F800000> : vector<2048xf32>
    %reduce_min3A_32 = vector.multi_reduction <minimumf>, %select_n3A, %reduce_min3A_31 [1] : vector<2048x48xf32> to vector<2048xf32>
    %broadcast_in_dim3A_33 = vector.shape_cast %reduce_min3A_32 : vector<2048xf32> to vector<2048x1xf32>
    %eq3A_34 = vector.broadcast %broadcast_in_dim3A_33 : vector<2048x1xf32> to vector<2048x48xf32>
    %eq3A_35 = arith.cmpf oeq, %convert_element_type3A, %eq3A_34 : vector<2048x48xf32>
    %jit3A_36 = arith.constant 0x7F800000 : f32
    %broadcast_in_dim3A_37 = vector.broadcast %jit3A_36 : f32 to vector<2048x48xf32>
    %select_n3A_38 = arith.select %eq3A_35, %broadcast_in_dim3A_37, %max3A_22 : vector<2048x48xi1>, vector<2048x48xf32>
    %reduce_min3A_39 = arith.constant dense<0x7F800000> : vector<2048xf32>
    %reduce_min3A_40 = vector.multi_reduction <minimumf>, %select_n3A_38, %reduce_min3A_39 [1] : vector<2048x48xf32> to vector<2048xf32>
    %broadcast_in_dim3A_41 = vector.shape_cast %reduce_min3A_40 : vector<2048xf32> to vector<2048x1xf32>
    %sqrt3A_42 = math.sqrt %broadcast_in_dim3A_41 : vector<2048x1xf32>
    %add3A_43 = arith.addf %add3A_28, %sqrt3A_42 : vector<2048x1xf32>
    %eq3A_44 = vector.broadcast %broadcast_in_dim3A_41 : vector<2048x1xf32> to vector<2048x48xf32>
    %eq3A_45 = arith.cmpf oeq, %select_n3A_38, %eq3A_44 : vector<2048x48xf32>
    %jit3A_46 = arith.constant 1.000000e+09 : f32
    %broadcast_in_dim3A_47 = vector.broadcast %jit3A_46 : f32 to vector<2048x48xf32>
    %select_n3A_48 = arith.select %eq3A_45, %convert_element_type3A, %broadcast_in_dim3A_47 : vector<2048x48xi1>, vector<2048x48xf32>
    %reduce_min3A_49 = arith.constant dense<0x7F800000> : vector<2048xf32>
    %reduce_min3A_50 = vector.multi_reduction <minimumf>, %select_n3A_48, %reduce_min3A_49 [1] : vector<2048x48xf32> to vector<2048xf32>
    %broadcast_in_dim3A_51 = vector.shape_cast %reduce_min3A_50 : vector<2048xf32> to vector<2048x1xf32>
    %eq3A_52 = vector.broadcast %broadcast_in_dim3A_51 : vector<2048x1xf32> to vector<2048x48xf32>
    %eq3A_53 = arith.cmpf oeq, %convert_element_type3A, %eq3A_52 : vector<2048x48xf32>
    %jit3A_54 = arith.constant 0x7F800000 : f32
    %broadcast_in_dim3A_55 = vector.broadcast %jit3A_54 : f32 to vector<2048x48xf32>
    %select_n3A_56 = arith.select %eq3A_53, %broadcast_in_dim3A_55, %select_n3A_38 : vector<2048x48xi1>, vector<2048x48xf32>
    %reduce_min3A_57 = arith.constant dense<0x7F800000> : vector<2048xf32>
    %reduce_min3A_58 = vector.multi_reduction <minimumf>, %select_n3A_56, %reduce_min3A_57 [1] : vector<2048x48xf32> to vector<2048xf32>
    %broadcast_in_dim3A_59 = vector.shape_cast %reduce_min3A_58 : vector<2048xf32> to vector<2048x1xf32>
    %sqrt3A_60 = math.sqrt %broadcast_in_dim3A_59 : vector<2048x1xf32>
    %add3A_61 = arith.addf %add3A_43, %sqrt3A_60 : vector<2048x1xf32>
    %mul3A_62 = arith.constant 0.333333343 : f32
    %mul3A_63 = vector.broadcast %mul3A_62 : f32 to vector<2048x1xf32>
    %mul3A_64 = arith.mulf %add3A_61, %mul3A_63 : vector<2048x1xf32>
    %get3A_65 = arith.constant 0 : index
    %get3A_66 = arith.constant 0 : index
    %get3A_67 = vector.load %arg6[%get3A_65, %get3A_66] : memref<1x384xf32, #tpu.memory_space<vmem>>, vector<1x384xf32>
    %get3A_68 = arith.constant 0 : index
    %get3A_69 = arith.constant 0 : index
    %get3A_70 = vector.load %arg4[%get3A_68, %get3A_69] : memref<1x384xf32, #tpu.memory_space<vmem>>, vector<1x384xf32>
    %mul3A_71 = vector.broadcast %sqrt3A : vector<2048x1xf32> to vector<2048x384xf32>
    %mul3A_72 = vector.broadcast %get3A_70 : vector<1x384xf32> to vector<2048x384xf32>
    %mul3A_73 = arith.mulf %mul3A_71, %mul3A_72 : vector<2048x384xf32>
    %add3A_74 = vector.broadcast %get3A_67 : vector<1x384xf32> to vector<2048x384xf32>
    %add3A_75 = arith.addf %add3A_74, %mul3A_73 : vector<2048x384xf32>
    %get3A_76 = arith.constant 0 : index
    %get3A_77 = arith.constant 0 : index
    %get3A_78 = vector.load %arg5[%get3A_76, %get3A_77] : memref<1x384xf32, #tpu.memory_space<vmem>>, vector<1x384xf32>
    %mul3A_79 = vector.broadcast %mul3A_64 : vector<2048x1xf32> to vector<2048x384xf32>
    %mul3A_80 = vector.broadcast %get3A_78 : vector<1x384xf32> to vector<2048x384xf32>
    %mul3A_81 = arith.mulf %mul3A_79, %mul3A_80 : vector<2048x384xf32>
    %add3A_82 = arith.addf %add3A_75, %mul3A_81 : vector<2048x384xf32>
    %slice3A = vector.extract_strided_slice %sub3A_7 {offsets = [0, 0], sizes = [2048, 1], strides = [1, 1]} : vector<2048x3xf32> to vector<2048x1xf32>
    %get3A_83 = arith.constant 0 : index
    %get3A_84 = arith.constant 0 : index
    %get3A_85 = vector.load %arg3[%get3A_83, %get3A_84] : memref<3x384xf32, #tpu.memory_space<vmem>>, vector<1x384xf32>
    %mul3A_86 = vector.broadcast %slice3A : vector<2048x1xf32> to vector<2048x384xf32>
    %mul3A_87 = vector.broadcast %get3A_85 : vector<1x384xf32> to vector<2048x384xf32>
    %mul3A_88 = arith.mulf %mul3A_86, %mul3A_87 : vector<2048x384xf32>
    %add3A_89 = arith.addf %add3A_82, %mul3A_88 : vector<2048x384xf32>
    %slice3A_90 = vector.extract_strided_slice %sub3A_7 {offsets = [0, 1], sizes = [2048, 1], strides = [1, 1]} : vector<2048x3xf32> to vector<2048x1xf32>
    %get3A_91 = arith.constant 1 : index
    %get3A_92 = arith.constant 0 : index
    %get3A_93 = vector.load %arg3[%get3A_91, %get3A_92] : memref<3x384xf32, #tpu.memory_space<vmem>>, vector<1x384xf32>
    %mul3A_94 = vector.broadcast %slice3A_90 : vector<2048x1xf32> to vector<2048x384xf32>
    %mul3A_95 = vector.broadcast %get3A_93 : vector<1x384xf32> to vector<2048x384xf32>
    %mul3A_96 = arith.mulf %mul3A_94, %mul3A_95 : vector<2048x384xf32>
    %add3A_97 = arith.addf %add3A_89, %mul3A_96 : vector<2048x384xf32>
    %slice3A_98 = vector.extract_strided_slice %sub3A_7 {offsets = [0, 2], sizes = [2048, 1], strides = [1, 1]} : vector<2048x3xf32> to vector<2048x1xf32>
    %get3A_99 = arith.constant 2 : index
    %get3A_100 = arith.constant 0 : index
    %get3A_101 = vector.load %arg3[%get3A_99, %get3A_100] : memref<3x384xf32, #tpu.memory_space<vmem>>, vector<1x384xf32>
    %mul3A_102 = vector.broadcast %slice3A_98 : vector<2048x1xf32> to vector<2048x384xf32>
    %mul3A_103 = vector.broadcast %get3A_101 : vector<1x384xf32> to vector<2048x384xf32>
    %mul3A_104 = arith.mulf %mul3A_102, %mul3A_103 : vector<2048x384xf32>
    %add3A_105 = arith.addf %add3A_97, %mul3A_104 : vector<2048x384xf32>
    %swap3A = arith.constant 0 : index
    %swap3A_106 = arith.constant 0 : index
    %swap3A_107 = arith.constant 0 : index
    %swap3A_108 = vector.load %arg7[%swap3A, %swap3A_106, %swap3A_107] : memref<1x2048x384xf32, #tpu.memory_space<vmem>>, vector<1x2048x384xf32>
    %swap3A_109 = vector.shape_cast %swap3A_108 : vector<1x2048x384xf32> to vector<2048x384xf32>
    %swap3A_110 = vector.shape_cast %add3A_105 : vector<2048x384xf32> to vector<1x2048x384xf32>
    tpu.vector_store %arg7[%swap3A, %swap3A_106, %swap3A_107], %swap3A_110 {strides = array<i32>} : memref<1x2048x384xf32, #tpu.memory_space<vmem>>, vector<1x2048x384xf32>,
    return
  }
  func.func @transform_0(%arg0: i32) -> (i32, i32, i32) {
    %c0_i32 = arith.constant 0 : i32
    %c0_i32_0 = arith.constant 0 : i32
    %c0_i32_1 = arith.constant 0 : i32
    return %arg0, %c0_i32, %c0_i32_0 : i32, i32, i32
  }
  func.func @transform_1(%arg0: i32) -> (i32, i32, i32) {
    %c0_i32 = arith.constant 0 : i32
    %c0_i32_0 = arith.constant 0 : i32
    %c0_i32_1 = arith.constant 0 : i32
    return %arg0, %c0_i32, %c0_i32_0 : i32, i32, i32
  }
  func.func @transform_2(%arg0: i32) -> (i32, i32) {
    %c0_i32 = arith.constant 0 : i32
    %c0_i32_0 = arith.constant 0 : i32
    %c0_i32_1 = arith.constant 0 : i32
    return %c0_i32, %c0_i32_0 : i32, i32
  }
  func.func @transform_3(%arg0: i32) -> (i32, i32) {
    %c0_i32 = arith.constant 0 : i32
    %c0_i32_0 = arith.constant 0 : i32
    %c0_i32_1 = arith.constant 0 : i32
    return %c0_i32, %c0_i32_0 : i32, i32
  }
  func.func @transform_4(%arg0: i32) -> (i32, i32) {
    %c0_i32 = arith.constant 0 : i32
    %c0_i32_0 = arith.constant 0 : i32
    %c0_i32_1 = arith.constant 0 : i32
    return %c0_i32, %c0_i32_0 : i32, i32
  }
  func.func @transform_5(%arg0: i32) -> (i32, i32) {
    %c0_i32 = arith.constant 0 : i32
    %c0_i32_0 = arith.constant 0 : i32
    %c0_i32_1 = arith.constant 0 : i32
    return %c0_i32, %c0_i32_0 : i32, i32
  }
  func.func @transform_6(%arg0: i32) -> (i32, i32, i32) {
    %c0_i32 = arith.constant 0 : i32
    %c0_i32_0 = arith.constant 0 : i32
    %c0_i32_1 = arith.constant 0 : i32
    return %arg0, %c0_i32, %c0_i32_0 : i32, i32, i32
  }
}

</mosaic_0001>

<sc_bundles>
// kernel: kernel.4.cloned.1.call-start
scs
__scs_entry_jumppad:
0x0: {  	(pc) =	sbr.rel $0x88, $3  }
0x1: {  	(tag) =	ssettag $0x0;
	lr =	simm.s32 $0x1  }
0x2: {  	[smem:$0x3F98] =	sst lr;
	_ =	strace $0xD0000000  }
0x3: {  	_ = 	snop  }
0x4: {  	_ = 	snop  }
0x5: {  	_ = 	snop  }
0x6: {  	_ = 	snop  }
0x7: {  	_ = 	snop  }
__scs_overlays_trampoline_lowered:
0x8: {  	[smem:$0x3FA7] =	sst s0  }
0x9: {  	[smem:$0x3FA8] =	sst s1  }
0xa: {  	[smem:$0x3FA9] =	sst s2  }
0xb: {  	[smem:$0x3FAA] =	sst s3  }
0xc: {  	[smem:$0x3FAB] =	sst s4  }
0xd: {  	[smem:$0x3FAC] =	sst s5  }
0xe: {  	[smem:$0x3FAD] =	sst s6  }
0xf: {  	[smem:$0x3FAE] =	sst s7  }
0x10: {  	[smem:$0x3FAF] =	sst s8  }
0x11: {  	[smem:$0x3FB0] =	sst s9;
	s0 =	simm.s32 @!p0 $0x0  }
0x12: {  	s1 =	sld [smem:$0x3F96];
	s0 =	simm.s32 @p0 $0x1  }
0x13: {  	[smem:$0x3FB1] =	sst s0;
	s0 =	simm.s32 @!p1 $0x0  }
0x14: {  	s2 =	sld [smem:$0x3F95];
	s0 =	simm.s32 @p1 $0x1  }
0x15: {  	[smem:$0x3FB2] =	sst s0;
	s0 =	simm.s32 @!p2 $0x0  }
0x16: {  	s3 =	sld [smem:$0x3FDB];
	s0 =	simm.s32 @p2 $0x1  }
0x17: {  	s4 =	simm.s32 $0x1BF5;
	[smem:$0x3FB4] =	sst s0  }
0x18: {  	s0 =	sld [smem:$0x3F97];
	_ =	swait.ge [sflag:s4], $0x0  }
0x19: {  	s7 =	sld [smem:$0x3F98]  }
0x1a: {  	s8 =	sadd.s32 $0xFFFFE003, lr  }
0x1b: {  	s9 =	sadd.s32 $0xFFFFFEF7, lr;
	s5 =	simm.s32 $0xFFFFFFFF;
	p2 =	slt.u32 s8, $0xFFFFF086  }
0x1c: {  	p1 =	slt.u32 s9, $0xF7A;
	s5 =	simm.s32 @!p2 $0x0  }
0x1d: {  	s5 =	simm.s32 @p1 $0x1;
	p0 =	seq.s32 s7, s2  }
0x1e: {  	s7 =	smul.u32 @!p0 $0xF7A, s2;
	p2 =	seq.s32 @!p0 s5, $0x0  }
0x1f: {  	s9 =	smul.u32 $0xF7A, s1;
	s8 =	simm.s32 @!p0 $0x1BF5;
	p2 =	por !p2, p0  }
0x20: {  	[sflag:s8] =	ssyncset.s32 @!p0 $0xFFFFF086;
	s6 =	sadd.s32 @!p0 s3, s7;
	s7 =	simm.s32 @!p0 $0x108  }
0x21: {  	s3 =	sadd.s32 s3, s9;
	s6 =	sadd.s32 @!p0 $0x88, s6;
	s7 =	simm.s32 @p2 $0x1082  }
0x22: {  	[simem:s7], [sflag:s8] =	dma.local @!p0 [hbm:s6], $0xF7A  }
0x23: {  	s9 =	sor.u32 $0xD0000000, s2;
	s6 =	simm.s32 $0x108;
	_ =	swait.ge @!p0 [sflag:s8], $0x0  }
0x24: {  	s3 =	sadd.s32 $0x88, s3;
	s6 =	simm.s32 @!p1 $0x1082;
	[sflag:s4] =	ssyncset.s32 $0xFFFFF086  }
0x25: {  	[simem:s6], [sflag:s4] =	dma.local [hbm:s3], $0xF7A  }
0x26: {  	[smem:$0x3F98] =	sst s1;
	(tag) =	ssettag s2;
	_ =	strace s9  }
0x27: {  	s1 =	sld [smem:$0x3FA8]  }
0x28: {  	s2 =	sld [smem:$0x3FA9]  }
0x29: {  	s4 =	sld [smem:$0x3FAB]  }
0x2a: {  	p0 =	seq.s32 s5, $0x0;
	s5 =	sld [smem:$0x3FAC]  }
0x2b: {  	s6 =	sld [smem:$0x3FAD]  }
0x2c: {  	s7 =	sld [smem:$0x3FAE]  }
0x2d: {  	s3 =	simm.s32 $0x108;
	s8 =	sld [smem:$0x3FAF]  }
0x2e: {  	s3 =	simm.s32 @!p0 $0x1082;
	s9 =	sld [smem:$0x3FB0]  }
0x2f: {  	lr =	sadd.s32 s0, s3;
	s0 =	sld [smem:$0x3FA7]  }
0x30: {  	s3 =	sld [smem:$0x3FAA]  }
0x31: {  	[smem:$0x3FB3] =	sst s10  }
0x32: {  	s10 =	sld [smem:$0x3FB1];
	_ =	sdelay $0x3  }
0x33: {  	p0 =	seq.s32 s10, $0x1;
	s10 =	sld [smem:$0x3FB3];
	_ =	sdelay $0x3  }
0x34: {  	[smem:$0x3FB3] =	sst s10  }
0x35: {  	s10 =	sld [smem:$0x3FB2];
	_ =	sdelay $0x3  }
0x36: {  	p1 =	seq.s32 s10, $0x1;
	s10 =	sld [smem:$0x3FB3];
	_ =	sdelay $0x3  }
0x37: {  	[smem:$0x3FB3] =	sst s10  }
0x38: {  	s10 =	sld [smem:$0x3FB4]  }
0x39: {  	_ = 	snop;
	(pc) =	sbr.ind lr, $3  }
0x3a: {  	_ = 	snop  }
0x3b: {  	_ = 	snop  }
0x3c: {  	p2 =	seq.s32 s10, $0x1;
	s10 =	sld [smem:$0x3FB3]  }
0x3d: {  	_ =	shalt  }
0x3e: {  	_ =	shalt  }
0x3f: {  	_ =	shalt  }
0x40: {  	_ =	shalt  }
0x41: {  	_ =	shalt  }
0x42: {  	_ =	shalt  }
0x43: {  	_ =	shalt  }
0x44: {  	_ =	shalt  }
0x45: {  	_ =	shalt  }
0x46: {  	_ =	shalt  }
0x47: {  	_ =	shalt  }
0x48: {  	_ =	shalt  }
0x49: {  	_ =	shalt  }
0x4a: {  	_ =	shalt  }
0x4b: {  	_ =	shalt  }
0x4c: {  	_ =	shalt  }
0x4d: {  	_ =	shalt  }
0x4e: {  	_ =	shalt  }
0x4f: {  	_ =	shalt  }
0x50: {  	_ =	shalt  }
0x51: {  	_ =	shalt  }
0x52: {  	_ =	shalt  }
0x53: {  	_ =	shalt  }
0x54: {  	_ =	shalt  }
0x55: {  	_ =	shalt  }
0x56: {  	_ =	shalt  }
0x57: {  	_ =	shalt  }
0x58: {  	_ =	shalt  }
0x59: {  	_ =	shalt  }
0x5a: {  	_ =	shalt  }
0x5b: {  	_ =	shalt  }
0x5c: {  	_ =	shalt  }
0x5d: {  	_ =	shalt  }
0x5e: {  	_ =	shalt  }
0x5f: {  	_ =	shalt  }
0x60: {  	_ =	shalt  }
0x61: {  	_ =	shalt  }
0x62: {  	_ =	shalt  }
0x63: {  	_ =	shalt  }
0x64: {  	_ =	shalt  }
0x65: {  	_ =	shalt  }
0x66: {  	_ =	shalt  }
0x67: {  	_ =	shalt  }
0x68: {  	_ =	shalt  }
0x69: {  	_ =	shalt  }
0x6a: {  	_ =	shalt  }
0x6b: {  	_ =	shalt  }
0x6c: {  	_ =	shalt  }
0x6d: {  	_ =	shalt  }
0x6e: {  	_ =	shalt  }
0x6f: {  	_ =	shalt  }
0x70: {  	_ =	shalt  }
0x71: {  	_ =	shalt  }
0x72: {  	_ =	shalt  }
0x73: {  	_ =	shalt  }
0x74: {  	_ =	shalt  }
0x75: {  	_ =	shalt  }
0x76: {  	_ =	shalt  }
0x77: {  	_ =	shalt  }
0x78: {  	_ =	shalt  }
0x79: {  	_ =	shalt  }
0x7a: {  	_ =	shalt  }
0x7b: {  	_ =	shalt  }
0x7c: {  	_ =	shalt  }
0x7d: {  	_ =	shalt  }
0x7e: {  	_ =	shalt  }
0x7f: {  	_ =	shalt  }
0x80: {  	_ =	shalt  }
0x81: {  	_ =	shalt  }
0x82: {  	_ =	shalt  }
0x83: {  	_ =	shalt  }
0x84: {  	_ =	shalt  }
0x85: {  	_ =	shalt  }
0x86: {  	_ =	shalt  }
0x87: {  	_ =	shalt  }
.Lfunc_end0:
.L_simem_size_0:
called_computation_lowered:
.L_overlay_start_0:
0x88: {  	s2 =	sld [smem:$0x3FD9]  }
0x89: {  	s3 =	sld [smem:$0x3FFE];
	_ =	sdelay $0x1  }
0x8a: {  	s1 =	srdreg.scid  }
0x8b: {  	s0 =	sand.u32 $0x1, s1  }
0x8c: {  	s17 =	sshll.u32 s0, $0xA;
	s2 =	sadd.s32 s3, s2  }
0x8d: {  	s2 =	sadd.s32 s2, s17  }
0x8e: {  	[smem:$0x3FBF] =	sst s2  }
0x8f: {  	_ = 	snop  }
0x90: {  	s2 =	sld [smem:$0x3FD0];
	(tm) =	ssettm $0x1  }
0x91: {  	s18 =	sld [smem:$0x3FFB];
	_ =	sdelay $0x3  }
0x92: {  	_ =	strace s18  }
0x93: {  	s3 =	sld [smem:$0x3FFC];
	_ =	sdelay $0x3  }
0x94: {  	_ =	strace s3  }
0x95: {  	s3 =	sld [smem:$0x3FFD];
	_ =	sdelay $0x3  }
0x96: {  	_ =	strace s3  }
0x97: {  	_ =	strace $0x8FFFFFFF  }
0x98: {  	s19 =	sld [smem:$0x3FDB];
	_ =	sdelay $0x1  }
0x99: {  	s4 =	simm.s32 $_scs_section_size  }
0x9a: {  	s5 =	simm.s32 $_size__tile_overlayer_lowered;
	s6 =	simm.s32 $_tile_overlayer_lowered  }
0x9b: {  	s22 =	simm.s32 $0x1BFF;
	s21 =	sshll.u32 s6, $0x1;
	s3 =	sadd.s32 s4, s19  }
0x9c: {  	s7 =	simm.s32 $0x0;
	s20 =	sshll.u32 s5, $0x1;
	s5 =	sadd.s32 s21, s3  }
0x9d: {  	[timem:s7], [sflag:s22] =	dma.local [hbm:s5], s20  }
0x9e: {  	_ =	swait.ge [sflag:s22], s20  }
0x9f: {  	s4 =	ssub.s32 $0x0, s20;
	[sflag:s22] =	ssyncset.done $0x0  }
0xa0: {  	[sflag:s22] =	ssyncadd.s32 s4;
	_ =	sdelay $0x1  }
0xa1: {  	s23 =	simm.s32 $0x1B8B  }
0xa2: {  	_ =	swait.ge [sflag:s23], $0x1  }
0xa3: {  	[sflag:s23] =	ssyncset.done $0x0  }
0xa4: {  	s25 =	simm.s32 $0x1B8E;
	s24 =	sld [smem:$0x3FFE];
	[sflag:s23] =	ssyncadd.s32 $0xFFFFFFFF  }
0xa5: {  	s26 =	simm.s32 $execute0_lowered;
	[smem:$0x3FD2] =	sst s25  }
0xa6: {  	s5 =	sshll.u32 s26, $0x1;
	_ =	strace $0x80000046;
	[dreg:$0x1] =	wrdreg $0xFFFFFFFF  }
0xa7: {  	s28 =	simm.s32 $_size_execute0_lowered;
	s3 =	sadd.s32 s3, s5;
	[dreg:$0x0] =	wrdreg $0x0  }
0xa8: {  	s5 =	sshll.u32 s28, $0x1;
	[dreg:$0x2] =	wrdreg s3  }
0xa9: {  	[dreg:$0x3] =	wrdreg s5  }
0xaa: {  	[dreg:$0x4] =	wrdreg $0xC0  }
0xab: {  	_ =	task [dreg:s7], $0x5FFFF  }
0xac: {  	[dreg:$0x1] =	wrdreg $0xFFFFFFFF  }
0xad: {  	[dreg:$0x0] =	wrdreg $0x60  }
0xae: {  	[dreg:$0x2] =	wrdreg s24  }
0xaf: {  	[dreg:$0x3] =	wrdreg s2  }
0xb0: {  	[dreg:$0x4] =	wrdreg $0x9  }
0xb1: {  	_ =	task.clear_ibuf [dreg:s7], $0x5FFFF;
	_ =	strace $0x90000046  }
0xb2: {  	s29 =	simm.s32 $0x9;
	_ =	strace $0x80000048  }
0xb3: {  	_ =	swait.ge [sflag:s29], $0x1  }
0xb4: {  	[sflag:s29] =	ssyncadd.s32 $0xFFFFFFFF  }
0xb5: {  	_ =	strace $0x90000048  }
0xb6: {  	_ =	sfence  }
0xb7: {  	s30 =	sld [smem:$0x0];
	_ =	sdelay $0x2  }
0xb8: {  	s31 =	sshll.u32 s1, $0xD;
	s1 =	sshrl.u32 s1, $0x2  }
0xb9: {  	s3 =	sand.u32 $0x4000, s31;
	s1 =	sadd.s32 s1, s30  }
0xba: {  	s0 =	sor.u32 s3, s0;
	s1 =	sshll.u32 s1, $0x11  }
0xbb: {  	s0 =	sor.u32 s1, s0  }
0xbc: {  	s0 =	sadd.s32 $0x8F2B, s0  }
0xbd: {  	[sflag:s0] =	ssyncadd.remote.s32 $0x1  }
0xbe: {  	_ =	sfence.sel $0xFFFF  }
0xbf: {  	[dreg:$0x0] =	wrdreg $0xFFFFFFFF;
	(pc) =	sbr.abs _section_cstart, $3  }
0xc0: {  	[dreg:$0x1] =	wrdreg $0xFFFFFFFF  }
0xc1: {  	_ =	task.clear_ibuf [dreg:s7], $0x2FFFF;
	_ =	strace $0x9FFFFFFF  }
0xc2: {  	(tm) =	ssettm $0x7FFFFFFF  }
0xc3: {  	_ =	shalt  }
tec
execute0_lowered:
.L_overlay_start_1:
0x0: {  	(tag) =	ssettag $0x1  }
0x1: {  	s0 =	rddreg [dreg:$0x0]  }
0x2: {  	s1 =	rddreg [dreg:$0x1];
	s2 =	simm.s32 $0x0;
	s6 =	stileid.u32  }
0x3: {  	s23 =	srdreg.scid;
	s15 =	simm.s32 $0x80;
	s16 =	simm.s32 $0x400  }
0x4: {  	s17 =	simm.s32 $0x1;
	[smem:$0x7FF] =	sst s2;
	s3 =	sshll.u32 s6, $0x8  }
0x5: {  	s4 =	sshll.u32 s6, $0x4;
	s2 =	sand.u32 $0x1, s23;
	s6 =	smul.u32 $0x18000, s6  }
0x6: {  	s23 =	simm.s32 $0x0;
	_ =	strace $0x80000047;
	s3 =	sor.u32 s4, s3  }
0x7: {  	s24 =	ssub.s32 $0x2, s2;
	s26 =	sshll.u32 s2, $0x7;
	s18 =	sshll.u32 s2, $0xA  }
0x8: {  	s3 =	sand.u32 $0x870, s3;
	s5 =	sshrl.u32 s24, $0x1;
	s7 =	sor.u32 s26, s6  }
0x9: {  	s11 =	sor.u32 $0x10, s18;
	s12 =	sor.u32 $0x810, s18;
	s0 =	sadd.s32 s3, s0  }
0xa: {  	s13 =	sor.u32 $0x1010, s18;
	s14 =	sor.u32 $0x1810, s18;
	s28 =	sadd.s32 $0x3600, s0  }
.Ltmp0:
0xb: {  	s29 =	sadd.s32 $0x2600, s0;
	[dreg:$0x3] =	wrdreg s28;
	(pc) =	sbr.rel .LBB2_1-.Ltmp0, $4  }
0xc: {  	s25 =	ssub.s32 s24, s5;
	s30 =	sadd.s32 $0x1600, s0;
	[dreg:$0x4] =	wrdreg s29  }
0xd: {  	s31 =	sshrl.u32 s7, $0x3;
	s0 =	sadd.s32 $0x600, s0;
	[dreg:$0x5] =	wrdreg s30  }
0xe: {  	s7 =	sshll.u32 s2, $0x6;
	[dreg:$0x6] =	wrdreg s0;
	s0 =	sadd.s32 s1, s31  }
0xf: {  	v0 =	vlaneseq.u32;
	v1 =	vmov s18;
	s9 =	smax.u32 s25, $0x1;
	s10 =	sxor.u32 $0x7F, s7;
	[dreg:$0x7] =	wrdreg s0  }
.LBB2_67:
0x10: {  	s23 =	sadd.s32 $0x1, s23  }
0x11: {  	s0 =	rddreg [dreg:$0x7];
	p0 =	sne.s32 s23, s9  }
.Ltmp1:
0x12: {  	s1 =	simm.s32 $0x100;
	s2 =	simm.s32 $0x2000;
	(pc) =	sbr.rel @!p0 .LBB2_68-.Ltmp1, $4  }
0x13: {  	[hbm4b:s0+s15] =	stream.strided.scatter [tilespmem:s2], [sflag:$0x1], $0xC000, s1, s15, $0x38;
	[tilespmem:$0xE000] =	vst v63  }
0x14: {  	_ =	swait.ge [sflag:s17], $0xC000  }
0x15: {  	[sflag:s17] =	ssyncset.done $0x0  }
0x16: {  	[sflag:s17] =	ssyncadd.s32 $0xFFFF4000  }
.LBB2_1:
0x17: {  	s0 =	simm.s32 $0x0;
	s1 =	rddreg [dreg:$0x3]  }
0x18: {  	[tilespmem:s0], [sflag:$0x1] =	stream.strided.gather [hbm4b:s1+s15], $0x800, s16, s15, $0x38;
	[tilespmem:$0xE000] =	vst v63  }
0x19: {  	_ =	swait.ge [sflag:s17], $0x800  }
0x1a: {  	[sflag:s17] =	ssyncset.done $0x0  }
0x1b: {  	s21 =	simm.s32 $0x800;
	s20 =	rddreg [dreg:$0x4];
	[sflag:s17] =	ssyncadd.s32 $0xFFFFF800  }
0x1c: {  	[tilespmem:s21], [sflag:$0x1] =	stream.strided.gather [hbm4b:s20+s15], $0x800, s16, s15, $0x38;
	[tilespmem:$0xE000] =	vst v63  }
0x1d: {  	_ =	swait.ge [sflag:s17], $0x800  }
0x1e: {  	[sflag:s17] =	ssyncset.done $0x0  }
0x1f: {  	s24 =	simm.s32 $0x1000;
	s22 =	rddreg [dreg:$0x5];
	[sflag:s17] =	ssyncadd.s32 $0xFFFFF800  }
0x20: {  	[tilespmem:s24], [sflag:$0x1] =	stream.strided.gather [hbm4b:s22+s15], $0x800, s16, s15, $0x38;
	[tilespmem:$0xE000] =	vst v63  }
0x21: {  	_ =	swait.ge [sflag:s17], $0x800  }
0x22: {  	s26 =	simm.s32 $0x1800;
	s28 =	smov.u32 s11;
	[sflag:s17] =	ssyncset.done $0x0  }
.Ltmp2:
0x23: {  	s25 =	rddreg [dreg:$0x6];
	[sflag:s17] =	ssyncadd.s32 $0xFFFFF800;
	(pc) =	sbr.rel .LBB2_2-.Ltmp2, $4  }
0x24: {  	[tilespmem:s26], [sflag:$0x1] =	stream.strided.gather [hbm4b:s25+s15], $0x800, s16, s15, $0x38;
	[tilespmem:$0xE000] =	vst v63  }
0x25: {  	s29 =	smov.u32 s10;
	s30 =	smov.u32 s7;
	_ =	swait.ge [sflag:s17], $0x800  }
0x26: {  	s31 =	simm.s32 $0x0;
	s24 =	smov.u32 s14;
	[sflag:s17] =	ssyncset.done $0x0  }
0x27: {  	s25 =	smov.u32 s13;
	s26 =	smov.u32 s12;
	[sflag:s17] =	ssyncadd.s32 $0xFFFFF800  }
.LBB2_60:
0x28: {  	v30 =	vmovc v14;
	v34 =	vmovc v24;
	v35 =	vmov v21;
	v36 =	vmov v22;
	v41 =	vmov v23  }
0x29: {  	s0 =	smov.u32 s25;
	v37 =	vmovc v16;
	s18 =	smov.u32 s24;
	v38 =	vmovc v17;
	v33 =	vmov v18;
	v31 =	vmov v20;
	v32 =	vmov v19  }
.LBB2_65:
0x2a: {  	v44 =	vmin.f32 @p0 v30, v47;
	v30 =	vmax.f32 @p0 v30, v47;
	v34 =	vmin.f32 @p0 v34, v45  }
0x2b: {  	v35 =	vmin.f32 @p0 v35, v46;
	v39 =	vmax.f32 @p0 v39, v45;
	v36 =	vmin.f32 @p0 v36, v30  }
0x2c: {  	s0 =	sadd.s32 @p0 $0x10, s0;
	s2 =	smov.u32 s25;
	v34 =	vpsel p0, v34, v24;
	v24 =	vmax.f32 @p0 v40, v46;
	v30 =	vmax.f32 @p0 v42, v30  }
0x2d: {  	s2 =	smov.u32 @p0 s0;
	v40 =	vmin.f32 @p0 v41, v39;
	v35 =	vpsel p0, v35, v21;
	v9 =	vmul.f32 v27, v9  }
0x2e: {  	v11 =	vmul.f32 v27, v11;
	v21 =	vmax.f32 @p0 v43, v39;
	v12 =	vmul.f32 v27, v12;
	v57 =	vld [tilespmem:s2+$0x0]  }
0x2f: {  	v6 =	vmul.f32 v27, v6;
	v63 =	vpsel p0, v44, v14;
	v36 =	vpsel p0, v36, v22  }
0x30: {  	v13 =	vmul.f32 v28, v13;
	v22 =	vmin.f32 @p0 v37, v24;
	v5 =	vmul.f32 v28, v5  }
0x31: {  	s0 =	sadd.s32 @p0 $0x10, s18;
	s2 =	smov.u32 s24;
	v58 =	vpsel p0, v40, v23;
	v8 =	vmul.f32 v28, v8;
	v7 =	vmul.f32 v28, v7  }
0x32: {  	v24 =	vmin.f32 @p0 v38, v30;
	s2 =	smov.u32 @p0 s0;
	v12 =	vadd.f32 v13, v12;
	v5 =	vadd.f32 v5, v9  }
0x33: {  	v23 =	vld [tilespmem:s2+$0x0];
	v8 =	vadd.f32 v8, v11;
	v6 =	vadd.f32 v7, v6;
	v10 =	vmul.f32 v57, v10  }
0x34: {  	v7 =	vmin.f32 @p0 v33, v21;
	v2 =	vmul.f32 v57, v2;
	v3 =	vmul.f32 v57, v3  }
0x35: {  	v13 =	vpsel p0, v24, v17;
	v4 =	vmul.f32 v57, v4;
	v59 =	vadd.f32 v10, v12  }
0x36: {  	v7 =	vpsel p0, v7, v18;
	v2 =	vadd.f32 v2, v5;
	v3 =	vadd.f32 v3, v8  }
0x37: {  	v4 =	vadd.f32 v4, v6;
	v6 =	vmin.f32 @p0 v31, v26;
	v8 =	vmin.f32 @p0 v32, v25  }
0x38: {  	v12 =	vpsel p0, v22, v16;
	v60 =	vadd.f32 v59, v23;
	v2 =	vadd.f32 v2, v23  }
0x39: {  	v6 =	vpsel p0, v6, v20;
	v8 =	vpsel p0, v8, v19;
	v3 =	vadd.f32 v3, v23  }
0x3a: {  	v4 =	vadd.f32 v4, v23;
	v9 =	vmax.f32 v6, v60;
	v62 =	vmin.f32 v29, v2  }
0x3b: {  	v2 =	vmax.f32 v29, v2;
	v14 =	vmin.f32 v63, v3;
	v3 =	vmax.f32 v63, v3  }
0x3c: {  	v24 =	vmin.f32 v34, v4;
	v4 =	vmax.f32 v34, v4;
	v20 =	vmin.f32 v6, v60  }
0x3d: {  	v61 =	vmax.f32 v8, v9;
	v21 =	vmin.f32 v35, v2;
	v22 =	vmin.f32 v36, v3  }
0x3e: {  	v2 =	vmax.f32 v35, v2;
	v3 =	vmax.f32 v36, v3;
	v23 =	vmin.f32 v58, v4  }
0x3f: {  	v4 =	vmax.f32 v58, v4;
	v19 =	vmin.f32 v8, v9;
	v15 =	vmin.f32 v15, v61  }
0x40: {  	v29 =	vmovc v62;
	v16 =	vmin.f32 v12, v2;
	v17 =	vmin.f32 v13, v3;
	v18 =	vmin.f32 v7, v4  }
.LBB2_66:
0x41: {  	[tilespmem:s1+$0x2240] =	vst v29  }
0x42: {  	[tilespmem:s1+$0x2250] =	vst v21  }
0x43: {  	[tilespmem:s1+$0x2260] =	vst v16  }
0x44: {  	[tilespmem:s1+$0x2270] =	vst v14  }
0x45: {  	[tilespmem:s1+$0x2280] =	vst v22  }
0x46: {  	[tilespmem:s1+$0x2290] =	vst v17;
	s31 =	sadd.s32 $0x1, s31  }
0x47: {  	[tilespmem:s1+$0x22A0] =	vst v24;
	p0 =	sne.s32 s31, $0x40  }
.Ltmp3:
0x48: {  	[tilespmem:s1+$0x22B0] =	vst v23;
	(pc) =	sbr.rel @!p0 .LBB2_67-.Ltmp3, $4  }
0x49: {  	[tilespmem:s1+$0x22C0] =	vst v18  }
0x4a: {  	[tilespmem:s1+$0x22D0] =	vst v20  }
0x4b: {  	s30 =	sadd.s32 $0x1, s30;
	[tilespmem:s1+$0x22E0] =	vst v19;
	s29 =	sadd.s32 $0xFFFFFFFF, s29;
	s28 =	sadd.s32 $0x10, s28  }
0x4c: {  	[tilespmem:s1+$0x22F0] =	vst v15;
	s26 =	sadd.s32 $0x10, s26;
	s25 =	sadd.s32 $0x10, s25;
	s24 =	sadd.s32 $0x10, s24  }
.LBB2_2:
0x4d: {  	_ =	sdelay $0x2  }
0x4e: {  	s0 =	sshll.u32 s31, $0x4  }
0x4f: {  	v2 =	vld.idx.msk [tilespmem:v1+s0+$0x0 ss:$0x1], $0xffff  }
0x50: {  	v3 =	vld.idx.msk [tilespmem:v1+s0+$0x800 ss:$0x1], $0xffff  }
0x51: {  	v4 =	vld.idx.msk [tilespmem:v1+s0+$0x1000 ss:$0x1], $0xffff;
	_ =	sdelay $0x2  }
0x52: {  	(v2sf) =	vpush v2, $0x0  }
0x53: {  	(v2sf) =	vpush v3, $0x0  }
0x54: {  	(v2sf) =	vpush v4, $0x0  }
0x55: {  	(v2sf) =	vpush v2, $0x1  }
0x56: {  	(v2sf) =	vpush v3, $0x1  }
0x57: {  	(v2sf) =	vpush v4, $0x1  }
0x58: {  	(v2sf) =	vpush v2, $0x2  }
0x59: {  	(v2sf) =	vpush v3, $0x2  }
0x5a: {  	(v2sf) =	vpush v4, $0x2  }
0x5b: {  	(v2sf) =	vpush v2, $0x3;
	_ =	sdelay $0x1  }
0x5c: {  	(v2sf) =	vpush v3, $0x3  }
0x5d: {  	(v2sf) =	vpush v4, $0x3;
	_ =	sdelay $0x2  }
0x5e: {  	s5 =	spop (v2sf)  }
0x5f: {  	s1 =	spop (v2sf);
	s0 =	smul.f32 $-2.000000000e+00, s5  }
0x60: {  	s2 =	spop (v2sf);
	s1 =	smul.f32 $-2.000000000e+00, s1  }
0x61: {  	s3 =	spop (v2sf);
	s2 =	smul.f32 $-2.000000000e+00, s2  }
0x62: {  	s18 =	spop (v2sf);
	s3 =	smul.f32 $-2.000000000e+00, s3  }
0x63: {  	s19 =	spop (v2sf);
	s18 =	smul.f32 $-2.000000000e+00, s18  }
0x64: {  	s20 =	spop (v2sf);
	s19 =	smul.f32 $-2.000000000e+00, s19  }
0x65: {  	s21 =	spop (v2sf);
	s20 =	smul.f32 $-2.000000000e+00, s20  }
0x66: {  	s22 =	spop (v2sf);
	s21 =	smul.f32 $-2.000000000e+00, s21  }
0x67: {  	v8 =	vmov s1;
	s1 =	sadd.s32 s7, s31;
	s4 =	spop (v2sf);
	s22 =	smul.f32 $-2.000000000e+00, s22  }
0x68: {  	v12 =	vmov s0;
	p0 =	seq.s32 s1, $0x0;
	s0 =	smul.f32 $-2.000000000e+00, s4  }
.Ltmp4:
0x69: {  	s5 =	spop (v2sf);
	(pc) =	sbr.rel @p0 .LBB2_3-.Ltmp4, $4  }
0x6a: {  	v17 =	vimm.f32 $+Inf;
	v5 =	vmov s2;
	s6 =	spop (v2sf);
	s8 =	smul.f32 $-2.000000000e+00, s5  }
0x6b: {  	v14 =	vmov s3;
	v11 =	vmov s18;
	v9 =	vmov s20;
	s20 =	smul.f32 $-2.000000000e+00, s6  }
0x6c: {  	v6 =	vmov s19;
	v10 =	vmov s21;
	v7 =	vmov s22  }
0x6d: {  	v15 =	vmov s0;
	v16 =	vmov s8;
	v13 =	vmov s20  }
0x6e: {  	p2 =	sne.s32 s30, $0x1  }
.Ltmp5:
0x6f: {  	_ = 	snop;
	(pc) =	sbr.rel @!p2 .LBB2_5-.Ltmp5, $4  }
0x70: {  	_ = 	snop  }
0x71: {  	s0 =	simm.s32 $0x0  }
0x72: {  	s2 =	simm.s32 $0x800;
	s18 =	simm.s32 $0x1000;
	v22 =	vld [tilespmem:s0+$0x0]  }
0x73: {  	p1 =	por $0x0, $0x0;
	s0 =	simm.s32 $0x1800;
	v23 =	vld [tilespmem:s2+$0x0];
	s2 =	sadd.s32 $0xFFFFFFFF, s30  }
0x74: {  	_ = 	snop  }
0x75: {  	v18 =	vld [tilespmem:s18+$0x0];
	v29 =	vimm.f32 $+Inf  }
0x76: {  	v34 =	vimm.f32 $+Inf;
	v35 =	vimm.f32 $+Inf;
	v36 =	vimm.f32 $+Inf  }
0x77: {  	v31 =	vimm.f32 $+Inf;
	v37 =	vimm.f32 $+Inf;
	v19 =	vmul.f32 v22, v12  }
0x78: {  	v32 =	vimm.f32 $+Inf;
	v20 =	vmul.f32 v22, v15;
	v21 =	vmul.f32 v23, v16  }
0x79: {  	v25 =	vld [tilespmem:s0+$0x0];
	v30 =	vimm.f32 $+Inf;
	v24 =	vmul.f32 v22, v14;
	v26 =	vmul.f32 v23, v8  }
0x7a: {  	v27 =	vmul.f32 v23, v11;
	v20 =	vadd.f32 v21, v20;
	v21 =	vmul.f32 v18, v13  }
0x7b: {  	v22 =	vmul.f32 v22, v9;
	v23 =	vmul.f32 v23, v10;
	v19 =	vadd.f32 v26, v19  }
0x7c: {  	v24 =	vadd.f32 v27, v24;
	v26 =	vmul.f32 v18, v5;
	v20 =	vadd.f32 v21, v20  }
0x7d: {  	v27 =	vmul.f32 v18, v6;
	v22 =	vadd.f32 v23, v22;
	v18 =	vmul.f32 v18, v7  }
0x7e: {  	p2 =	sne.s32 s2, $0x1;
	v28 =	vimm.f32 $+Inf;
	v19 =	vadd.f32 v26, v19;
	v21 =	vadd.f32 v20, v25  }
.Ltmp6:
0x7f: {  	v33 =	vimm.f32 $+Inf;
	v23 =	vadd.f32 v27, v24;
	v18 =	vadd.f32 v18, v22;
	(pc) =	sbr.rel @!p2 .LBB2_7-.Ltmp6, $4  }
0x80: {  	v24 =	vimm.f32 $+Inf;
	v19 =	vadd.f32 v19, v25;
	v20 =	vmax.f32 v17, v21  }
0x81: {  	s21 =	simm.s32 $0x10;
	v40 =	vadd.f32 v23, v25;
	v38 =	vadd.f32 v18, v25;
	v22 =	vmax.f32 v17, v20  }
0x82: {  	s22 =	simm.s32 $0x810;
	s2 =	sadd.s32 $0xFFFFFFFF, s2;
	v18 =	vmin.f32 v17, v19;
	v39 =	vmax.f32 v17, v19;
	v19 =	vmin.f32 v17, v22;
	v22 =	vld [tilespmem:s21+$0x0]  }
0x83: {  	p1 =	por $0x1, $0x1;
	s20 =	simm.s32 $0x1000;
	s19 =	simm.s32 $0x1800;
	v26 =	vimm.f32 $+Inf;
	v27 =	vimm.f32 $+Inf;
	v23 =	vld [tilespmem:s22+$0x0];
	v25 =	vimm.f32 $+Inf  }
.LBB2_8:
0x84: {  	p2 =	sne.s32 s2, $0x1;
	v41 =	vmax.f32 v24, v40;
	v24 =	vmin.f32 v24, v40;
	v26 =	vmin.f32 v26, v38;
	s20 =	sadd.s32 $0x10, s20  }
0x85: {  	v27 =	vmin.f32 v27, v39;
	v38 =	vmax.f32 v34, v38;
	v40 =	vld [tilespmem:s20+$0x0];
	v29 =	vmin.f32 v29, v41;
	v34 =	vmovc v26  }
0x86: {  	v39 =	vmax.f32 v35, v39;
	v41 =	vmax.f32 v36, v41;
	v31 =	vmin.f32 v31, v38;
	v35 =	vmovc v27  }
0x87: {  	v38 =	vmax.f32 v37, v38;
	v36 =	vmovc v29;
	v42 =	vmul.f32 v22, v12;
	v43 =	vmul.f32 v22, v14  }
0x88: {  	s19 =	sadd.s32 $0x10, s19;
	v32 =	vmin.f32 v32, v39;
	v37 =	vmovc v31;
	v44 =	vmul.f32 v22, v15;
	v45 =	vmul.f32 v23, v16  }
0x89: {  	v30 =	vmin.f32 v30, v41;
	v46 =	vmul.f32 v23, v8;
	v47 =	vmul.f32 v23, v11;
	v39 =	vld [tilespmem:s19+$0x0]  }
0x8a: {  	v22 =	vmul.f32 v22, v9;
	v41 =	vadd.f32 v45, v44;
	v44 =	vmul.f32 v40, v13  }
0x8b: {  	v23 =	vmul.f32 v23, v10;
	v42 =	vadd.f32 v46, v42;
	v43 =	vadd.f32 v47, v43  }
0x8c: {  	v45 =	vmul.f32 v40, v5;
	v46 =	vmul.f32 v40, v6;
	v41 =	vadd.f32 v44, v41  }
0x8d: {  	v28 =	vmin.f32 v28, v38;
	v22 =	vadd.f32 v23, v22;
	v23 =	vmul.f32 v40, v7  }
.Ltmp7:
0x8e: {  	v38 =	vadd.f32 v45, v42;
	v40 =	vadd.f32 v41, v39;
	(pc) =	sbr.rel @p2 .LBB2_8-.Ltmp7, $4  }
0x8f: {  	v25 =	vmin.f32 v25, v21;
	v23 =	vadd.f32 v23, v22;
	v41 =	vadd.f32 v46, v43  }
0x90: {  	s21 =	sadd.s32 $0x10, s21;
	v33 =	vmin.f32 v33, v20;
	v42 =	vadd.f32 v38, v39;
	v20 =	vmax.f32 v25, v40;
	v21 =	vmovc v40  }
0x91: {  	s22 =	sadd.s32 $0x10, s22;
	v38 =	vadd.f32 v23, v39;
	v40 =	vadd.f32 v41, v39;
	v22 =	vld [tilespmem:s21+$0x0];
	v41 =	vmax.f32 v33, v20  }
0x92: {  	s2 =	sadd.s32 $0xFFFFFFFF, s2;
	v39 =	vmax.f32 v18, v42;
	v18 =	vmin.f32 v18, v42;
	v23 =	vld [tilespmem:s22+$0x0];
	v19 =	vmin.f32 v19, v41  }
.LBB2_9:
0x93: {  	v41 =	vmin.f32 @p1 v24, v40;
	v24 =	vmax.f32 @p1 v24, v40;
	v26 =	vmin.f32 @p1 v26, v38  }
0x94: {  	s2 =	sadd.s32 @p1 $0x10, s20;
	v27 =	vmin.f32 @p1 v27, v39;
	v34 =	vmax.f32 @p1 v34, v38;
	v35 =	vmax.f32 @p1 v35, v39  }
0x95: {  	v21 =	vmin.f32 @p1 v25, v21;
	v20 =	vmin.f32 @p1 v33, v20;
	s18 =	smov.u32 @p1 s2;
	v29 =	vmin.f32 @p1 v29, v24  }
0x96: {  	v26 =	vpsel p1, v26, v17;
	v24 =	vmax.f32 @p1 v36, v24;
	v31 =	vmin.f32 @p1 v31, v34;
	v51 =	vld [tilespmem:s18+$0x0]  }
0x97: {  	v27 =	vpsel p1, v27, v17;
	v34 =	vmax.f32 @p1 v37, v34;
	v52 =	vmul.f32 v22, v12  }
0x98: {  	s2 =	sadd.s32 @p1 $0x10, s19;
	v54 =	vpsel p1, v29, v17;
	v53 =	vmul.f32 v22, v14;
	v29 =	vmul.f32 v22, v15  }
0x99: {  	v32 =	vmin.f32 @p1 v32, v35;
	s0 =	smov.u32 @p1 s2;
	v22 =	vmul.f32 v22, v9;
	v55 =	vmul.f32 v23, v16  }
0x9a: {  	v24 =	vmin.f32 @p1 v30, v24;
	v56 =	vld [tilespmem:s0+$0x0];
	v42 =	vmul.f32 v23, v8;
	v43 =	vmul.f32 v23, v11  }
0x9b: {  	v23 =	vmul.f32 v23, v10;
	v29 =	vadd.f32 v55, v29;
	v30 =	vmul.f32 v51, v13  }
0x9c: {  	v25 =	vpsel p1, v21, v17;
	v36 =	vadd.f32 v42, v52;
	v57 =	vmul.f32 v51, v5  }
0x9d: {  	v22 =	vadd.f32 v23, v22;
	v23 =	vmul.f32 v51, v7;
	v29 =	vadd.f32 v30, v29  }
0x9e: {  	v39 =	vadd.f32 v43, v53;
	v30 =	vmul.f32 v51, v6;
	v58 =	vadd.f32 v57, v36  }
0x9f: {  	v61 =	vpsel p1, v20, v17;
	v22 =	vadd.f32 v23, v22;
	v59 =	vadd.f32 v29, v56  }
0xa0: {  	v31 =	vpsel p1, v31, v17;
	v29 =	vadd.f32 v30, v39;
	v23 =	vadd.f32 v58, v56  }
0xa1: {  	v28 =	vmin.f32 @p1 v28, v34;
	v24 =	vpsel p1, v24, v17;
	v22 =	vadd.f32 v22, v56  }
0xa2: {  	v60 =	vmax.f32 v25, v59;
	v30 =	vadd.f32 v29, v56;
	v62 =	vmin.f32 v18, v23  }
0xa3: {  	v63 =	vmax.f32 v18, v23;
	v18 =	vpsel p1, v41, v17;
	v20 =	vmax.f32 v61, v60  }
0xa4: {  	v29 =	vmin.f32 v19, v20;
	v19 =	vpsel p1, v32, v17;
	v17 =	vpsel p1, v28, v17  }
.Ltmp8:
0xa5: {  	v21 =	vmin.f32 v18, v30;
	v28 =	vmax.f32 v18, v30;
	v20 =	vmin.f32 v26, v22;
	(pc) =	sbr.rel .LBB2_10-.Ltmp8, $4  }
0xa6: {  	v18 =	vmin.f32 v27, v63;
	v26 =	vmax.f32 v26, v22;
	v27 =	vmax.f32 v27, v63  }
0xa7: {  	v30 =	vmin.f32 v25, v59;
	v32 =	vmin.f32 v61, v60;
	v23 =	vmin.f32 v54, v28  }
0xa8: {  	v28 =	vmax.f32 v54, v28;
	v22 =	vmin.f32 v31, v26;
	v26 =	vmax.f32 v31, v26  }
0xa9: {  	v19 =	vmin.f32 v19, v27;
	v24 =	vmin.f32 v24, v28;
	v31 =	vmin.f32 v17, v26;
	v17 =	vmovc v62  }
.LBB2_3:
0xaa: {  	v18 =	vimm.f32 $+Inf;
	v19 =	vimm.f32 $+Inf  }
0xab: {  	v21 =	vimm.f32 $+Inf;
	v23 =	vimm.f32 $+Inf;
	v24 =	vimm.f32 $+Inf  }
0xac: {  	v20 =	vimm.f32 $+Inf;
	v22 =	vimm.f32 $+Inf;
	v31 =	vimm.f32 $+Inf  }
0xad: {  	v30 =	vimm.f32 $+Inf;
	v32 =	vimm.f32 $+Inf;
	v29 =	vimm.f32 $+Inf  }
.LBB2_10:
0xae: {  	s0 =	sshll.u32 s1, $0x4  }
0xaf: {  	v25 =	vld [tilespmem:s0+$0x0]  }
0xb0: {  	v26 =	vld [tilespmem:s0+$0x800]  }
0xb1: {  	v27 =	vld [tilespmem:s0+$0x1000];
	_ =	sdelay $0x3  }
0xb2: {  	v28 =	vmul.f32 v25, v12;
	v33 =	vmul.f32 v26, v8  }
0xb3: {  	vm0 =	veq.s32 v0, $0x0;
	v34 =	vld [tilespmem:s0+$0x1800];
	v55 =	vmul.f32 v27, v5  }
0xb4: {  	v35 =	vmul.f32 v25, v14;
	v36 =	vmul.f32 v26, v11;
	v28 =	vadd.f32 v33, v28  }
0xb5: {  	vm13 =	veq.s32 v0, $0x1;
	v58 =	vmul.f32 v25, v9;
	v37 =	vmul.f32 v26, v10  }
0xb6: {  	v25 =	vmul.f32 v25, v15;
	v26 =	vmul.f32 v26, v16;
	v28 =	vadd.f32 v55, v28  }
0xb7: {  	v57 =	vmul.f32 v27, v6;
	v60 =	vmul.f32 v27, v7;
	v56 =	vadd.f32 v36, v35  }
0xb8: {  	v27 =	vmul.f32 v27, v13;
	v25 =	vadd.f32 v26, v25;
	v28 =	vadd.f32 v28, v34  }
0xb9: {  	vm14 =	veq.s32 v0, $0x2;
	vm15 =	veq.s32 v0, $0x3;
	v33 =	vadd.f32 v57, v56  }
0xba: {  	v36 =	vadd.f32 v37, v58;
	v25 =	vadd.f32 v27, v25;
	v59 =	vsel vm0, $0x7F800000, v28  }
0xbb: {  	v33 =	vadd.f32 v33, v34;
	v28 =	vmin.f32 v17, v59;
	v17 =	vmax.f32 v17, v59  }
0xbc: {  	v61 =	vadd.f32 v60, v36;
	v26 =	vmin.f32 v18, v17;
	v17 =	vmax.f32 v18, v17  }
0xbd: {  	v62 =	vadd.f32 v25, v34;
	v19 =	vmin.f32 v19, v17;
	v17 =	vsel vm13, $0x7F800000, v33  }
0xbe: {  	p1 =	sgt.u32 s1, $0x7E;
	v27 =	vadd.f32 v61, v34;
	v18 =	vmin.f32 v21, v17;
	v17 =	vmax.f32 v21, v17  }
.Ltmp9:
0xbf: {  	v33 =	vsel vm15, $0x7F800000, v62;
	v25 =	vmin.f32 v23, v17;
	v17 =	vmax.f32 v23, v17;
	(pc) =	sbr.rel @p1 .LBB2_18-.Ltmp9, $4  }
0xc0: {  	v63 =	vmax.f32 v30, v33;
	v23 =	vsel vm14, $0x7F800000, v27;
	v21 =	vmin.f32 v24, v17  }
0xc1: {  	v17 =	vmax.f32 v20, v23;
	v27 =	vmin.f32 v20, v23;
	v23 =	vmin.f32 v30, v33  }
0xc2: {  	v20 =	vmax.f32 v22, v17;
	v24 =	vmin.f32 v22, v17;
	v17 =	vmax.f32 v32, v63  }
0xc3: {  	v22 =	vmin.f32 v32, v63;
	v20 =	vmin.f32 v31, v20;
	v17 =	vmin.f32 v29, v17  }
0xc4: {  	p3 =	sne.s32 s29, $0x1  }
.Ltmp10:
0xc5: {  	_ = 	snop;
	(pc) =	sbr.rel @!p3 .LBB2_12-.Ltmp10, $3  }
0xc6: {  	_ =	sdelay $0x1  }
0xc7: {  	v31 =	vld [tilespmem:s28+$0x0]  }
0xc8: {  	v32 =	vld [tilespmem:s26+$0x0];
	s1 =	sadd.s32 $0xFFFFFFFF, s29;
	p2 =	por $0x0, $0x0  }
0xc9: {  	_ = 	snop  }
0xca: {  	v29 =	vld [tilespmem:s25+$0x0];
	_ =	sdelay $0x1  }
0xcb: {  	v30 =	vmul.f32 v31, v12;
	v33 =	vmul.f32 v31, v15  }
0xcc: {  	v35 =	vmul.f32 v31, v14;
	v34 =	vmul.f32 v32, v16  }
0xcd: {  	v36 =	vld [tilespmem:s24+$0x0];
	v31 =	vmul.f32 v31, v9;
	v37 =	vmul.f32 v32, v8  }
0xce: {  	v38 =	vmul.f32 v32, v11;
	v55 =	vmul.f32 v29, v13;
	v33 =	vadd.f32 v34, v33  }
0xcf: {  	v56 =	vmul.f32 v32, v10;
	v57 =	vmul.f32 v29, v5;
	v30 =	vadd.f32 v37, v30  }
0xd0: {  	v39 =	vmovc v25;
	v58 =	vmul.f32 v29, v6;
	v35 =	vadd.f32 v38, v35;
	v33 =	vadd.f32 v55, v33  }
0xd1: {  	p3 =	sne.s32 s1, $0x1;
	v42 =	vmovc v27;
	v29 =	vmul.f32 v29, v7;
	v31 =	vadd.f32 v56, v31;
	v59 =	vadd.f32 v57, v30  }
.Ltmp11:
0xd2: {  	v43 =	vmovc v26;
	v45 =	vmovc v25;
	v44 =	vmov v24;
	v60 =	vadd.f32 v58, v35;
	v30 =	vadd.f32 v33, v36;
	(pc) =	sbr.rel @!p3 .LBB2_14-.Ltmp11, $4  }
0xd3: {  	v46 =	vmovc v24;
	v40 =	vmovc v19;
	v41 =	vmov v21;
	v61 =	vadd.f32 v29, v31;
	v37 =	vmov v27  }
0xd4: {  	s19 =	sadd.s32 $0x10, s28;
	v38 =	vmovc v26;
	v62 =	vadd.f32 v59, v36;
	v50 =	vadd.f32 v60, v36;
	v29 =	vmax.f32 v23, v30  }
0xd5: {  	s20 =	sadd.s32 $0x10, s26;
	s21 =	sadd.s32 $0xFFFFFFFF, s1;
	v31 =	vld [tilespmem:s19+$0x0];
	v34 =	vmovc v23;
	v48 =	vadd.f32 v61, v36;
	v36 =	vmovc v20;
	v35 =	vmov v22;
	v63 =	vmax.f32 v22, v29  }
0xd6: {  	p2 =	por $0x1, $0x1;
	s1 =	smov.u32 s25;
	s18 =	smov.u32 s24;
	v32 =	vld [tilespmem:s20+$0x0];
	v47 =	vmin.f32 v28, v62;
	v49 =	vmax.f32 v28, v62;
	v33 =	vmovc v18;
	v17 =	vmin.f32 v17, v63  }
.LBB2_15:
0xd7: {  	p3 =	sne.s32 s21, $0x1;
	v28 =	vmax.f32 v33, v50;
	v33 =	vmin.f32 v33, v50;
	v37 =	vmin.f32 v37, v48;
	s1 =	sadd.s32 $0x10, s1  }
0xd8: {  	v38 =	vmin.f32 v38, v49;
	v48 =	vmax.f32 v42, v48;
	v50 =	vld [tilespmem:s1+$0x0];
	v39 =	vmin.f32 v39, v28;
	v42 =	vmovc v37  }
0xd9: {  	v49 =	vmax.f32 v43, v49;
	v28 =	vmax.f32 v45, v28;
	v44 =	vmin.f32 v44, v48;
	v43 =	vmovc v38  }
0xda: {  	v48 =	vmax.f32 v46, v48;
	v45 =	vmovc v39;
	v51 =	vmul.f32 v31, v12;
	v52 =	vmul.f32 v31, v14  }
0xdb: {  	s18 =	sadd.s32 $0x10, s18;
	v40 =	vmin.f32 v40, v49;
	v46 =	vmovc v44;
	v53 =	vmul.f32 v31, v15;
	v54 =	vmul.f32 v32, v16  }
0xdc: {  	v41 =	vmin.f32 v41, v28;
	v55 =	vmul.f32 v32, v8;
	v56 =	vmul.f32 v32, v11;
	v49 =	vld [tilespmem:s18+$0x0]  }
0xdd: {  	v28 =	vmul.f32 v31, v9;
	v31 =	vadd.f32 v54, v53;
	v53 =	vmul.f32 v50, v13  }
0xde: {  	v32 =	vmul.f32 v32, v10;
	v51 =	vadd.f32 v55, v51;
	v52 =	vadd.f32 v56, v52  }
0xdf: {  	v54 =	vmul.f32 v50, v5;
	v55 =	vmul.f32 v50, v6;
	v31 =	vadd.f32 v53, v31  }
0xe0: {  	v36 =	vmin.f32 v36, v48;
	v28 =	vadd.f32 v32, v28;
	v32 =	vmul.f32 v50, v7  }
.Ltmp12:
0xe1: {  	v48 =	vadd.f32 v54, v51;
	v31 =	vadd.f32 v31, v49;
	(pc) =	sbr.rel @p3 .LBB2_15-.Ltmp12, $4  }
0xe2: {  	v34 =	vmin.f32 v34, v30;
	v50 =	vadd.f32 v55, v52;
	v28 =	vadd.f32 v32, v28  }
0xe3: {  	s19 =	sadd.s32 $0x10, s19;
	v35 =	vmin.f32 v35, v29;
	v51 =	vadd.f32 v48, v49;
	v29 =	vmax.f32 v34, v31;
	v30 =	vmovc v31  }
0xe4: {  	s20 =	sadd.s32 $0x10, s20;
	v50 =	vadd.f32 v50, v49;
	v48 =	vadd.f32 v28, v49;
	v31 =	vld [tilespmem:s19+$0x0];
	v28 =	vmax.f32 v35, v29  }
0xe5: {  	s21 =	sadd.s32 $0xFFFFFFFF, s21;
	v49 =	vmax.f32 v47, v51;
	v47 =	vmin.f32 v47, v51;
	v32 =	vld [tilespmem:s20+$0x0];
	v17 =	vmin.f32 v17, v28  }
0xe6: {  	v28 =	vmov v47  }
.LBB2_17:
0xe7: {  	v47 =	vmin.f32 @p2 v33, v50;
	v33 =	vmax.f32 @p2 v33, v50;
	v37 =	vmin.f32 @p2 v37, v48  }
0xe8: {  	v38 =	vmin.f32 @p2 v38, v49;
	v42 =	vmax.f32 @p2 v42, v48;
	v39 =	vmin.f32 @p2 v39, v33  }
0xe9: {  	s1 =	sadd.s32 @p2 $0x10, s1;
	s2 =	smov.u32 s25;
	v37 =	vpsel p2, v37, v27;
	v27 =	vmax.f32 @p2 v43, v49;
	v33 =	vmax.f32 @p2 v45, v33  }
0xea: {  	s2 =	smov.u32 @p2 s1;
	v43 =	vmin.f32 @p2 v44, v42;
	v38 =	vpsel p2, v38, v26;
	v26 =	vmax.f32 @p2 v46, v42  }
0xeb: {  	v63 =	vpsel p2, v47, v18;
	v57 =	vld [tilespmem:s2+$0x0];
	v12 =	vmul.f32 v31, v12;
	v14 =	vmul.f32 v31, v14  }
0xec: {  	v39 =	vpsel p2, v39, v25;
	v15 =	vmul.f32 v31, v15;
	v9 =	vmul.f32 v31, v9  }
0xed: {  	v25 =	vmin.f32 @p2 v40, v27;
	v16 =	vmul.f32 v32, v16;
	v8 =	vmul.f32 v32, v8  }
0xee: {  	s1 =	sadd.s32 @p2 $0x10, s18;
	s2 =	smov.u32 s24;
	v58 =	vpsel p2, v43, v24;
	v11 =	vmul.f32 v32, v11;
	v10 =	vmul.f32 v32, v10  }
0xef: {  	v27 =	vmin.f32 @p2 v41, v33;
	s2 =	smov.u32 @p2 s1;
	v15 =	vadd.f32 v16, v15;
	v8 =	vadd.f32 v8, v12  }
0xf0: {  	v24 =	vld [tilespmem:s2+$0x0];
	v11 =	vadd.f32 v11, v14;
	v9 =	vadd.f32 v10, v9;
	v13 =	vmul.f32 v57, v13  }
0xf1: {  	v10 =	vmin.f32 @p2 v36, v26;
	v5 =	vmul.f32 v57, v5;
	v6 =	vmul.f32 v57, v6  }
0xf2: {  	v16 =	vpsel p2, v27, v21;
	v7 =	vmul.f32 v57, v7;
	v59 =	vadd.f32 v13, v15  }
0xf3: {  	v10 =	vpsel p2, v10, v20;
	v5 =	vadd.f32 v5, v8;
	v6 =	vadd.f32 v6, v11  }
0xf4: {  	v7 =	vadd.f32 v7, v9;
	v9 =	vmin.f32 @p2 v34, v30;
	v11 =	vmin.f32 @p2 v35, v29  }
0xf5: {  	v15 =	vpsel p2, v25, v19;
	v60 =	vadd.f32 v59, v24;
	v5 =	vadd.f32 v5, v24  }
0xf6: {  	v9 =	vpsel p2, v9, v23;
	v11 =	vpsel p2, v11, v22;
	v6 =	vadd.f32 v6, v24  }
0xf7: {  	v7 =	vadd.f32 v7, v24;
	v12 =	vmax.f32 v9, v60;
	v62 =	vmin.f32 v28, v5  }
0xf8: {  	v5 =	vmax.f32 v28, v5;
	v18 =	vmin.f32 v63, v6;
	v6 =	vmax.f32 v63, v6  }
0xf9: {  	v27 =	vmin.f32 v37, v7;
	v7 =	vmax.f32 v37, v7;
	v23 =	vmin.f32 v9, v60  }
0xfa: {  	v61 =	vmax.f32 v11, v12;
	v26 =	vmin.f32 v38, v5;
	v25 =	vmin.f32 v39, v6  }
0xfb: {  	v5 =	vmax.f32 v38, v5;
	v6 =	vmax.f32 v39, v6;
	v24 =	vmin.f32 v58, v7  }
0xfc: {  	v7 =	vmax.f32 v58, v7;
	v22 =	vmin.f32 v11, v12;
	v17 =	vmin.f32 v17, v61  }
0xfd: {  	v28 =	vmovc v62;
	v19 =	vmin.f32 v15, v5;
	v21 =	vmin.f32 v16, v6;
	v20 =	vmin.f32 v10, v7  }
.LBB2_18:
0xfe: {  	(v2sf) =	vpush v2, $0x4  }
0xff: {  	(v2sf) =	vpush v3, $0x4  }
0x100: {  	(v2sf) =	vpush v4, $0x4  }
0x101: {  	(v2sf) =	vpush v2, $0x5  }
0x102: {  	(v2sf) =	vpush v3, $0x5  }
0x103: {  	(v2sf) =	vpush v4, $0x5  }
0x104: {  	(v2sf) =	vpush v2, $0x6  }
0x105: {  	(v2sf) =	vpush v3, $0x6  }
0x106: {  	(v2sf) =	vpush v4, $0x6  }
0x107: {  	(v2sf) =	vpush v2, $0x7;
	_ =	sdelay $0x1  }
0x108: {  	(v2sf) =	vpush v3, $0x7  }
0x109: {  	(v2sf) =	vpush v4, $0x7;
	_ =	sdelay $0x2  }
0x10a: {  	s2 =	smul.u32 $0xC00, s31;
	s1 =	spop (v2sf)  }
0x10b: {  	s3 =	spop (v2sf);
	s4 =	smul.f32 $-2.000000000e+00, s1  }
0x10c: {  	s1 =	sshra.s32 s2, $0x2;
	s5 =	spop (v2sf);
	s2 =	smul.f32 $-2.000000000e+00, s3  }
0x10d: {  	s6 =	spop (v2sf);
	s5 =	smul.f32 $-2.000000000e+00, s5  }
0x10e: {  	[tilespmem:s1+$0x2000] =	vst v28;
	s18 =	spop (v2sf);
	s3 =	smul.f32 $-2.000000000e+00, s6  }
0x10f: {  	[tilespmem:s1+$0x2010] =	vst v26;
	s19 =	spop (v2sf);
	s18 =	smul.f32 $-2.000000000e+00, s18  }
0x110: {  	[tilespmem:s1+$0x2020] =	vst v19;
	s20 =	spop (v2sf);
	s19 =	smul.f32 $-2.000000000e+00, s19  }
0x111: {  	[tilespmem:s1+$0x2030] =	vst v18;
	s21 =	spop (v2sf);
	s20 =	smul.f32 $-2.000000000e+00, s20  }
0x112: {  	[tilespmem:s1+$0x2040] =	vst v25;
	s22 =	spop (v2sf);
	s21 =	smul.f32 $-2.000000000e+00, s21  }
0x113: {  	[tilespmem:s1+$0x2050] =	vst v21;
	s6 =	spop (v2sf);
	s22 =	smul.f32 $-2.000000000e+00, s22  }
0x114: {  	[tilespmem:s1+$0x2060] =	vst v27;
	v12 =	vmov s4;
	s4 =	smul.f32 $-2.000000000e+00, s6  }
.Ltmp13:
0x115: {  	[tilespmem:s1+$0x2070] =	vst v24;
	s8 =	spop (v2sf);
	(pc) =	sbr.rel @p0 .LBB2_19-.Ltmp13, $4  }
0x116: {  	[tilespmem:s1+$0x20B0] =	vst v17;
	v17 =	vimm.f32 $+Inf;
	v8 =	vmov s2;
	v5 =	vmov s5;
	s6 =	spop (v2sf);
	s8 =	smul.f32 $-2.000000000e+00, s8  }
0x117: {  	[tilespmem:s1+$0x2080] =	vst v20;
	v14 =	vmov s3;
	v11 =	vmov s18;
	v9 =	vmov s20;
	s20 =	smul.f32 $-2.000000000e+00, s6  }
0x118: {  	[tilespmem:s1+$0x2090] =	vst v23;
	v6 =	vmov s19;
	v10 =	vmov s21;
	v7 =	vmov s22  }
0x119: {  	[tilespmem:s1+$0x20A0] =	vst v22;
	v15 =	vmov s4;
	v16 =	vmov s8;
	v13 =	vmov s20  }
0x11a: {  	p3 =	sne.s32 s30, $0x1  }
.Ltmp14:
0x11b: {  	_ = 	snop;
	(pc) =	sbr.rel @!p3 .LBB2_21-.Ltmp14, $4  }
0x11c: {  	_ = 	snop  }
0x11d: {  	s2 =	simm.s32 $0x0  }
0x11e: {  	s3 =	simm.s32 $0x800;
	s19 =	simm.s32 $0x1000;
	v22 =	vld [tilespmem:s2+$0x0]  }
0x11f: {  	s18 =	simm.s32 $0x1800;
	p2 =	por $0x0, $0x0;
	v23 =	vld [tilespmem:s3+$0x0];
	s3 =	sadd.s32 $0xFFFFFFFF, s30  }
0x120: {  	_ = 	snop  }
0x121: {  	v18 =	vld [tilespmem:s19+$0x0];
	v29 =	vimm.f32 $+Inf  }
0x122: {  	v34 =	vimm.f32 $+Inf;
	v35 =	vimm.f32 $+Inf;
	v36 =	vimm.f32 $+Inf  }
0x123: {  	v31 =	vimm.f32 $+Inf;
	v37 =	vimm.f32 $+Inf;
	v19 =	vmul.f32 v22, v12  }
0x124: {  	v32 =	vimm.f32 $+Inf;
	v20 =	vmul.f32 v22, v15;
	v21 =	vmul.f32 v23, v16  }
0x125: {  	v25 =	vld [tilespmem:s18+$0x0];
	v30 =	vimm.f32 $+Inf;
	v24 =	vmul.f32 v22, v14;
	v26 =	vmul.f32 v23, v8  }
0x126: {  	v27 =	vmul.f32 v23, v11;
	v20 =	vadd.f32 v21, v20;
	v21 =	vmul.f32 v18, v13  }
0x127: {  	v22 =	vmul.f32 v22, v9;
	v23 =	vmul.f32 v23, v10;
	v19 =	vadd.f32 v26, v19  }
0x128: {  	v24 =	vadd.f32 v27, v24;
	v26 =	vmul.f32 v18, v5;
	v20 =	vadd.f32 v21, v20  }
0x129: {  	v27 =	vmul.f32 v18, v6;
	v22 =	vadd.f32 v23, v22;
	v18 =	vmul.f32 v18, v7  }
0x12a: {  	p3 =	sne.s32 s3, $0x1;
	v28 =	vimm.f32 $+Inf;
	v19 =	vadd.f32 v26, v19;
	v21 =	vadd.f32 v20, v25  }
.Ltmp15:
0x12b: {  	v33 =	vimm.f32 $+Inf;
	v23 =	vadd.f32 v27, v24;
	v18 =	vadd.f32 v18, v22;
	(pc) =	sbr.rel @!p3 .LBB2_23-.Ltmp15, $4  }
0x12c: {  	v24 =	vimm.f32 $+Inf;
	v19 =	vadd.f32 v19, v25;
	v20 =	vmax.f32 v17, v21  }
0x12d: {  	s22 =	simm.s32 $0x10;
	v40 =	vadd.f32 v23, v25;
	v38 =	vadd.f32 v18, v25;
	v22 =	vmax.f32 v17, v20  }
0x12e: {  	s2 =	simm.s32 $0x810;
	s3 =	sadd.s32 $0xFFFFFFFF, s3;
	v18 =	vmin.f32 v17, v19;
	v39 =	vmax.f32 v17, v19;
	v19 =	vmin.f32 v17, v22;
	v22 =	vld [tilespmem:s22+$0x0]  }
0x12f: {  	p2 =	por $0x1, $0x1;
	s21 =	simm.s32 $0x1000;
	s20 =	simm.s32 $0x1800;
	v26 =	vimm.f32 $+Inf;
	v27 =	vimm.f32 $+Inf;
	v23 =	vld [tilespmem:s2+$0x0];
	v25 =	vimm.f32 $+Inf  }
.LBB2_24:
0x130: {  	p3 =	sne.s32 s3, $0x1;
	v41 =	vmax.f32 v24, v40;
	v24 =	vmin.f32 v24, v40;
	v26 =	vmin.f32 v26, v38;
	s21 =	sadd.s32 $0x10, s21  }
0x131: {  	v27 =	vmin.f32 v27, v39;
	v38 =	vmax.f32 v34, v38;
	v40 =	vld [tilespmem:s21+$0x0];
	v29 =	vmin.f32 v29, v41;
	v34 =	vmovc v26  }
0x132: {  	v39 =	vmax.f32 v35, v39;
	v41 =	vmax.f32 v36, v41;
	v31 =	vmin.f32 v31, v38;
	v35 =	vmovc v27  }
0x133: {  	v38 =	vmax.f32 v37, v38;
	v36 =	vmovc v29;
	v42 =	vmul.f32 v22, v12;
	v43 =	vmul.f32 v22, v14  }
0x134: {  	s20 =	sadd.s32 $0x10, s20;
	v32 =	vmin.f32 v32, v39;
	v37 =	vmovc v31;
	v44 =	vmul.f32 v22, v15;
	v45 =	vmul.f32 v23, v16  }
0x135: {  	v30 =	vmin.f32 v30, v41;
	v46 =	vmul.f32 v23, v8;
	v47 =	vmul.f32 v23, v11;
	v39 =	vld [tilespmem:s20+$0x0]  }
0x136: {  	v22 =	vmul.f32 v22, v9;
	v41 =	vadd.f32 v45, v44;
	v44 =	vmul.f32 v40, v13  }
0x137: {  	v23 =	vmul.f32 v23, v10;
	v42 =	vadd.f32 v46, v42;
	v43 =	vadd.f32 v47, v43  }
0x138: {  	v45 =	vmul.f32 v40, v5;
	v46 =	vmul.f32 v40, v6;
	v41 =	vadd.f32 v44, v41  }
0x139: {  	v28 =	vmin.f32 v28, v38;
	v22 =	vadd.f32 v23, v22;
	v23 =	vmul.f32 v40, v7  }
.Ltmp16:
0x13a: {  	v38 =	vadd.f32 v45, v42;
	v40 =	vadd.f32 v41, v39;
	(pc) =	sbr.rel @p3 .LBB2_24-.Ltmp16, $4  }
0x13b: {  	v25 =	vmin.f32 v25, v21;
	v23 =	vadd.f32 v23, v22;
	v41 =	vadd.f32 v46, v43  }
0x13c: {  	s22 =	sadd.s32 $0x10, s22;
	v33 =	vmin.f32 v33, v20;
	v42 =	vadd.f32 v38, v39;
	v20 =	vmax.f32 v25, v40;
	v21 =	vmovc v40  }
0x13d: {  	s2 =	sadd.s32 $0x10, s2;
	v38 =	vadd.f32 v23, v39;
	v40 =	vadd.f32 v41, v39;
	v22 =	vld [tilespmem:s22+$0x0];
	v41 =	vmax.f32 v33, v20  }
0x13e: {  	s3 =	sadd.s32 $0xFFFFFFFF, s3;
	v39 =	vmax.f32 v18, v42;
	v18 =	vmin.f32 v18, v42;
	v23 =	vld [tilespmem:s2+$0x0];
	v19 =	vmin.f32 v19, v41  }
.LBB2_25:
0x13f: {  	v41 =	vmin.f32 @p2 v24, v40;
	v24 =	vmax.f32 @p2 v24, v40;
	v26 =	vmin.f32 @p2 v26, v38  }
0x140: {  	s2 =	sadd.s32 @p2 $0x10, s21;
	v27 =	vmin.f32 @p2 v27, v39;
	v34 =	vmax.f32 @p2 v34, v38;
	v35 =	vmax.f32 @p2 v35, v39  }
0x141: {  	v21 =	vmin.f32 @p2 v25, v21;
	v20 =	vmin.f32 @p2 v33, v20;
	s19 =	smov.u32 @p2 s2;
	v29 =	vmin.f32 @p2 v29, v24  }
0x142: {  	v26 =	vpsel p2, v26, v17;
	v24 =	vmax.f32 @p2 v36, v24;
	v31 =	vmin.f32 @p2 v31, v34;
	v51 =	vld [tilespmem:s19+$0x0]  }
0x143: {  	v27 =	vpsel p2, v27, v17;
	v34 =	vmax.f32 @p2 v37, v34;
	v52 =	vmul.f32 v22, v12  }
0x144: {  	s2 =	sadd.s32 @p2 $0x10, s20;
	v54 =	vpsel p2, v29, v17;
	v53 =	vmul.f32 v22, v14;
	v29 =	vmul.f32 v22, v15  }
0x145: {  	v32 =	vmin.f32 @p2 v32, v35;
	s18 =	smov.u32 @p2 s2;
	v22 =	vmul.f32 v22, v9;
	v55 =	vmul.f32 v23, v16  }
0x146: {  	v24 =	vmin.f32 @p2 v30, v24;
	v56 =	vld [tilespmem:s18+$0x0];
	v42 =	vmul.f32 v23, v8;
	v43 =	vmul.f32 v23, v11  }
0x147: {  	v23 =	vmul.f32 v23, v10;
	v29 =	vadd.f32 v55, v29;
	v30 =	vmul.f32 v51, v13  }
0x148: {  	v25 =	vpsel p2, v21, v17;
	v36 =	vadd.f32 v42, v52;
	v57 =	vmul.f32 v51, v5  }
0x149: {  	v22 =	vadd.f32 v23, v22;
	v23 =	vmul.f32 v51, v7;
	v29 =	vadd.f32 v30, v29  }
0x14a: {  	v39 =	vadd.f32 v43, v53;
	v30 =	vmul.f32 v51, v6;
	v58 =	vadd.f32 v57, v36  }
0x14b: {  	v61 =	vpsel p2, v20, v17;
	v22 =	vadd.f32 v23, v22;
	v59 =	vadd.f32 v29, v56  }
0x14c: {  	v31 =	vpsel p2, v31, v17;
	v29 =	vadd.f32 v30, v39;
	v23 =	vadd.f32 v58, v56  }
0x14d: {  	v28 =	vmin.f32 @p2 v28, v34;
	v24 =	vpsel p2, v24, v17;
	v22 =	vadd.f32 v22, v56  }
0x14e: {  	v60 =	vmax.f32 v25, v59;
	v30 =	vadd.f32 v29, v56;
	v62 =	vmin.f32 v18, v23  }
0x14f: {  	v63 =	vmax.f32 v18, v23;
	v18 =	vpsel p2, v41, v17;
	v20 =	vmax.f32 v61, v60  }
0x150: {  	v29 =	vmin.f32 v19, v20;
	v19 =	vpsel p2, v32, v17;
	v17 =	vpsel p2, v28, v17  }
.Ltmp17:
0x151: {  	v21 =	vmin.f32 v18, v30;
	v28 =	vmax.f32 v18, v30;
	v20 =	vmin.f32 v26, v22;
	(pc) =	sbr.rel .LBB2_26-.Ltmp17, $4  }
0x152: {  	v18 =	vmin.f32 v27, v63;
	v26 =	vmax.f32 v26, v22;
	v27 =	vmax.f32 v27, v63  }
0x153: {  	v32 =	vmin.f32 v61, v60;
	v23 =	vmin.f32 v54, v28;
	v28 =	vmax.f32 v54, v28  }
0x154: {  	v22 =	vmin.f32 v31, v26;
	v26 =	vmax.f32 v31, v26;
	v19 =	vmin.f32 v19, v27  }
0x155: {  	v31 =	vmin.f32 v25, v59;
	v24 =	vmin.f32 v24, v28;
	v30 =	vmin.f32 v17, v26;
	v17 =	vmovc v62  }
.LBB2_19:
0x156: {  	v18 =	vimm.f32 $+Inf;
	v19 =	vimm.f32 $+Inf  }
0x157: {  	v21 =	vimm.f32 $+Inf;
	v23 =	vimm.f32 $+Inf;
	v24 =	vimm.f32 $+Inf  }
0x158: {  	v20 =	vimm.f32 $+Inf;
	v22 =	vimm.f32 $+Inf;
	v30 =	vimm.f32 $+Inf  }
0x159: {  	v31 =	vimm.f32 $+Inf;
	v32 =	vimm.f32 $+Inf;
	v29 =	vimm.f32 $+Inf  }
.LBB2_26:
0x15a: {  	v25 =	vld [tilespmem:s0+$0x0]  }
0x15b: {  	v26 =	vld [tilespmem:s0+$0x800]  }
0x15c: {  	v27 =	vld [tilespmem:s0+$0x1000];
	_ =	sdelay $0x3  }
0x15d: {  	v28 =	vmul.f32 v25, v12;
	v33 =	vmul.f32 v26, v8  }
0x15e: {  	v34 =	vld [tilespmem:s0+$0x1800];
	vm0 =	veq.s32 v0, $0x4;
	v55 =	vmul.f32 v27, v5  }
0x15f: {  	v35 =	vmul.f32 v25, v14;
	v36 =	vmul.f32 v26, v11;
	v28 =	vadd.f32 v33, v28  }
0x160: {  	vm13 =	veq.s32 v0, $0x5;
	v58 =	vmul.f32 v25, v9;
	v37 =	vmul.f32 v26, v10  }
0x161: {  	v25 =	vmul.f32 v25, v15;
	v26 =	vmul.f32 v26, v16;
	v28 =	vadd.f32 v55, v28  }
0x162: {  	v57 =	vmul.f32 v27, v6;
	v60 =	vmul.f32 v27, v7;
	v56 =	vadd.f32 v36, v35  }
0x163: {  	v27 =	vmul.f32 v27, v13;
	v25 =	vadd.f32 v26, v25;
	v28 =	vadd.f32 v28, v34  }
0x164: {  	vm14 =	veq.s32 v0, $0x6;
	vm15 =	veq.s32 v0, $0x7;
	v33 =	vadd.f32 v57, v56  }
0x165: {  	v36 =	vadd.f32 v37, v58;
	v25 =	vadd.f32 v27, v25;
	v59 =	vsel vm0, $0x7F800000, v28  }
0x166: {  	v33 =	vadd.f32 v33, v34;
	v28 =	vmin.f32 v17, v59;
	v17 =	vmax.f32 v17, v59  }
0x167: {  	v61 =	vadd.f32 v60, v36;
	v26 =	vmin.f32 v18, v17;
	v17 =	vmax.f32 v18, v17  }
0x168: {  	v62 =	vadd.f32 v25, v34;
	v19 =	vmin.f32 v19, v17;
	v17 =	vsel vm13, $0x7F800000, v33  }
0x169: {  	v27 =	vadd.f32 v61, v34;
	v18 =	vmin.f32 v21, v17;
	v17 =	vmax.f32 v21, v17  }
.Ltmp18:
0x16a: {  	v33 =	vsel vm15, $0x7F800000, v62;
	v25 =	vmin.f32 v23, v17;
	v17 =	vmax.f32 v23, v17;
	(pc) =	sbr.rel @p1 .LBB2_34-.Ltmp18, $4  }
0x16b: {  	v63 =	vmax.f32 v31, v33;
	v23 =	vsel vm14, $0x7F800000, v27;
	v21 =	vmin.f32 v24, v17  }
0x16c: {  	v17 =	vmax.f32 v20, v23;
	v27 =	vmin.f32 v20, v23;
	v23 =	vmin.f32 v31, v33  }
0x16d: {  	v20 =	vmax.f32 v22, v17;
	v24 =	vmin.f32 v22, v17;
	v17 =	vmax.f32 v32, v63  }
0x16e: {  	v22 =	vmin.f32 v32, v63;
	v20 =	vmin.f32 v30, v20;
	v17 =	vmin.f32 v29, v17  }
0x16f: {  	p3 =	sne.s32 s29, $0x1  }
.Ltmp19:
0x170: {  	_ = 	snop;
	(pc) =	sbr.rel @!p3 .LBB2_28-.Ltmp19, $3  }
0x171: {  	_ =	sdelay $0x1  }
0x172: {  	v31 =	vld [tilespmem:s28+$0x0]  }
0x173: {  	v32 =	vld [tilespmem:s26+$0x0];
	s2 =	sadd.s32 $0xFFFFFFFF, s29;
	p2 =	por $0x0, $0x0  }
0x174: {  	_ = 	snop  }
0x175: {  	v29 =	vld [tilespmem:s25+$0x0];
	_ =	sdelay $0x1  }
0x176: {  	v30 =	vmul.f32 v31, v12;
	v33 =	vmul.f32 v31, v15  }
0x177: {  	v35 =	vmul.f32 v31, v14;
	v34 =	vmul.f32 v32, v16  }
0x178: {  	v36 =	vld [tilespmem:s24+$0x0];
	v31 =	vmul.f32 v31, v9;
	v37 =	vmul.f32 v32, v8  }
0x179: {  	v38 =	vmul.f32 v32, v11;
	v55 =	vmul.f32 v29, v13;
	v33 =	vadd.f32 v34, v33  }
0x17a: {  	v56 =	vmul.f32 v32, v10;
	v57 =	vmul.f32 v29, v5;
	v30 =	vadd.f32 v37, v30  }
0x17b: {  	v39 =	vmovc v25;
	v58 =	vmul.f32 v29, v6;
	v35 =	vadd.f32 v38, v35;
	v33 =	vadd.f32 v55, v33  }
0x17c: {  	p3 =	sne.s32 s2, $0x1;
	v42 =	vmovc v27;
	v29 =	vmul.f32 v29, v7;
	v31 =	vadd.f32 v56, v31;
	v59 =	vadd.f32 v57, v30  }
.Ltmp20:
0x17d: {  	v43 =	vmovc v26;
	v45 =	vmovc v25;
	v44 =	vmov v24;
	v60 =	vadd.f32 v58, v35;
	v30 =	vadd.f32 v33, v36;
	(pc) =	sbr.rel @!p3 .LBB2_30-.Ltmp20, $4  }
0x17e: {  	v46 =	vmovc v24;
	v40 =	vmovc v19;
	v41 =	vmov v21;
	v61 =	vadd.f32 v29, v31;
	v37 =	vmov v27  }
0x17f: {  	s20 =	sadd.s32 $0x10, s28;
	v38 =	vmovc v26;
	v62 =	vadd.f32 v59, v36;
	v50 =	vadd.f32 v60, v36;
	v29 =	vmax.f32 v23, v30  }
0x180: {  	s21 =	sadd.s32 $0x10, s26;
	s22 =	sadd.s32 $0xFFFFFFFF, s2;
	v31 =	vld [tilespmem:s20+$0x0];
	v34 =	vmovc v23;
	v48 =	vadd.f32 v61, v36;
	v36 =	vmovc v20;
	v35 =	vmov v22;
	v63 =	vmax.f32 v22, v29  }
0x181: {  	p2 =	por $0x1, $0x1;
	s18 =	smov.u32 s25;
	s19 =	smov.u32 s24;
	v32 =	vld [tilespmem:s21+$0x0];
	v47 =	vmin.f32 v28, v62;
	v49 =	vmax.f32 v28, v62;
	v33 =	vmovc v18;
	v17 =	vmin.f32 v17, v63  }
.LBB2_31:
0x182: {  	p3 =	sne.s32 s22, $0x1;
	v28 =	vmax.f32 v33, v50;
	v33 =	vmin.f32 v33, v50;
	v37 =	vmin.f32 v37, v48;
	s18 =	sadd.s32 $0x10, s18  }
0x183: {  	v38 =	vmin.f32 v38, v49;
	v48 =	vmax.f32 v42, v48;
	v50 =	vld [tilespmem:s18+$0x0];
	v39 =	vmin.f32 v39, v28;
	v42 =	vmovc v37  }
0x184: {  	v49 =	vmax.f32 v43, v49;
	v28 =	vmax.f32 v45, v28;
	v44 =	vmin.f32 v44, v48;
	v43 =	vmovc v38  }
0x185: {  	v48 =	vmax.f32 v46, v48;
	v45 =	vmovc v39;
	v51 =	vmul.f32 v31, v12;
	v52 =	vmul.f32 v31, v14  }
0x186: {  	s19 =	sadd.s32 $0x10, s19;
	v40 =	vmin.f32 v40, v49;
	v46 =	vmovc v44;
	v53 =	vmul.f32 v31, v15;
	v54 =	vmul.f32 v32, v16  }
0x187: {  	v41 =	vmin.f32 v41, v28;
	v55 =	vmul.f32 v32, v8;
	v56 =	vmul.f32 v32, v11;
	v49 =	vld [tilespmem:s19+$0x0]  }
0x188: {  	v28 =	vmul.f32 v31, v9;
	v31 =	vadd.f32 v54, v53;
	v53 =	vmul.f32 v50, v13  }
0x189: {  	v32 =	vmul.f32 v32, v10;
	v51 =	vadd.f32 v55, v51;
	v52 =	vadd.f32 v56, v52  }
0x18a: {  	v54 =	vmul.f32 v50, v5;
	v55 =	vmul.f32 v50, v6;
	v31 =	vadd.f32 v53, v31  }
0x18b: {  	v36 =	vmin.f32 v36, v48;
	v28 =	vadd.f32 v32, v28;
	v32 =	vmul.f32 v50, v7  }
.Ltmp21:
0x18c: {  	v48 =	vadd.f32 v54, v51;
	v31 =	vadd.f32 v31, v49;
	(pc) =	sbr.rel @p3 .LBB2_31-.Ltmp21, $4  }
0x18d: {  	v34 =	vmin.f32 v34, v30;
	v50 =	vadd.f32 v55, v52;
	v28 =	vadd.f32 v32, v28  }
0x18e: {  	s20 =	sadd.s32 $0x10, s20;
	v35 =	vmin.f32 v35, v29;
	v51 =	vadd.f32 v48, v49;
	v29 =	vmax.f32 v34, v31;
	v30 =	vmovc v31  }
0x18f: {  	s21 =	sadd.s32 $0x10, s21;
	v50 =	vadd.f32 v50, v49;
	v48 =	vadd.f32 v28, v49;
	v31 =	vld [tilespmem:s20+$0x0];
	v28 =	vmax.f32 v35, v29  }
0x190: {  	s22 =	sadd.s32 $0xFFFFFFFF, s22;
	v49 =	vmax.f32 v47, v51;
	v47 =	vmin.f32 v47, v51;
	v32 =	vld [tilespmem:s21+$0x0];
	v17 =	vmin.f32 v17, v28  }
0x191: {  	v28 =	vmov v47  }
.LBB2_33:
0x192: {  	v47 =	vmin.f32 @p2 v33, v50;
	v33 =	vmax.f32 @p2 v33, v50;
	v37 =	vmin.f32 @p2 v37, v48  }
0x193: {  	v38 =	vmin.f32 @p2 v38, v49;
	v42 =	vmax.f32 @p2 v42, v48;
	v39 =	vmin.f32 @p2 v39, v33  }
0x194: {  	s2 =	sadd.s32 @p2 $0x10, s18;
	s3 =	smov.u32 s25;
	v37 =	vpsel p2, v37, v27;
	v27 =	vmax.f32 @p2 v43, v49;
	v33 =	vmax.f32 @p2 v45, v33  }
0x195: {  	s3 =	smov.u32 @p2 s2;
	v43 =	vmin.f32 @p2 v44, v42;
	v38 =	vpsel p2, v38, v26;
	v26 =	vmax.f32 @p2 v46, v42  }
0x196: {  	v63 =	vpsel p2, v47, v18;
	v57 =	vld [tilespmem:s3+$0x0];
	v12 =	vmul.f32 v31, v12;
	v14 =	vmul.f32 v31, v14  }
0x197: {  	v39 =	vpsel p2, v39, v25;
	v15 =	vmul.f32 v31, v15;
	v9 =	vmul.f32 v31, v9  }
0x198: {  	v25 =	vmin.f32 @p2 v40, v27;
	v16 =	vmul.f32 v32, v16;
	v8 =	vmul.f32 v32, v8  }
0x199: {  	s2 =	sadd.s32 @p2 $0x10, s19;
	s3 =	smov.u32 s24;
	v58 =	vpsel p2, v43, v24;
	v11 =	vmul.f32 v32, v11;
	v10 =	vmul.f32 v32, v10  }
0x19a: {  	v27 =	vmin.f32 @p2 v41, v33;
	s3 =	smov.u32 @p2 s2;
	v15 =	vadd.f32 v16, v15;
	v8 =	vadd.f32 v8, v12  }
0x19b: {  	v24 =	vld [tilespmem:s3+$0x0];
	v11 =	vadd.f32 v11, v14;
	v9 =	vadd.f32 v10, v9;
	v13 =	vmul.f32 v57, v13  }
0x19c: {  	v10 =	vmin.f32 @p2 v36, v26;
	v5 =	vmul.f32 v57, v5;
	v6 =	vmul.f32 v57, v6  }
0x19d: {  	v16 =	vpsel p2, v27, v21;
	v7 =	vmul.f32 v57, v7;
	v59 =	vadd.f32 v13, v15  }
0x19e: {  	v10 =	vpsel p2, v10, v20;
	v5 =	vadd.f32 v5, v8;
	v6 =	vadd.f32 v6, v11  }
0x19f: {  	v7 =	vadd.f32 v7, v9;
	v9 =	vmin.f32 @p2 v34, v30;
	v11 =	vmin.f32 @p2 v35, v29  }
0x1a0: {  	v15 =	vpsel p2, v25, v19;
	v60 =	vadd.f32 v59, v24;
	v5 =	vadd.f32 v5, v24  }
0x1a1: {  	v9 =	vpsel p2, v9, v23;
	v11 =	vpsel p2, v11, v22;
	v6 =	vadd.f32 v6, v24  }
0x1a2: {  	v7 =	vadd.f32 v7, v24;
	v12 =	vmax.f32 v9, v60;
	v62 =	vmin.f32 v28, v5  }
0x1a3: {  	v5 =	vmax.f32 v28, v5;
	v18 =	vmin.f32 v63, v6;
	v6 =	vmax.f32 v63, v6  }
0x1a4: {  	v27 =	vmin.f32 v37, v7;
	v7 =	vmax.f32 v37, v7;
	v23 =	vmin.f32 v9, v60  }
0x1a5: {  	v61 =	vmax.f32 v11, v12;
	v26 =	vmin.f32 v38, v5;
	v25 =	vmin.f32 v39, v6  }
0x1a6: {  	v5 =	vmax.f32 v38, v5;
	v6 =	vmax.f32 v39, v6;
	v24 =	vmin.f32 v58, v7  }
0x1a7: {  	v7 =	vmax.f32 v58, v7;
	v22 =	vmin.f32 v11, v12;
	v17 =	vmin.f32 v17, v61  }
0x1a8: {  	v28 =	vmovc v62;
	v19 =	vmin.f32 v15, v5;
	v21 =	vmin.f32 v16, v6;
	v20 =	vmin.f32 v10, v7  }
.LBB2_34:
0x1a9: {  	(v2sf) =	vpush v2, $0x8  }
0x1aa: {  	(v2sf) =	vpush v3, $0x8  }
0x1ab: {  	(v2sf) =	vpush v4, $0x8  }
0x1ac: {  	(v2sf) =	vpush v2, $0x9  }
0x1ad: {  	(v2sf) =	vpush v3, $0x9  }
0x1ae: {  	(v2sf) =	vpush v4, $0x9  }
0x1af: {  	(v2sf) =	vpush v2, $0xA  }
0x1b0: {  	(v2sf) =	vpush v3, $0xA  }
0x1b1: {  	(v2sf) =	vpush v4, $0xA  }
0x1b2: {  	(v2sf) =	vpush v2, $0xB;
	_ =	sdelay $0x1  }
0x1b3: {  	(v2sf) =	vpush v3, $0xB  }
0x1b4: {  	(v2sf) =	vpush v4, $0xB;
	_ =	sdelay $0x2  }
0x1b5: {  	s2 =	spop (v2sf)  }
0x1b6: {  	s3 =	spop (v2sf);
	s2 =	smul.f32 $-2.000000000e+00, s2  }
0x1b7: {  	s4 =	spop (v2sf);
	s3 =	smul.f32 $-2.000000000e+00, s3  }
0x1b8: {  	s5 =	spop (v2sf);
	s4 =	smul.f32 $-2.000000000e+00, s4  }
0x1b9: {  	[tilespmem:s1+$0x20C0] =	vst v28;
	s6 =	spop (v2sf);
	s5 =	smul.f32 $-2.000000000e+00, s5  }
0x1ba: {  	[tilespmem:s1+$0x20D0] =	vst v26;
	s8 =	spop (v2sf);
	s6 =	smul.f32 $-2.000000000e+00, s6  }
0x1bb: {  	[tilespmem:s1+$0x20E0] =	vst v19;
	s18 =	spop (v2sf);
	s8 =	smul.f32 $-2.000000000e+00, s8  }
0x1bc: {  	[tilespmem:s1+$0x20F0] =	vst v18;
	s19 =	spop (v2sf);
	s18 =	smul.f32 $-2.000000000e+00, s18  }
0x1bd: {  	[tilespmem:s1+$0x2100] =	vst v25;
	s20 =	spop (v2sf);
	s19 =	smul.f32 $-2.000000000e+00, s19  }
0x1be: {  	[tilespmem:s1+$0x2110] =	vst v21;
	s21 =	spop (v2sf);
	s20 =	smul.f32 $-2.000000000e+00, s20  }
0x1bf: {  	[tilespmem:s1+$0x2120] =	vst v27;
	v12 =	vmov s2;
	s2 =	smul.f32 $-2.000000000e+00, s21  }
.Ltmp22:
0x1c0: {  	[tilespmem:s1+$0x2130] =	vst v24;
	s22 =	spop (v2sf);
	(pc) =	sbr.rel @p0 .LBB2_35-.Ltmp22, $4  }
0x1c1: {  	[tilespmem:s1+$0x2170] =	vst v17;
	v17 =	vimm.f32 $+Inf;
	v8 =	vmov s3;
	v14 =	vmov s5;
	s21 =	spop (v2sf);
	s5 =	smul.f32 $-2.000000000e+00, s22  }
0x1c2: {  	[tilespmem:s1+$0x2140] =	vst v20;
	v5 =	vmov s4;
	v11 =	vmov s6;
	v6 =	vmov s8;
	s22 =	smul.f32 $-2.000000000e+00, s21  }
0x1c3: {  	[tilespmem:s1+$0x2150] =	vst v23;
	v9 =	vmov s18;
	v10 =	vmov s19;
	v7 =	vmov s20  }
0x1c4: {  	[tilespmem:s1+$0x2160] =	vst v22;
	v15 =	vmov s2;
	v16 =	vmov s5;
	v13 =	vmov s22  }
0x1c5: {  	p3 =	sne.s32 s30, $0x1  }
.Ltmp23:
0x1c6: {  	_ = 	snop;
	(pc) =	sbr.rel @!p3 .LBB2_37-.Ltmp23, $4  }
0x1c7: {  	_ = 	snop  }
0x1c8: {  	s2 =	simm.s32 $0x0  }
0x1c9: {  	s3 =	simm.s32 $0x800;
	s19 =	simm.s32 $0x1000;
	v22 =	vld [tilespmem:s2+$0x0]  }
0x1ca: {  	s18 =	simm.s32 $0x1800;
	p2 =	por $0x0, $0x0;
	v23 =	vld [tilespmem:s3+$0x0];
	s3 =	sadd.s32 $0xFFFFFFFF, s30  }
0x1cb: {  	_ = 	snop  }
0x1cc: {  	v18 =	vld [tilespmem:s19+$0x0];
	v29 =	vimm.f32 $+Inf  }
0x1cd: {  	v34 =	vimm.f32 $+Inf;
	v35 =	vimm.f32 $+Inf;
	v36 =	vimm.f32 $+Inf  }
0x1ce: {  	v31 =	vimm.f32 $+Inf;
	v37 =	vimm.f32 $+Inf;
	v19 =	vmul.f32 v22, v12  }
0x1cf: {  	v32 =	vimm.f32 $+Inf;
	v20 =	vmul.f32 v22, v15;
	v21 =	vmul.f32 v23, v16  }
0x1d0: {  	v25 =	vld [tilespmem:s18+$0x0];
	v30 =	vimm.f32 $+Inf;
	v24 =	vmul.f32 v22, v14;
	v26 =	vmul.f32 v23, v8  }
0x1d1: {  	v27 =	vmul.f32 v23, v11;
	v20 =	vadd.f32 v21, v20;
	v21 =	vmul.f32 v18, v13  }
0x1d2: {  	v22 =	vmul.f32 v22, v9;
	v23 =	vmul.f32 v23, v10;
	v19 =	vadd.f32 v26, v19  }
0x1d3: {  	v24 =	vadd.f32 v27, v24;
	v26 =	vmul.f32 v18, v5;
	v20 =	vadd.f32 v21, v20  }
0x1d4: {  	v27 =	vmul.f32 v18, v6;
	v22 =	vadd.f32 v23, v22;
	v18 =	vmul.f32 v18, v7  }
0x1d5: {  	p3 =	sne.s32 s3, $0x1;
	v28 =	vimm.f32 $+Inf;
	v19 =	vadd.f32 v26, v19;
	v21 =	vadd.f32 v20, v25  }
.Ltmp24:
0x1d6: {  	v33 =	vimm.f32 $+Inf;
	v23 =	vadd.f32 v27, v24;
	v18 =	vadd.f32 v18, v22;
	(pc) =	sbr.rel @!p3 .LBB2_39-.Ltmp24, $4  }
0x1d7: {  	v24 =	vimm.f32 $+Inf;
	v19 =	vadd.f32 v19, v25;
	v20 =	vmax.f32 v17, v21  }
0x1d8: {  	s22 =	simm.s32 $0x10;
	v40 =	vadd.f32 v23, v25;
	v38 =	vadd.f32 v18, v25;
	v22 =	vmax.f32 v17, v20  }
0x1d9: {  	s2 =	simm.s32 $0x810;
	s3 =	sadd.s32 $0xFFFFFFFF, s3;
	v18 =	vmin.f32 v17, v19;
	v39 =	vmax.f32 v17, v19;
	v19 =	vmin.f32 v17, v22;
	v22 =	vld [tilespmem:s22+$0x0]  }
0x1da: {  	p2 =	por $0x1, $0x1;
	s21 =	simm.s32 $0x1000;
	s20 =	simm.s32 $0x1800;
	v26 =	vimm.f32 $+Inf;
	v27 =	vimm.f32 $+Inf;
	v23 =	vld [tilespmem:s2+$0x0];
	v25 =	vimm.f32 $+Inf  }
.LBB2_40:
0x1db: {  	p3 =	sne.s32 s3, $0x1;
	v41 =	vmax.f32 v24, v40;
	v24 =	vmin.f32 v24, v40;
	v26 =	vmin.f32 v26, v38;
	s21 =	sadd.s32 $0x10, s21  }
0x1dc: {  	v27 =	vmin.f32 v27, v39;
	v38 =	vmax.f32 v34, v38;
	v40 =	vld [tilespmem:s21+$0x0];
	v29 =	vmin.f32 v29, v41;
	v34 =	vmovc v26  }
0x1dd: {  	v39 =	vmax.f32 v35, v39;
	v41 =	vmax.f32 v36, v41;
	v31 =	vmin.f32 v31, v38;
	v35 =	vmovc v27  }
0x1de: {  	v38 =	vmax.f32 v37, v38;
	v36 =	vmovc v29;
	v42 =	vmul.f32 v22, v12;
	v43 =	vmul.f32 v22, v14  }
0x1df: {  	s20 =	sadd.s32 $0x10, s20;
	v32 =	vmin.f32 v32, v39;
	v37 =	vmovc v31;
	v44 =	vmul.f32 v22, v15;
	v45 =	vmul.f32 v23, v16  }
0x1e0: {  	v30 =	vmin.f32 v30, v41;
	v46 =	vmul.f32 v23, v8;
	v47 =	vmul.f32 v23, v11;
	v39 =	vld [tilespmem:s20+$0x0]  }
0x1e1: {  	v22 =	vmul.f32 v22, v9;
	v41 =	vadd.f32 v45, v44;
	v44 =	vmul.f32 v40, v13  }
0x1e2: {  	v23 =	vmul.f32 v23, v10;
	v42 =	vadd.f32 v46, v42;
	v43 =	vadd.f32 v47, v43  }
0x1e3: {  	v45 =	vmul.f32 v40, v5;
	v46 =	vmul.f32 v40, v6;
	v41 =	vadd.f32 v44, v41  }
0x1e4: {  	v28 =	vmin.f32 v28, v38;
	v22 =	vadd.f32 v23, v22;
	v23 =	vmul.f32 v40, v7  }
.Ltmp25:
0x1e5: {  	v38 =	vadd.f32 v45, v42;
	v40 =	vadd.f32 v41, v39;
	(pc) =	sbr.rel @p3 .LBB2_40-.Ltmp25, $4  }
0x1e6: {  	v25 =	vmin.f32 v25, v21;
	v23 =	vadd.f32 v23, v22;
	v41 =	vadd.f32 v46, v43  }
0x1e7: {  	s22 =	sadd.s32 $0x10, s22;
	v33 =	vmin.f32 v33, v20;
	v42 =	vadd.f32 v38, v39;
	v20 =	vmax.f32 v25, v40;
	v21 =	vmovc v40  }
0x1e8: {  	s2 =	sadd.s32 $0x10, s2;
	v38 =	vadd.f32 v23, v39;
	v40 =	vadd.f32 v41, v39;
	v22 =	vld [tilespmem:s22+$0x0];
	v41 =	vmax.f32 v33, v20  }
0x1e9: {  	s3 =	sadd.s32 $0xFFFFFFFF, s3;
	v39 =	vmax.f32 v18, v42;
	v18 =	vmin.f32 v18, v42;
	v23 =	vld [tilespmem:s2+$0x0];
	v19 =	vmin.f32 v19, v41  }
.LBB2_41:
0x1ea: {  	v41 =	vmin.f32 @p2 v24, v40;
	v24 =	vmax.f32 @p2 v24, v40;
	v26 =	vmin.f32 @p2 v26, v38  }
0x1eb: {  	s2 =	sadd.s32 @p2 $0x10, s21;
	v27 =	vmin.f32 @p2 v27, v39;
	v34 =	vmax.f32 @p2 v34, v38;
	v35 =	vmax.f32 @p2 v35, v39  }
0x1ec: {  	v21 =	vmin.f32 @p2 v25, v21;
	v20 =	vmin.f32 @p2 v33, v20;
	s19 =	smov.u32 @p2 s2;
	v29 =	vmin.f32 @p2 v29, v24  }
0x1ed: {  	v26 =	vpsel p2, v26, v17;
	v24 =	vmax.f32 @p2 v36, v24;
	v31 =	vmin.f32 @p2 v31, v34;
	v51 =	vld [tilespmem:s19+$0x0]  }
0x1ee: {  	v27 =	vpsel p2, v27, v17;
	v34 =	vmax.f32 @p2 v37, v34;
	v52 =	vmul.f32 v22, v12  }
0x1ef: {  	s2 =	sadd.s32 @p2 $0x10, s20;
	v54 =	vpsel p2, v29, v17;
	v53 =	vmul.f32 v22, v14;
	v29 =	vmul.f32 v22, v15  }
0x1f0: {  	v32 =	vmin.f32 @p2 v32, v35;
	s18 =	smov.u32 @p2 s2;
	v22 =	vmul.f32 v22, v9;
	v55 =	vmul.f32 v23, v16  }
0x1f1: {  	v24 =	vmin.f32 @p2 v30, v24;
	v56 =	vld [tilespmem:s18+$0x0];
	v42 =	vmul.f32 v23, v8;
	v43 =	vmul.f32 v23, v11  }
0x1f2: {  	v23 =	vmul.f32 v23, v10;
	v29 =	vadd.f32 v55, v29;
	v30 =	vmul.f32 v51, v13  }
0x1f3: {  	v25 =	vpsel p2, v21, v17;
	v36 =	vadd.f32 v42, v52;
	v57 =	vmul.f32 v51, v5  }
0x1f4: {  	v22 =	vadd.f32 v23, v22;
	v23 =	vmul.f32 v51, v7;
	v29 =	vadd.f32 v30, v29  }
0x1f5: {  	v39 =	vadd.f32 v43, v53;
	v30 =	vmul.f32 v51, v6;
	v58 =	vadd.f32 v57, v36  }
0x1f6: {  	v61 =	vpsel p2, v20, v17;
	v22 =	vadd.f32 v23, v22;
	v59 =	vadd.f32 v29, v56  }
0x1f7: {  	v31 =	vpsel p2, v31, v17;
	v29 =	vadd.f32 v30, v39;
	v23 =	vadd.f32 v58, v56  }
0x1f8: {  	v28 =	vmin.f32 @p2 v28, v34;
	v24 =	vpsel p2, v24, v17;
	v22 =	vadd.f32 v22, v56  }
0x1f9: {  	v60 =	vmax.f32 v25, v59;
	v30 =	vadd.f32 v29, v56;
	v62 =	vmin.f32 v18, v23  }
0x1fa: {  	v63 =	vmax.f32 v18, v23;
	v18 =	vpsel p2, v41, v17;
	v20 =	vmax.f32 v61, v60  }
0x1fb: {  	v29 =	vmin.f32 v19, v20;
	v19 =	vpsel p2, v32, v17;
	v17 =	vpsel p2, v28, v17  }
.Ltmp26:
0x1fc: {  	v21 =	vmin.f32 v18, v30;
	v28 =	vmax.f32 v18, v30;
	v20 =	vmin.f32 v26, v22;
	(pc) =	sbr.rel .LBB2_42-.Ltmp26, $4  }
0x1fd: {  	v18 =	vmin.f32 v27, v63;
	v26 =	vmax.f32 v26, v22;
	v27 =	vmax.f32 v27, v63  }
0x1fe: {  	v32 =	vmin.f32 v61, v60;
	v23 =	vmin.f32 v54, v28;
	v28 =	vmax.f32 v54, v28  }
0x1ff: {  	v22 =	vmin.f32 v31, v26;
	v26 =	vmax.f32 v31, v26;
	v19 =	vmin.f32 v19, v27  }
0x200: {  	v31 =	vmin.f32 v25, v59;
	v24 =	vmin.f32 v24, v28;
	v30 =	vmin.f32 v17, v26;
	v17 =	vmovc v62  }
.LBB2_35:
0x201: {  	v18 =	vimm.f32 $+Inf;
	v19 =	vimm.f32 $+Inf  }
0x202: {  	v21 =	vimm.f32 $+Inf;
	v23 =	vimm.f32 $+Inf;
	v24 =	vimm.f32 $+Inf  }
0x203: {  	v20 =	vimm.f32 $+Inf;
	v22 =	vimm.f32 $+Inf;
	v30 =	vimm.f32 $+Inf  }
0x204: {  	v31 =	vimm.f32 $+Inf;
	v32 =	vimm.f32 $+Inf;
	v29 =	vimm.f32 $+Inf  }
.LBB2_42:
0x205: {  	v25 =	vld [tilespmem:s0+$0x0]  }
0x206: {  	v26 =	vld [tilespmem:s0+$0x800]  }
0x207: {  	v27 =	vld [tilespmem:s0+$0x1000];
	_ =	sdelay $0x3  }
0x208: {  	v28 =	vmul.f32 v25, v12;
	v33 =	vmul.f32 v26, v8  }
0x209: {  	v34 =	vld [tilespmem:s0+$0x1800];
	vm0 =	veq.s32 v0, $0x8;
	v55 =	vmul.f32 v27, v5  }
0x20a: {  	v35 =	vmul.f32 v25, v14;
	v36 =	vmul.f32 v26, v11;
	v28 =	vadd.f32 v33, v28  }
0x20b: {  	vm13 =	veq.s32 v0, $0x9;
	v58 =	vmul.f32 v25, v9;
	v37 =	vmul.f32 v26, v10  }
0x20c: {  	v25 =	vmul.f32 v25, v15;
	v26 =	vmul.f32 v26, v16;
	v28 =	vadd.f32 v55, v28  }
0x20d: {  	v57 =	vmul.f32 v27, v6;
	v60 =	vmul.f32 v27, v7;
	v56 =	vadd.f32 v36, v35  }
0x20e: {  	v27 =	vmul.f32 v27, v13;
	v25 =	vadd.f32 v26, v25;
	v28 =	vadd.f32 v28, v34  }
0x20f: {  	vm14 =	veq.s32 v0, $0xA;
	vm15 =	veq.s32 v0, $0xB;
	v33 =	vadd.f32 v57, v56  }
0x210: {  	v36 =	vadd.f32 v37, v58;
	v25 =	vadd.f32 v27, v25;
	v59 =	vsel vm0, $0x7F800000, v28  }
0x211: {  	v33 =	vadd.f32 v33, v34;
	v28 =	vmin.f32 v17, v59;
	v17 =	vmax.f32 v17, v59  }
0x212: {  	v61 =	vadd.f32 v60, v36;
	v26 =	vmin.f32 v18, v17;
	v17 =	vmax.f32 v18, v17  }
0x213: {  	v62 =	vadd.f32 v25, v34;
	v19 =	vmin.f32 v19, v17;
	v17 =	vsel vm13, $0x7F800000, v33  }
0x214: {  	v27 =	vadd.f32 v61, v34;
	v18 =	vmin.f32 v21, v17;
	v17 =	vmax.f32 v21, v17  }
.Ltmp27:
0x215: {  	v33 =	vsel vm15, $0x7F800000, v62;
	v25 =	vmin.f32 v23, v17;
	v17 =	vmax.f32 v23, v17;
	(pc) =	sbr.rel @p1 .LBB2_50-.Ltmp27, $4  }
0x216: {  	v63 =	vmax.f32 v31, v33;
	v23 =	vsel vm14, $0x7F800000, v27;
	v21 =	vmin.f32 v24, v17  }
0x217: {  	v17 =	vmax.f32 v20, v23;
	v27 =	vmin.f32 v20, v23;
	v23 =	vmin.f32 v31, v33  }
0x218: {  	v20 =	vmax.f32 v22, v17;
	v24 =	vmin.f32 v22, v17;
	v17 =	vmax.f32 v32, v63  }
0x219: {  	v22 =	vmin.f32 v32, v63;
	v20 =	vmin.f32 v30, v20;
	v17 =	vmin.f32 v29, v17  }
0x21a: {  	p3 =	sne.s32 s29, $0x1  }
.Ltmp28:
0x21b: {  	_ = 	snop;
	(pc) =	sbr.rel @!p3 .LBB2_44-.Ltmp28, $3  }
0x21c: {  	_ =	sdelay $0x1  }
0x21d: {  	v31 =	vld [tilespmem:s28+$0x0]  }
0x21e: {  	v32 =	vld [tilespmem:s26+$0x0];
	s2 =	sadd.s32 $0xFFFFFFFF, s29;
	p2 =	por $0x0, $0x0  }
0x21f: {  	_ = 	snop  }
0x220: {  	v29 =	vld [tilespmem:s25+$0x0];
	_ =	sdelay $0x1  }
0x221: {  	v30 =	vmul.f32 v31, v12;
	v33 =	vmul.f32 v31, v15  }
0x222: {  	v35 =	vmul.f32 v31, v14;
	v34 =	vmul.f32 v32, v16  }
0x223: {  	v36 =	vld [tilespmem:s24+$0x0];
	v31 =	vmul.f32 v31, v9;
	v37 =	vmul.f32 v32, v8  }
0x224: {  	v38 =	vmul.f32 v32, v11;
	v55 =	vmul.f32 v29, v13;
	v33 =	vadd.f32 v34, v33  }
0x225: {  	v56 =	vmul.f32 v32, v10;
	v57 =	vmul.f32 v29, v5;
	v30 =	vadd.f32 v37, v30  }
0x226: {  	v39 =	vmovc v25;
	v58 =	vmul.f32 v29, v6;
	v35 =	vadd.f32 v38, v35;
	v33 =	vadd.f32 v55, v33  }
0x227: {  	p3 =	sne.s32 s2, $0x1;
	v42 =	vmovc v27;
	v29 =	vmul.f32 v29, v7;
	v31 =	vadd.f32 v56, v31;
	v59 =	vadd.f32 v57, v30  }
.Ltmp29:
0x228: {  	v43 =	vmovc v26;
	v45 =	vmovc v25;
	v44 =	vmov v24;
	v60 =	vadd.f32 v58, v35;
	v30 =	vadd.f32 v33, v36;
	(pc) =	sbr.rel @!p3 .LBB2_46-.Ltmp29, $4  }
0x229: {  	v46 =	vmovc v24;
	v40 =	vmovc v19;
	v41 =	vmov v21;
	v61 =	vadd.f32 v29, v31;
	v37 =	vmov v27  }
0x22a: {  	s20 =	sadd.s32 $0x10, s28;
	v38 =	vmovc v26;
	v62 =	vadd.f32 v59, v36;
	v50 =	vadd.f32 v60, v36;
	v29 =	vmax.f32 v23, v30  }
0x22b: {  	s21 =	sadd.s32 $0x10, s26;
	s22 =	sadd.s32 $0xFFFFFFFF, s2;
	v31 =	vld [tilespmem:s20+$0x0];
	v34 =	vmovc v23;
	v48 =	vadd.f32 v61, v36;
	v36 =	vmovc v20;
	v35 =	vmov v22;
	v63 =	vmax.f32 v22, v29  }
0x22c: {  	p2 =	por $0x1, $0x1;
	s18 =	smov.u32 s25;
	s19 =	smov.u32 s24;
	v32 =	vld [tilespmem:s21+$0x0];
	v47 =	vmin.f32 v28, v62;
	v49 =	vmax.f32 v28, v62;
	v33 =	vmovc v18;
	v17 =	vmin.f32 v17, v63  }
.LBB2_47:
0x22d: {  	p3 =	sne.s32 s22, $0x1;
	v28 =	vmax.f32 v33, v50;
	v33 =	vmin.f32 v33, v50;
	v37 =	vmin.f32 v37, v48;
	s18 =	sadd.s32 $0x10, s18  }
0x22e: {  	v38 =	vmin.f32 v38, v49;
	v48 =	vmax.f32 v42, v48;
	v50 =	vld [tilespmem:s18+$0x0];
	v39 =	vmin.f32 v39, v28;
	v42 =	vmovc v37  }
0x22f: {  	v49 =	vmax.f32 v43, v49;
	v28 =	vmax.f32 v45, v28;
	v44 =	vmin.f32 v44, v48;
	v43 =	vmovc v38  }
0x230: {  	v48 =	vmax.f32 v46, v48;
	v45 =	vmovc v39;
	v51 =	vmul.f32 v31, v12;
	v52 =	vmul.f32 v31, v14  }
0x231: {  	s19 =	sadd.s32 $0x10, s19;
	v40 =	vmin.f32 v40, v49;
	v46 =	vmovc v44;
	v53 =	vmul.f32 v31, v15;
	v54 =	vmul.f32 v32, v16  }
0x232: {  	v41 =	vmin.f32 v41, v28;
	v55 =	vmul.f32 v32, v8;
	v56 =	vmul.f32 v32, v11;
	v49 =	vld [tilespmem:s19+$0x0]  }
0x233: {  	v28 =	vmul.f32 v31, v9;
	v31 =	vadd.f32 v54, v53;
	v53 =	vmul.f32 v50, v13  }
0x234: {  	v32 =	vmul.f32 v32, v10;
	v51 =	vadd.f32 v55, v51;
	v52 =	vadd.f32 v56, v52  }
0x235: {  	v54 =	vmul.f32 v50, v5;
	v55 =	vmul.f32 v50, v6;
	v31 =	vadd.f32 v53, v31  }
0x236: {  	v36 =	vmin.f32 v36, v48;
	v28 =	vadd.f32 v32, v28;
	v32 =	vmul.f32 v50, v7  }
.Ltmp30:
0x237: {  	v48 =	vadd.f32 v54, v51;
	v31 =	vadd.f32 v31, v49;
	(pc) =	sbr.rel @p3 .LBB2_47-.Ltmp30, $4  }
0x238: {  	v34 =	vmin.f32 v34, v30;
	v50 =	vadd.f32 v55, v52;
	v28 =	vadd.f32 v32, v28  }
0x239: {  	s20 =	sadd.s32 $0x10, s20;
	v35 =	vmin.f32 v35, v29;
	v51 =	vadd.f32 v48, v49;
	v29 =	vmax.f32 v34, v31;
	v30 =	vmovc v31  }
0x23a: {  	s21 =	sadd.s32 $0x10, s21;
	v50 =	vadd.f32 v50, v49;
	v48 =	vadd.f32 v28, v49;
	v31 =	vld [tilespmem:s20+$0x0];
	v28 =	vmax.f32 v35, v29  }
0x23b: {  	s22 =	sadd.s32 $0xFFFFFFFF, s22;
	v49 =	vmax.f32 v47, v51;
	v47 =	vmin.f32 v47, v51;
	v32 =	vld [tilespmem:s21+$0x0];
	v17 =	vmin.f32 v17, v28  }
0x23c: {  	v28 =	vmov v47  }
.LBB2_49:
0x23d: {  	v47 =	vmin.f32 @p2 v33, v50;
	v33 =	vmax.f32 @p2 v33, v50;
	v37 =	vmin.f32 @p2 v37, v48  }
0x23e: {  	v38 =	vmin.f32 @p2 v38, v49;
	v42 =	vmax.f32 @p2 v42, v48;
	v39 =	vmin.f32 @p2 v39, v33  }
0x23f: {  	s2 =	sadd.s32 @p2 $0x10, s18;
	s3 =	smov.u32 s25;
	v37 =	vpsel p2, v37, v27;
	v27 =	vmax.f32 @p2 v43, v49;
	v33 =	vmax.f32 @p2 v45, v33  }
0x240: {  	s3 =	smov.u32 @p2 s2;
	v43 =	vmin.f32 @p2 v44, v42;
	v38 =	vpsel p2, v38, v26;
	v26 =	vmax.f32 @p2 v46, v42  }
0x241: {  	v63 =	vpsel p2, v47, v18;
	v57 =	vld [tilespmem:s3+$0x0];
	v12 =	vmul.f32 v31, v12;
	v14 =	vmul.f32 v31, v14  }
0x242: {  	v39 =	vpsel p2, v39, v25;
	v15 =	vmul.f32 v31, v15;
	v9 =	vmul.f32 v31, v9  }
0x243: {  	v25 =	vmin.f32 @p2 v40, v27;
	v16 =	vmul.f32 v32, v16;
	v8 =	vmul.f32 v32, v8  }
0x244: {  	s2 =	sadd.s32 @p2 $0x10, s19;
	s3 =	smov.u32 s24;
	v58 =	vpsel p2, v43, v24;
	v11 =	vmul.f32 v32, v11;
	v10 =	vmul.f32 v32, v10  }
0x245: {  	v27 =	vmin.f32 @p2 v41, v33;
	s3 =	smov.u32 @p2 s2;
	v15 =	vadd.f32 v16, v15;
	v8 =	vadd.f32 v8, v12  }
0x246: {  	v24 =	vld [tilespmem:s3+$0x0];
	v11 =	vadd.f32 v11, v14;
	v9 =	vadd.f32 v10, v9;
	v13 =	vmul.f32 v57, v13  }
0x247: {  	v10 =	vmin.f32 @p2 v36, v26;
	v5 =	vmul.f32 v57, v5;
	v6 =	vmul.f32 v57, v6  }
0x248: {  	v16 =	vpsel p2, v27, v21;
	v7 =	vmul.f32 v57, v7;
	v59 =	vadd.f32 v13, v15  }
0x249: {  	v10 =	vpsel p2, v10, v20;
	v5 =	vadd.f32 v5, v8;
	v6 =	vadd.f32 v6, v11  }
0x24a: {  	v7 =	vadd.f32 v7, v9;
	v9 =	vmin.f32 @p2 v34, v30;
	v11 =	vmin.f32 @p2 v35, v29  }
0x24b: {  	v15 =	vpsel p2, v25, v19;
	v60 =	vadd.f32 v59, v24;
	v5 =	vadd.f32 v5, v24  }
0x24c: {  	v9 =	vpsel p2, v9, v23;
	v11 =	vpsel p2, v11, v22;
	v6 =	vadd.f32 v6, v24  }
0x24d: {  	v7 =	vadd.f32 v7, v24;
	v12 =	vmax.f32 v9, v60;
	v62 =	vmin.f32 v28, v5  }
0x24e: {  	v5 =	vmax.f32 v28, v5;
	v18 =	vmin.f32 v63, v6;
	v6 =	vmax.f32 v63, v6  }
0x24f: {  	v27 =	vmin.f32 v37, v7;
	v7 =	vmax.f32 v37, v7;
	v23 =	vmin.f32 v9, v60  }
0x250: {  	v61 =	vmax.f32 v11, v12;
	v26 =	vmin.f32 v38, v5;
	v25 =	vmin.f32 v39, v6  }
0x251: {  	v5 =	vmax.f32 v38, v5;
	v6 =	vmax.f32 v39, v6;
	v24 =	vmin.f32 v58, v7  }
0x252: {  	v7 =	vmax.f32 v58, v7;
	v22 =	vmin.f32 v11, v12;
	v17 =	vmin.f32 v17, v61  }
0x253: {  	v28 =	vmovc v62;
	v19 =	vmin.f32 v15, v5;
	v21 =	vmin.f32 v16, v6;
	v20 =	vmin.f32 v10, v7  }
.LBB2_50:
0x254: {  	(v2sf) =	vpush v2, $0xC  }
0x255: {  	(v2sf) =	vpush v3, $0xC  }
0x256: {  	(v2sf) =	vpush v4, $0xC  }
0x257: {  	(v2sf) =	vpush v2, $0xD  }
0x258: {  	(v2sf) =	vpush v3, $0xD  }
0x259: {  	(v2sf) =	vpush v4, $0xD  }
0x25a: {  	(v2sf) =	vpush v2, $0xE  }
0x25b: {  	(v2sf) =	vpush v3, $0xE  }
0x25c: {  	(v2sf) =	vpush v4, $0xE  }
0x25d: {  	(v2sf) =	vpush v2, $0xF;
	_ =	sdelay $0x1  }
0x25e: {  	(v2sf) =	vpush v3, $0xF  }
0x25f: {  	(v2sf) =	vpush v4, $0xF;
	_ =	sdelay $0x2  }
0x260: {  	s2 =	spop (v2sf)  }
0x261: {  	s3 =	spop (v2sf);
	s2 =	smul.f32 $-2.000000000e+00, s2  }
0x262: {  	s4 =	spop (v2sf);
	s3 =	smul.f32 $-2.000000000e+00, s3  }
0x263: {  	s5 =	spop (v2sf);
	s4 =	smul.f32 $-2.000000000e+00, s4  }
0x264: {  	[tilespmem:s1+$0x2180] =	vst v28;
	s6 =	spop (v2sf);
	s5 =	smul.f32 $-2.000000000e+00, s5  }
0x265: {  	[tilespmem:s1+$0x2190] =	vst v26;
	s8 =	spop (v2sf);
	s6 =	smul.f32 $-2.000000000e+00, s6  }
0x266: {  	[tilespmem:s1+$0x21A0] =	vst v19;
	s18 =	spop (v2sf);
	s8 =	smul.f32 $-2.000000000e+00, s8  }
0x267: {  	[tilespmem:s1+$0x21B0] =	vst v18;
	s19 =	spop (v2sf);
	s18 =	smul.f32 $-2.000000000e+00, s18  }
0x268: {  	[tilespmem:s1+$0x21C0] =	vst v25;
	s20 =	spop (v2sf);
	s19 =	smul.f32 $-2.000000000e+00, s19  }
0x269: {  	[tilespmem:s1+$0x21D0] =	vst v21;
	s21 =	spop (v2sf);
	s20 =	smul.f32 $-2.000000000e+00, s20  }
0x26a: {  	[tilespmem:s1+$0x21E0] =	vst v27;
	v9 =	vmov s2;
	s2 =	smul.f32 $-2.000000000e+00, s21  }
.Ltmp31:
0x26b: {  	[tilespmem:s1+$0x21F0] =	vst v24;
	s22 =	spop (v2sf);
	(pc) =	sbr.rel @p0 .LBB2_51-.Ltmp31, $4  }
0x26c: {  	[tilespmem:s1+$0x2200] =	vst v20;
	v14 =	vimm.f32 $+Inf;
	v5 =	vmov s3;
	v11 =	vmov s5;
	s21 =	spop (v2sf);
	s5 =	smul.f32 $-2.000000000e+00, s22  }
0x26d: {  	[tilespmem:s1+$0x2210] =	vst v23;
	v2 =	vmov s4;
	v8 =	vmov s6;
	v3 =	vmov s8;
	s22 =	smul.f32 $-2.000000000e+00, s21  }
0x26e: {  	[tilespmem:s1+$0x2220] =	vst v22;
	v6 =	vmov s18;
	v7 =	vmov s19;
	v4 =	vmov s20  }
0x26f: {  	[tilespmem:s1+$0x2230] =	vst v17;
	v12 =	vmov s2;
	v13 =	vmov s5;
	v10 =	vmov s22  }
0x270: {  	p2 =	sne.s32 s30, $0x1  }
.Ltmp32:
0x271: {  	_ = 	snop;
	(pc) =	sbr.rel @!p2 .LBB2_53-.Ltmp32, $4  }
0x272: {  	_ = 	snop  }
0x273: {  	s2 =	simm.s32 $0x0  }
0x274: {  	s3 =	simm.s32 $0x800;
	s19 =	simm.s32 $0x1000;
	v19 =	vld [tilespmem:s2+$0x0]  }
0x275: {  	s18 =	simm.s32 $0x1800;
	p0 =	por $0x0, $0x0;
	v20 =	vld [tilespmem:s3+$0x0];
	s3 =	sadd.s32 $0xFFFFFFFF, s30  }
0x276: {  	_ = 	snop  }
0x277: {  	v15 =	vld [tilespmem:s19+$0x0];
	v26 =	vimm.f32 $+Inf  }
0x278: {  	v31 =	vimm.f32 $+Inf;
	v32 =	vimm.f32 $+Inf;
	v33 =	vimm.f32 $+Inf  }
0x279: {  	v28 =	vimm.f32 $+Inf;
	v34 =	vimm.f32 $+Inf;
	v16 =	vmul.f32 v19, v9  }
0x27a: {  	v29 =	vimm.f32 $+Inf;
	v17 =	vmul.f32 v19, v12;
	v18 =	vmul.f32 v20, v13  }
0x27b: {  	v22 =	vld [tilespmem:s18+$0x0];
	v27 =	vimm.f32 $+Inf;
	v21 =	vmul.f32 v19, v11;
	v23 =	vmul.f32 v20, v5  }
0x27c: {  	v24 =	vmul.f32 v20, v8;
	v17 =	vadd.f32 v18, v17;
	v18 =	vmul.f32 v15, v10  }
0x27d: {  	v19 =	vmul.f32 v19, v6;
	v20 =	vmul.f32 v20, v7;
	v16 =	vadd.f32 v23, v16  }
0x27e: {  	v21 =	vadd.f32 v24, v21;
	v23 =	vmul.f32 v15, v2;
	v17 =	vadd.f32 v18, v17  }
0x27f: {  	v24 =	vmul.f32 v15, v3;
	v19 =	vadd.f32 v20, v19;
	v15 =	vmul.f32 v15, v4  }
0x280: {  	p2 =	sne.s32 s3, $0x1;
	v25 =	vimm.f32 $+Inf;
	v16 =	vadd.f32 v23, v16;
	v18 =	vadd.f32 v17, v22  }
.Ltmp33:
0x281: {  	v30 =	vimm.f32 $+Inf;
	v20 =	vadd.f32 v24, v21;
	v15 =	vadd.f32 v15, v19;
	(pc) =	sbr.rel @!p2 .LBB2_55-.Ltmp33, $4  }
0x282: {  	v21 =	vimm.f32 $+Inf;
	v16 =	vadd.f32 v16, v22;
	v17 =	vmax.f32 v14, v18  }
0x283: {  	s22 =	simm.s32 $0x10;
	v37 =	vadd.f32 v20, v22;
	v35 =	vadd.f32 v15, v22;
	v19 =	vmax.f32 v14, v17  }
0x284: {  	s2 =	simm.s32 $0x810;
	s3 =	sadd.s32 $0xFFFFFFFF, s3;
	v15 =	vmin.f32 v14, v16;
	v36 =	vmax.f32 v14, v16;
	v16 =	vmin.f32 v14, v19;
	v19 =	vld [tilespmem:s22+$0x0]  }
0x285: {  	p0 =	por $0x1, $0x1;
	s21 =	simm.s32 $0x1000;
	s20 =	simm.s32 $0x1800;
	v23 =	vimm.f32 $+Inf;
	v24 =	vimm.f32 $+Inf;
	v20 =	vld [tilespmem:s2+$0x0];
	v22 =	vimm.f32 $+Inf  }
.LBB2_56:
0x286: {  	p2 =	sne.s32 s3, $0x1;
	v38 =	vmax.f32 v21, v37;
	v21 =	vmin.f32 v21, v37;
	v23 =	vmin.f32 v23, v35;
	s21 =	sadd.s32 $0x10, s21  }
0x287: {  	v24 =	vmin.f32 v24, v36;
	v35 =	vmax.f32 v31, v35;
	v37 =	vld [tilespmem:s21+$0x0];
	v26 =	vmin.f32 v26, v38;
	v31 =	vmovc v23  }
0x288: {  	v36 =	vmax.f32 v32, v36;
	v38 =	vmax.f32 v33, v38;
	v28 =	vmin.f32 v28, v35;
	v32 =	vmovc v24  }
0x289: {  	v35 =	vmax.f32 v34, v35;
	v33 =	vmovc v26;
	v39 =	vmul.f32 v19, v9;
	v40 =	vmul.f32 v19, v11  }
0x28a: {  	s20 =	sadd.s32 $0x10, s20;
	v29 =	vmin.f32 v29, v36;
	v34 =	vmovc v28;
	v41 =	vmul.f32 v19, v12;
	v42 =	vmul.f32 v20, v13  }
0x28b: {  	v27 =	vmin.f32 v27, v38;
	v43 =	vmul.f32 v20, v5;
	v44 =	vmul.f32 v20, v8;
	v36 =	vld [tilespmem:s20+$0x0]  }
0x28c: {  	v19 =	vmul.f32 v19, v6;
	v38 =	vadd.f32 v42, v41;
	v41 =	vmul.f32 v37, v10  }
0x28d: {  	v20 =	vmul.f32 v20, v7;
	v39 =	vadd.f32 v43, v39;
	v40 =	vadd.f32 v44, v40  }
0x28e: {  	v42 =	vmul.f32 v37, v2;
	v43 =	vmul.f32 v37, v3;
	v38 =	vadd.f32 v41, v38  }
0x28f: {  	v25 =	vmin.f32 v25, v35;
	v19 =	vadd.f32 v20, v19;
	v20 =	vmul.f32 v37, v4  }
.Ltmp34:
0x290: {  	v35 =	vadd.f32 v42, v39;
	v37 =	vadd.f32 v38, v36;
	(pc) =	sbr.rel @p2 .LBB2_56-.Ltmp34, $4  }
0x291: {  	v22 =	vmin.f32 v22, v18;
	v20 =	vadd.f32 v20, v19;
	v38 =	vadd.f32 v43, v40  }
0x292: {  	s22 =	sadd.s32 $0x10, s22;
	v30 =	vmin.f32 v30, v17;
	v39 =	vadd.f32 v35, v36;
	v17 =	vmax.f32 v22, v37;
	v18 =	vmovc v37  }
0x293: {  	s2 =	sadd.s32 $0x10, s2;
	v35 =	vadd.f32 v20, v36;
	v37 =	vadd.f32 v38, v36;
	v19 =	vld [tilespmem:s22+$0x0];
	v38 =	vmax.f32 v30, v17  }
0x294: {  	s3 =	sadd.s32 $0xFFFFFFFF, s3;
	v36 =	vmax.f32 v15, v39;
	v15 =	vmin.f32 v15, v39;
	v20 =	vld [tilespmem:s2+$0x0];
	v16 =	vmin.f32 v16, v38  }
.LBB2_57:
0x295: {  	v38 =	vmin.f32 @p0 v21, v37;
	v21 =	vmax.f32 @p0 v21, v37;
	v23 =	vmin.f32 @p0 v23, v35  }
0x296: {  	v24 =	vmin.f32 @p0 v24, v36;
	v31 =	vmax.f32 @p0 v31, v35;
	v32 =	vmax.f32 @p0 v32, v36  }
0x297: {  	s2 =	sadd.s32 @p0 $0x10, s21;
	v18 =	vmin.f32 @p0 v22, v18;
	v17 =	vmin.f32 @p0 v30, v17;
	v26 =	vmin.f32 @p0 v26, v21  }
0x298: {  	s19 =	smov.u32 @p0 s2;
	v23 =	vpsel p0, v23, v14;
	v21 =	vmax.f32 @p0 v33, v21;
	v28 =	vmin.f32 @p0 v28, v31  }
0x299: {  	v24 =	vpsel p0, v24, v14;
	v31 =	vmax.f32 @p0 v34, v31;
	v29 =	vmin.f32 @p0 v29, v32;
	v49 =	vld [tilespmem:s19+$0x0]  }
0x29a: {  	v60 =	vpsel p0, v18, v14;
	v50 =	vmul.f32 v19, v9;
	v51 =	vmul.f32 v19, v11  }
0x29b: {  	s2 =	sadd.s32 @p0 $0x10, s20;
	v62 =	vpsel p0, v17, v14;
	v52 =	vmul.f32 v19, v12;
	v19 =	vmul.f32 v19, v6  }
0x29c: {  	v26 =	vpsel p0, v26, v14;
	s18 =	smov.u32 @p0 s2;
	v53 =	vmul.f32 v20, v13;
	v39 =	vmul.f32 v20, v5  }
0x29d: {  	v21 =	vmin.f32 @p0 v27, v21;
	v54 =	vld [tilespmem:s18+$0x0];
	v40 =	vmul.f32 v20, v8;
	v20 =	vmul.f32 v20, v7  }
0x29e: {  	v27 =	vadd.f32 v53, v52;
	v33 =	vadd.f32 v39, v50;
	v55 =	vmul.f32 v49, v10  }
0x29f: {  	v36 =	vadd.f32 v40, v51;
	v56 =	vmul.f32 v49, v2;
	v57 =	vmul.f32 v49, v3  }
0x2a0: {  	v19 =	vadd.f32 v20, v19;
	v20 =	vmul.f32 v49, v4;
	v27 =	vadd.f32 v55, v27  }
0x2a1: {  	v28 =	vpsel p0, v28, v14;
	v58 =	vadd.f32 v56, v33;
	v59 =	vadd.f32 v57, v36  }
0x2a2: {  	v25 =	vmin.f32 @p0 v25, v31;
	v19 =	vadd.f32 v20, v19;
	v27 =	vadd.f32 v27, v54  }
0x2a3: {  	v29 =	vpsel p0, v29, v14;
	v21 =	vpsel p0, v21, v14;
	v20 =	vadd.f32 v58, v54  }
0x2a4: {  	v18 =	vadd.f32 v59, v54;
	v19 =	vadd.f32 v19, v54;
	v61 =	vmax.f32 v60, v27  }
0x2a5: {  	v63 =	vmin.f32 v15, v20;
	v22 =	vmax.f32 v15, v20;
	v17 =	vmax.f32 v62, v61  }
0x2a6: {  	v15 =	vmin.f32 v16, v17;
	v16 =	vpsel p0, v38, v14;
	v14 =	vpsel p0, v25, v14  }
.Ltmp35:
0x2a7: {  	v17 =	vmin.f32 v16, v18;
	v25 =	vmax.f32 v16, v18;
	v18 =	vmin.f32 v23, v19;
	(pc) =	sbr.rel .LBB2_58-.Ltmp35, $4  }
0x2a8: {  	v16 =	vmin.f32 v24, v22;
	v23 =	vmax.f32 v23, v19;
	v22 =	vmax.f32 v24, v22  }
0x2a9: {  	v20 =	vmin.f32 v26, v25;
	v24 =	vmax.f32 v26, v25;
	v19 =	vmin.f32 v28, v23  }
0x2aa: {  	v25 =	vmax.f32 v28, v23;
	v22 =	vmin.f32 v29, v22;
	v26 =	vmin.f32 v60, v27  }
0x2ab: {  	v27 =	vmin.f32 v62, v61;
	v23 =	vmin.f32 v21, v24;
	v25 =	vmin.f32 v14, v25;
	v14 =	vmovc v63  }
.LBB2_51:
0x2ac: {  	v16 =	vimm.f32 $+Inf;
	v22 =	vimm.f32 $+Inf  }
0x2ad: {  	v17 =	vimm.f32 $+Inf;
	v20 =	vimm.f32 $+Inf;
	v23 =	vimm.f32 $+Inf  }
0x2ae: {  	v18 =	vimm.f32 $+Inf;
	v19 =	vimm.f32 $+Inf;
	v25 =	vimm.f32 $+Inf  }
0x2af: {  	v26 =	vimm.f32 $+Inf;
	v27 =	vimm.f32 $+Inf;
	v15 =	vimm.f32 $+Inf  }
.LBB2_58:
0x2b0: {  	v21 =	vld [tilespmem:s0+$0x0]  }
0x2b1: {  	v24 =	vld [tilespmem:s0+$0x800];
	_ =	sdelay $0x1  }
0x2b2: {  	v28 =	vld [tilespmem:s0+$0x1000];
	_ =	sdelay $0x2  }
0x2b3: {  	v29 =	vmul.f32 v21, v9;
	v30 =	vmul.f32 v24, v5  }
0x2b4: {  	v31 =	vld [tilespmem:s0+$0x1800];
	vm0 =	veq.s32 v0, $0xC;
	vm13 =	veq.s32 v0, $0xD  }
0x2b5: {  	v32 =	vmul.f32 v21, v11;
	v29 =	vadd.f32 v30, v29;
	v30 =	vmul.f32 v28, v2  }
0x2b6: {  	vm14 =	veq.s32 v0, $0xE;
	v33 =	vmul.f32 v24, v8;
	v59 =	vmul.f32 v28, v3  }
0x2b7: {  	v60 =	vmul.f32 v21, v6;
	v34 =	vmul.f32 v24, v7;
	v29 =	vadd.f32 v30, v29  }
0x2b8: {  	v21 =	vmul.f32 v21, v12;
	v24 =	vmul.f32 v24, v13;
	v30 =	vadd.f32 v33, v32  }
0x2b9: {  	v62 =	vmul.f32 v28, v4;
	v33 =	vadd.f32 v34, v60;
	v29 =	vadd.f32 v29, v31  }
0x2ba: {  	vm15 =	veq.s32 v0, $0xF;
	v24 =	vadd.f32 v24, v21;
	v30 =	vadd.f32 v59, v30  }
0x2bb: {  	v28 =	vmul.f32 v28, v10;
	v63 =	vadd.f32 v62, v33;
	v61 =	vsel vm0, $0x7F800000, v29  }
0x2bc: {  	v30 =	vadd.f32 v30, v31;
	v29 =	vmin.f32 v14, v61;
	v14 =	vmax.f32 v14, v61  }
0x2bd: {  	v24 =	vadd.f32 v28, v24;
	v21 =	vmin.f32 v16, v14;
	v14 =	vmax.f32 v16, v14  }
0x2be: {  	v28 =	vadd.f32 v63, v31;
	v16 =	vmin.f32 v22, v14;
	v22 =	vsel vm13, $0x7F800000, v30  }
0x2bf: {  	v24 =	vadd.f32 v24, v31;
	v14 =	vmin.f32 v17, v22;
	v17 =	vmax.f32 v17, v22  }
.Ltmp36:
0x2c0: {  	v22 =	vmin.f32 v20, v17;
	v17 =	vmax.f32 v20, v17;
	v20 =	vsel vm14, $0x7F800000, v28;
	(pc) =	sbr.rel @p1 .LBB2_66-.Ltmp36, $4  }
0x2c1: {  	v28 =	vsel vm15, $0x7F800000, v24;
	v17 =	vmin.f32 v23, v17;
	v23 =	vmax.f32 v18, v20  }
0x2c2: {  	v24 =	vmin.f32 v18, v20;
	v30 =	vmax.f32 v26, v28;
	v18 =	vmax.f32 v19, v23  }
0x2c3: {  	v20 =	vmin.f32 v26, v28;
	v18 =	vmin.f32 v25, v18;
	v25 =	vmax.f32 v27, v30  }
0x2c4: {  	v23 =	vmin.f32 v19, v23;
	v19 =	vmin.f32 v27, v30;
	v15 =	vmin.f32 v15, v25  }
0x2c5: {  	p1 =	sne.s32 s29, $0x1  }
.Ltmp37:
0x2c6: {  	_ = 	snop;
	(pc) =	sbr.rel @!p1 .LBB2_60-.Ltmp37, $3  }
0x2c7: {  	_ =	sdelay $0x1  }
0x2c8: {  	v27 =	vld [tilespmem:s28+$0x0]  }
0x2c9: {  	v28 =	vld [tilespmem:s26+$0x0];
	s0 =	sadd.s32 $0xFFFFFFFF, s29;
	p0 =	por $0x0, $0x0  }
0x2ca: {  	_ = 	snop  }
0x2cb: {  	v25 =	vld [tilespmem:s25+$0x0];
	_ =	sdelay $0x1  }
0x2cc: {  	v26 =	vmul.f32 v27, v9  }
0x2cd: {  	v30 =	vmul.f32 v27, v12;
	v31 =	vmul.f32 v28, v13  }
0x2ce: {  	v33 =	vld [tilespmem:s24+$0x0];
	v32 =	vmul.f32 v27, v11;
	v27 =	vmul.f32 v27, v6  }
0x2cf: {  	v34 =	vmul.f32 v28, v5;
	v30 =	vadd.f32 v31, v30;
	v31 =	vmul.f32 v25, v10  }
0x2d0: {  	v35 =	vmul.f32 v28, v8;
	v28 =	vmul.f32 v28, v7  }
0x2d1: {  	v62 =	vmul.f32 v25, v2;
	v26 =	vadd.f32 v34, v26;
	v30 =	vadd.f32 v31, v30  }
0x2d2: {  	v32 =	vadd.f32 v35, v32;
	v27 =	vadd.f32 v28, v27;
	v31 =	vmul.f32 v25, v3  }
0x2d3: {  	v25 =	vmul.f32 v25, v4;
	v28 =	vadd.f32 v62, v26;
	v26 =	vadd.f32 v30, v33  }
0x2d4: {  	p1 =	sne.s32 s0, $0x1;
	v30 =	vadd.f32 v31, v32  }
.Ltmp38:
0x2d5: {  	v36 =	vmovc v22;
	v39 =	vmov v24;
	v31 =	vadd.f32 v25, v27;
	v25 =	vmax.f32 v20, v26;
	(pc) =	sbr.rel @!p1 .LBB2_62-.Ltmp38, $4  }
0x2d6: {  	v40 =	vmovc v21;
	v63 =	vadd.f32 v28, v33;
	v47 =	vadd.f32 v30, v33;
	v30 =	vmax.f32 v19, v25  }
0x2d7: {  	s19 =	sadd.s32 $0x10, s28;
	v42 =	vmovc v22;
	v41 =	vmovc v23;
	v43 =	vmov v23;
	v37 =	vmov v16;
	v38 =	vmov v17  }
0x2d8: {  	s20 =	sadd.s32 $0x10, s26;
	s21 =	sadd.s32 $0xFFFFFFFF, s0;
	v34 =	vmovc v24;
	v35 =	vmovc v21;
	v27 =	vld [tilespmem:s19+$0x0];
	v32 =	vmov v19;
	v45 =	vadd.f32 v31, v33;
	v44 =	vmin.f32 v29, v63  }
0x2d9: {  	p0 =	por $0x1, $0x1;
	s0 =	smov.u32 s25;
	s18 =	smov.u32 s24;
	v28 =	vld [tilespmem:s20+$0x0];
	v46 =	vmax.f32 v29, v63;
	v33 =	vmovc v18;
	v15 =	vmin.f32 v15, v30;
	v31 =	vmovc v20;
	v30 =	vmov v14  }
.LBB2_63:
0x2da: {  	p1 =	sne.s32 s21, $0x1;
	v29 =	vmax.f32 v30, v47;
	v30 =	vmin.f32 v30, v47;
	v34 =	vmin.f32 v34, v45;
	s0 =	sadd.s32 $0x10, s0  }
0x2db: {  	v35 =	vmin.f32 v35, v46;
	v45 =	vmax.f32 v39, v45;
	v47 =	vld [tilespmem:s0+$0x0];
	v36 =	vmin.f32 v36, v29;
	v39 =	vmovc v34  }
0x2dc: {  	v46 =	vmax.f32 v40, v46;
	v29 =	vmax.f32 v42, v29;
	v41 =	vmin.f32 v41, v45;
	v40 =	vmovc v35  }
0x2dd: {  	v45 =	vmax.f32 v43, v45;
	v42 =	vmovc v36;
	v48 =	vmul.f32 v27, v9;
	v49 =	vmul.f32 v27, v11  }
0x2de: {  	s18 =	sadd.s32 $0x10, s18;
	v37 =	vmin.f32 v37, v46;
	v43 =	vmovc v41;
	v50 =	vmul.f32 v27, v12;
	v51 =	vmul.f32 v28, v13  }
0x2df: {  	v38 =	vmin.f32 v38, v29;
	v52 =	vmul.f32 v28, v5;
	v53 =	vmul.f32 v28, v8;
	v46 =	vld [tilespmem:s18+$0x0]  }
0x2e0: {  	v27 =	vmul.f32 v27, v6;
	v29 =	vadd.f32 v51, v50;
	v50 =	vmul.f32 v47, v10  }
0x2e1: {  	v28 =	vmul.f32 v28, v7;
	v48 =	vadd.f32 v52, v48;
	v49 =	vadd.f32 v53, v49  }
0x2e2: {  	v51 =	vmul.f32 v47, v2;
	v52 =	vmul.f32 v47, v3;
	v29 =	vadd.f32 v50, v29  }
0x2e3: {  	v33 =	vmin.f32 v33, v45;
	v27 =	vadd.f32 v28, v27;
	v28 =	vmul.f32 v47, v4  }
.Ltmp39:
0x2e4: {  	v45 =	vadd.f32 v51, v48;
	v29 =	vadd.f32 v29, v46;
	(pc) =	sbr.rel @p1 .LBB2_63-.Ltmp39, $4  }
0x2e5: {  	v31 =	vmin.f32 v31, v26;
	v47 =	vadd.f32 v52, v49;
	v28 =	vadd.f32 v28, v27  }
0x2e6: {  	s19 =	sadd.s32 $0x10, s19;
	v32 =	vmin.f32 v32, v25;
	v48 =	vadd.f32 v45, v46;
	v25 =	vmax.f32 v31, v29;
	v26 =	vmovc v29  }
0x2e7: {  	s20 =	sadd.s32 $0x10, s20;
	v47 =	vadd.f32 v47, v46;
	v45 =	vadd.f32 v28, v46;
	v27 =	vld [tilespmem:s19+$0x0];
	v29 =	vmax.f32 v32, v25  }
0x2e8: {  	s21 =	sadd.s32 $0xFFFFFFFF, s21;
	v46 =	vmax.f32 v44, v48;
	v44 =	vmin.f32 v44, v48;
	v28 =	vld [tilespmem:s20+$0x0];
	v15 =	vmin.f32 v15, v29  }
.Ltmp40:
0x2e9: {  	(pc) =	sbr.rel .LBB2_65-.Ltmp40, $2  }
0x2ea: {  	_ =	sdelay $0x2  }
0x2eb: {  	v29 =	vmov v44  }
.LBB2_5:
.Ltmp41:
0x2ec: {  	(pc) =	sbr.rel .LBB2_9-.Ltmp41, $4  }
0x2ed: {  	v24 =	vimm.f32 $+Inf;
	v26 =	vimm.f32 $+Inf;
	v27 =	vimm.f32 $+Inf  }
0x2ee: {  	v29 =	vimm.f32 $+Inf;
	v31 =	vimm.f32 $+Inf;
	v32 =	vimm.f32 $+Inf  }
0x2ef: {  	v30 =	vimm.f32 $+Inf;
	v28 =	vimm.f32 $+Inf;
	v25 =	vimm.f32 $+Inf  }
0x2f0: {  	s20 =	simm.s32 $0x1000;
	s19 =	simm.s32 $0x1800;
	v33 =	vimm.f32 $+Inf;
	v18 =	vimm.f32 $+Inf;
	v19 =	vimm.f32 $+Inf  }
.LBB2_21:
.Ltmp42:
0x2f1: {  	(pc) =	sbr.rel .LBB2_25-.Ltmp42, $4  }
0x2f2: {  	v24 =	vimm.f32 $+Inf;
	v26 =	vimm.f32 $+Inf;
	v27 =	vimm.f32 $+Inf  }
0x2f3: {  	v29 =	vimm.f32 $+Inf;
	v31 =	vimm.f32 $+Inf;
	v32 =	vimm.f32 $+Inf  }
0x2f4: {  	v30 =	vimm.f32 $+Inf;
	v28 =	vimm.f32 $+Inf;
	v25 =	vimm.f32 $+Inf  }
0x2f5: {  	s21 =	simm.s32 $0x1000;
	s20 =	simm.s32 $0x1800;
	v33 =	vimm.f32 $+Inf;
	v18 =	vimm.f32 $+Inf;
	v19 =	vimm.f32 $+Inf  }
.LBB2_37:
.Ltmp43:
0x2f6: {  	(pc) =	sbr.rel .LBB2_41-.Ltmp43, $4  }
0x2f7: {  	v24 =	vimm.f32 $+Inf;
	v26 =	vimm.f32 $+Inf;
	v27 =	vimm.f32 $+Inf  }
0x2f8: {  	v29 =	vimm.f32 $+Inf;
	v31 =	vimm.f32 $+Inf;
	v32 =	vimm.f32 $+Inf  }
0x2f9: {  	v30 =	vimm.f32 $+Inf;
	v28 =	vimm.f32 $+Inf;
	v25 =	vimm.f32 $+Inf  }
0x2fa: {  	s21 =	simm.s32 $0x1000;
	s20 =	simm.s32 $0x1800;
	v33 =	vimm.f32 $+Inf;
	v18 =	vimm.f32 $+Inf;
	v19 =	vimm.f32 $+Inf  }
.LBB2_53:
.Ltmp44:
0x2fb: {  	(pc) =	sbr.rel .LBB2_57-.Ltmp44, $4  }
0x2fc: {  	v21 =	vimm.f32 $+Inf;
	v23 =	vimm.f32 $+Inf;
	v24 =	vimm.f32 $+Inf  }
0x2fd: {  	v26 =	vimm.f32 $+Inf;
	v28 =	vimm.f32 $+Inf;
	v29 =	vimm.f32 $+Inf  }
0x2fe: {  	v27 =	vimm.f32 $+Inf;
	v25 =	vimm.f32 $+Inf;
	v22 =	vimm.f32 $+Inf  }
0x2ff: {  	s21 =	simm.s32 $0x1000;
	s20 =	simm.s32 $0x1800;
	v30 =	vimm.f32 $+Inf;
	v15 =	vimm.f32 $+Inf;
	v16 =	vimm.f32 $+Inf  }
.LBB2_7:
.Ltmp45:
0x300: {  	v24 =	vimm.f32 $+Inf;
	v26 =	vimm.f32 $+Inf;
	(pc) =	sbr.rel .LBB2_9-.Ltmp45, $4  }
0x301: {  	v27 =	vimm.f32 $+Inf;
	v29 =	vimm.f32 $+Inf;
	v34 =	vimm.f32 $+Inf  }
0x302: {  	v35 =	vimm.f32 $+Inf;
	v36 =	vimm.f32 $+Inf;
	v31 =	vimm.f32 $+Inf  }
0x303: {  	v37 =	vimm.f32 $+Inf;
	v32 =	vimm.f32 $+Inf;
	v30 =	vimm.f32 $+Inf  }
0x304: {  	s20 =	simm.s32 $0x1000;
	s19 =	simm.s32 $0x1800;
	v28 =	vimm.f32 $+Inf;
	v25 =	vimm.f32 $+Inf;
	v33 =	vimm.f32 $+Inf  }
.LBB2_23:
.Ltmp46:
0x305: {  	v24 =	vimm.f32 $+Inf;
	v26 =	vimm.f32 $+Inf;
	(pc) =	sbr.rel .LBB2_25-.Ltmp46, $4  }
0x306: {  	v27 =	vimm.f32 $+Inf;
	v29 =	vimm.f32 $+Inf;
	v34 =	vimm.f32 $+Inf  }
0x307: {  	v35 =	vimm.f32 $+Inf;
	v36 =	vimm.f32 $+Inf;
	v31 =	vimm.f32 $+Inf  }
0x308: {  	v37 =	vimm.f32 $+Inf;
	v32 =	vimm.f32 $+Inf;
	v30 =	vimm.f32 $+Inf  }
0x309: {  	s21 =	simm.s32 $0x1000;
	s20 =	simm.s32 $0x1800;
	v28 =	vimm.f32 $+Inf;
	v25 =	vimm.f32 $+Inf;
	v33 =	vimm.f32 $+Inf  }
.LBB2_39:
.Ltmp47:
0x30a: {  	v24 =	vimm.f32 $+Inf;
	v26 =	vimm.f32 $+Inf;
	(pc) =	sbr.rel .LBB2_41-.Ltmp47, $4  }
0x30b: {  	v27 =	vimm.f32 $+Inf;
	v29 =	vimm.f32 $+Inf;
	v34 =	vimm.f32 $+Inf  }
0x30c: {  	v35 =	vimm.f32 $+Inf;
	v36 =	vimm.f32 $+Inf;
	v31 =	vimm.f32 $+Inf  }
0x30d: {  	v37 =	vimm.f32 $+Inf;
	v32 =	vimm.f32 $+Inf;
	v30 =	vimm.f32 $+Inf  }
0x30e: {  	s21 =	simm.s32 $0x1000;
	s20 =	simm.s32 $0x1800;
	v28 =	vimm.f32 $+Inf;
	v25 =	vimm.f32 $+Inf;
	v33 =	vimm.f32 $+Inf  }
.LBB2_55:
.Ltmp48:
0x30f: {  	v21 =	vimm.f32 $+Inf;
	v23 =	vimm.f32 $+Inf;
	(pc) =	sbr.rel .LBB2_57-.Ltmp48, $4  }
0x310: {  	v24 =	vimm.f32 $+Inf;
	v26 =	vimm.f32 $+Inf;
	v31 =	vimm.f32 $+Inf  }
0x311: {  	v32 =	vimm.f32 $+Inf;
	v33 =	vimm.f32 $+Inf;
	v28 =	vimm.f32 $+Inf  }
0x312: {  	v34 =	vimm.f32 $+Inf;
	v29 =	vimm.f32 $+Inf;
	v27 =	vimm.f32 $+Inf  }
0x313: {  	s21 =	simm.s32 $0x1000;
	s20 =	simm.s32 $0x1800;
	v25 =	vimm.f32 $+Inf;
	v22 =	vimm.f32 $+Inf;
	v30 =	vimm.f32 $+Inf  }
.LBB2_12:
.Ltmp49:
0x314: {  	(pc) =	sbr.rel .LBB2_17-.Ltmp49, $3  }
0x315: {  	_ =	sdelay $0x1  }
0x316: {  	v33 =	vmovc v18;
	v37 =	vmovc v27;
	v38 =	vmov v26;
	v39 =	vmov v25;
	v44 =	vmov v24  }
0x317: {  	s1 =	smov.u32 s25;
	v40 =	vmovc v19;
	s18 =	smov.u32 s24;
	v41 =	vmovc v21;
	v36 =	vmov v20;
	v34 =	vmov v23;
	v35 =	vmov v22  }
.LBB2_28:
.Ltmp50:
0x318: {  	(pc) =	sbr.rel .LBB2_33-.Ltmp50, $3  }
0x319: {  	_ =	sdelay $0x1  }
0x31a: {  	v33 =	vmovc v18;
	v37 =	vmovc v27;
	v38 =	vmov v26;
	v39 =	vmov v25;
	v44 =	vmov v24  }
0x31b: {  	s18 =	smov.u32 s25;
	v40 =	vmovc v19;
	s19 =	smov.u32 s24;
	v41 =	vmovc v21;
	v36 =	vmov v20;
	v34 =	vmov v23;
	v35 =	vmov v22  }
.LBB2_44:
.Ltmp51:
0x31c: {  	(pc) =	sbr.rel .LBB2_49-.Ltmp51, $3  }
0x31d: {  	_ =	sdelay $0x1  }
0x31e: {  	v33 =	vmovc v18;
	v37 =	vmovc v27;
	v38 =	vmov v26;
	v39 =	vmov v25;
	v44 =	vmov v24  }
0x31f: {  	s18 =	smov.u32 s25;
	v40 =	vmovc v19;
	s19 =	smov.u32 s24;
	v41 =	vmovc v21;
	v36 =	vmov v20;
	v34 =	vmov v23;
	v35 =	vmov v22  }
.LBB2_14:
.Ltmp52:
0x320: {  	(pc) =	sbr.rel .LBB2_17-.Ltmp52, $4  }
0x321: {  	_ = 	snop  }
0x322: {  	v33 =	vmovc v18;
	v37 =	vmovc v27;
	v38 =	vmov v26;
	v39 =	vmov v25;
	v42 =	vmov v27  }
0x323: {  	v43 =	vmovc v26;
	v45 =	vmovc v25;
	v44 =	vmov v24;
	v46 =	vmov v24;
	v40 =	vmov v19  }
0x324: {  	s1 =	smov.u32 s25;
	s18 =	smov.u32 s24;
	v41 =	vmovc v21;
	v36 =	vmovc v20;
	v34 =	vmov v23;
	v35 =	vmov v22;
	v28 =	vmov v47  }
.LBB2_30:
.Ltmp53:
0x325: {  	(pc) =	sbr.rel .LBB2_33-.Ltmp53, $4  }
0x326: {  	_ = 	snop  }
0x327: {  	v33 =	vmovc v18;
	v37 =	vmovc v27;
	v38 =	vmov v26;
	v39 =	vmov v25;
	v42 =	vmov v27  }
0x328: {  	v43 =	vmovc v26;
	v45 =	vmovc v25;
	v44 =	vmov v24;
	v46 =	vmov v24;
	v40 =	vmov v19  }
0x329: {  	s18 =	smov.u32 s25;
	s19 =	smov.u32 s24;
	v41 =	vmovc v21;
	v36 =	vmovc v20;
	v34 =	vmov v23;
	v35 =	vmov v22;
	v28 =	vmov v47  }
.LBB2_46:
.Ltmp54:
0x32a: {  	(pc) =	sbr.rel .LBB2_49-.Ltmp54, $4  }
0x32b: {  	_ = 	snop  }
0x32c: {  	v33 =	vmovc v18;
	v37 =	vmovc v27;
	v38 =	vmov v26;
	v39 =	vmov v25;
	v42 =	vmov v27  }
0x32d: {  	v43 =	vmovc v26;
	v45 =	vmovc v25;
	v44 =	vmov v24;
	v46 =	vmov v24;
	v40 =	vmov v19  }
0x32e: {  	s18 =	smov.u32 s25;
	s19 =	smov.u32 s24;
	v41 =	vmovc v21;
	v36 =	vmovc v20;
	v34 =	vmov v23;
	v35 =	vmov v22;
	v28 =	vmov v47  }
.LBB2_62:
.Ltmp55:
0x32f: {  	(pc) =	sbr.rel .LBB2_65-.Ltmp55, $4  }
0x330: {  	_ = 	snop  }
0x331: {  	v30 =	vmovc v14;
	v34 =	vmovc v24;
	v35 =	vmov v21;
	v36 =	vmov v22;
	v39 =	vmov v24  }
0x332: {  	v40 =	vmovc v21;
	v42 =	vmovc v22;
	v41 =	vmov v23;
	v43 =	vmov v23;
	v37 =	vmov v16  }
0x333: {  	s0 =	smov.u32 s25;
	s18 =	smov.u32 s24;
	v38 =	vmovc v17;
	v33 =	vmovc v18;
	v31 =	vmov v20;
	v32 =	vmov v19;
	v29 =	vmov v44  }
.LBB2_68:
0x334: {  	_ =	sfence.sel $0x180000  }
0x335: {  	[bflag:$0x0] =	sbarrier.arrive $0xFFFF  }
0x336: {  	_ =	strace $0x90000047  }
0x337: {  	s0 =	stileid.u32;
	[bflag:$0x2] =	sbarrier.arrive $0xFFFF  }
0x338: {  	p0 =	sne.s32 s0, $0x0;
	s0 =	rddreg [dreg:$0x2]  }
0x339: {  	s0 =	sadd.s32 @!p0 $0x100000, s0  }
0x33a: {  	[sflag:s0] =	ssyncadd.tile.s32 @!p0 $0x1;
	_ =	shalt  }
.Lfunc_end2:
_tile_overlayer_lowered:
.L_overlay_start_2:
0x33b: {  	(tag) =	ssettag $0x2  }
0x33c: {  	s0 =	rddreg [dreg:$0x0];
	s2 =	stileid.u32  }
0x33d: {  	s1 =	rddreg [dreg:$0x1];
	p0 =	sne.s32 s2, $0x0  }
0x33e: {  	s3 =	rddreg [dreg:$0x2];
	[bflag:$0x3] =	sbarrier.arrive $0xFFFF;
	s2 =	simm.s32 @!p0 $0x1C01  }
0x33f: {  	[timem:s3], [sflag:s2] =	dma.local @!p0 [hbm:s0], s1  }
0x340: {  	s0 =	simm.s32 @!p0 $0x1  }
0x341: {  	_ =	swait.ge @!p0 [sflag:s0], s1  }
0x342: {  	s1 =	ssub.s32 @!p0 $0x0, s1;
	[sflag:s0] =	ssyncset.done @!p0 $0x0  }
0x343: {  	[sflag:s0] =	ssyncadd.s32 @!p0 s1  }
0x344: {  	[bflag:$0x3] =	sbarrier.arrive $0xFFFF  }
0x345: {  	_ =	shalt  }

</sc_bundles>
